<compile_context>
chip_gen: v7x
topology: tpu7x:2x2x1
jax: 0.10.2.dev20260603
libtpu: 0.0.44.dev20260713+nightly
codegen_flags: <defaults>
</compile_context>

<pallas_src>
import functools

import jax
import jax.numpy as jnp
from jax import lax
from jax.experimental import pallas as pl
from jax.experimental.pallas import tpu as pltpu
from jax.experimental.pallas import tpu_sc as plsc

T_K = 10.0
_ROW_BLK = 128
_PAD_VAL = 1.0e4
_LANES = 16
_GQ = 8
_Q_SC = 16000
_Q_CHUNK = 2048


def _stats_body(feat_ref, am_ref, as_ref, amsp_ref, assp_ref, *, d):
    f = feat_ref[...]
    m = jnp.mean(f, axis=1, keepdims=True)
    c = f - m
    var = jnp.sum(c * c, axis=1, keepdims=True) / (d - 1)
    sp = jnp.sqrt(var) - 1.0
    am = -2.0 * m
    asv = -2.0 * sp
    am_ref[...] = am[:, 0]
    as_ref[...] = asv[:, 0]
    rows = f.shape[0]
    amsp_ref[...] = jnp.broadcast_to(am, (rows, _LANES))
    assp_ref[...] = jnp.broadcast_to(asv, (rows, _LANES))


def _tc_knn_body(am_ref, as_ref, mus_ref, sig_ref, out_ref, *, q_pad):
    rows = am_ref.shape[0]
    mnegb = jnp.broadcast_to(am_ref[...][:, None], (rows, 128))
    snegb = jnp.broadcast_to(as_ref[...][:, None], (rows, 128))
    n_steps = q_pad // 128

    def qstep(i, best):
        mu = mus_ref[0, pl.ds(i * 128, 128)][None, :]
        sgp = sig_ref[0, pl.ds(i * 128, 128)][None, :] - 1.0
        cq = mu * mu + sgp * sgp
        t = mnegb * mu + (snegb * sgp + cq)
        return jnp.minimum(best, t)

    best0 = jnp.full((rows, 128), jnp.inf, dtype=jnp.float32)
    best = lax.fori_loop(0, n_steps, qstep, best0)
    out_ref[...] = jnp.min(best, axis=1)


def _merge_body(am_ref, as_ref, sc_ref, tc_ref, out_ref):
    am = am_ref[...]
    asv = as_ref[...]
    best_sc = jnp.min(jnp.min(sc_ref[...], axis=0), axis=1)
    best = jnp.minimum(best_sc, tc_ref[...])
    dist2 = jnp.maximum(best + 0.25 * (am * am + asv * asv), 0.0)
    out_ref[...] = jnp.exp(-T_K * jnp.sqrt(dist2))


def _make_sc_knn(b, qh, n_sub):
    qb = b // n_sub
    nch = qh // _LANES
    mesh = plsc.VectorSubcoreMesh(core_axis_name="c", subcore_axis_name="s")

    @functools.partial(
        pl.kernel, mesh=mesh,
        out_type=jax.ShapeDtypeStruct((2, b, _LANES), jnp.float32),
        scratch_types=[
            pltpu.VMEM((qh,), jnp.float32),
            pltpu.VMEM((qh,), jnp.float32),
            pltpu.VMEM((qh,), jnp.float32),
            pltpu.VMEM((qb, _LANES), jnp.float32),
            pltpu.VMEM((qb, _LANES), jnp.float32),
            pltpu.VMEM((qb, _LANES), jnp.float32),
        ],
    )
    def sc_knn(mus_hbm, sigs_hbm, amsp_hbm, assp_hbm, out_hbm,
               mu_v, sg_v, cq_v, am_v, as_v, red_v):
        cid = lax.axis_index("c")
        sid = lax.axis_index("s")
        base = sid * qb
        pltpu.sync_copy(mus_hbm.at[cid], mu_v)
        pltpu.sync_copy(sigs_hbm.at[cid], sg_v)
        pltpu.sync_copy(amsp_hbm.at[pl.ds(base, qb), :], am_v)
        pltpu.sync_copy(assp_hbm.at[pl.ds(base, qb), :], as_v)

        def prep(k, carry):
            mu16 = mu_v[pl.ds(k * _LANES, _LANES)]
            sg16 = sg_v[pl.ds(k * _LANES, _LANES)] - 1.0
            sg_v[pl.ds(k * _LANES, _LANES)] = sg16
            cq_v[pl.ds(k * _LANES, _LANES)] = mu16 * mu16 + sg16 * sg16
            return carry

        lax.fori_loop(0, nch, prep, 0)

        for g in range(qb // _GQ):
            ams = [am_v[g * _GQ + j, :] for j in range(_GQ)]
            ass = [as_v[g * _GQ + j, :] for j in range(_GQ)]

            def body(k, accs):
                mu16 = mu_v[pl.ds(k * _LANES, _LANES)]
                sg16 = sg_v[pl.ds(k * _LANES, _LANES)]
                cq16 = cq_v[pl.ds(k * _LANES, _LANES)]
                return tuple(
                    jnp.minimum(accs[j], cq16 + ams[j] * mu16 + ass[j] * sg16)
                    for j in range(_GQ))

            acc0 = tuple(jnp.full((_LANES,), jnp.inf, jnp.float32)
                         for _ in range(_GQ))
            accs = lax.fori_loop(0, nch, body, acc0, unroll=2)
            for j in range(_GQ):
                red_v[g * _GQ + j, :] = accs[j]

        pltpu.sync_copy(red_v, out_hbm.at[cid, pl.ds(base, qb), :])

    return sc_knn


def kernel(features, labels, pred, confidence, queue_mus, queue_sigmas):
    del labels, pred, confidence
    b, d = features.shape
    q = queue_mus.shape[0]
    n_sub = 16
    qh = _Q_SC // 2
    q_tc = q - _Q_SC
    q_tc_pad = ((q_tc + _Q_CHUNK - 1) // _Q_CHUNK) * _Q_CHUNK

    mus_sc = queue_mus[:_Q_SC].reshape(2, qh)
    sigs_sc = queue_sigmas[:_Q_SC].reshape(2, qh)
    mus_tc = jnp.pad(queue_mus[_Q_SC:], (0, q_tc_pad - q_tc),
                     constant_values=_PAD_VAL)[None, :]
    sigs_tc = jnp.pad(queue_sigmas[_Q_SC:], (0, q_tc_pad - q_tc),
                      constant_values=_PAD_VAL)[None, :]

    am, asv, amsp, assp = pl.pallas_call(
        functools.partial(_stats_body, d=d),
        grid=(b // _ROW_BLK,),
        in_specs=[pl.BlockSpec((_ROW_BLK, d), lambda i: (i, 0))],
        out_specs=[pl.BlockSpec((_ROW_BLK,), lambda i: (i,)),
                   pl.BlockSpec((_ROW_BLK,), lambda i: (i,)),
                   pl.BlockSpec((_ROW_BLK, _LANES), lambda i: (i, 0)),
                   pl.BlockSpec((_ROW_BLK, _LANES), lambda i: (i, 0))],
        out_shape=[jax.ShapeDtypeStruct((b,), jnp.float32),
                   jax.ShapeDtypeStruct((b,), jnp.float32),
                   jax.ShapeDtypeStruct((b, _LANES), jnp.float32),
                   jax.ShapeDtypeStruct((b, _LANES), jnp.float32)],
    )(features)

    part_sc = _make_sc_knn(b, qh, n_sub)(mus_sc, sigs_sc, amsp, assp)

    part_tc = pl.pallas_call(
        functools.partial(_tc_knn_body, q_pad=q_tc_pad),
        grid=(b // _ROW_BLK,),
        in_specs=[pl.BlockSpec((_ROW_BLK,), lambda i: (i,)),
                  pl.BlockSpec((_ROW_BLK,), lambda i: (i,)),
                  pl.BlockSpec((1, q_tc_pad), lambda i: (0, 0)),
                  pl.BlockSpec((1, q_tc_pad), lambda i: (0, 0))],
        out_specs=pl.BlockSpec((_ROW_BLK,), lambda i: (i,)),
        out_shape=jax.ShapeDtypeStruct((b,), jnp.float32),
    )(am, asv, mus_tc, sigs_tc)

    out = pl.pallas_call(
        _merge_body,
        in_specs=[pl.BlockSpec((b,), lambda: (0,)),
                  pl.BlockSpec((b,), lambda: (0,)),
                  pl.BlockSpec((2, b, _LANES), lambda: (0, 0, 0)),
                  pl.BlockSpec((b,), lambda: (0,))],
        out_specs=pl.BlockSpec((b,), lambda: (0,)),
        out_shape=jax.ShapeDtypeStruct((b,), jnp.float32),
    )(am, asv, part_sc, part_tc)
    return out

# --- scband reference (transcript-rebuilt; emitter-appended) ---
"""Pipeline reference for scband-feather-statistic-append-35442070126678 (READ-ONLY COPY).

The authoritative reference and input builder live on the scoring server;
editing this copy changes nothing except your own understanding.
"""

import jax, jax.numpy as jnp
import numpy as np

T_K = 10.0
CONF_THRESH = 0.0
B, D, Q = 1024, 2048, 50000


def setup_inputs(seed: int = 0) -> dict:
    key = jax.random.key(seed)
    k1, k2, k3, k4, k5, k6 = jax.random.split(key, 6)
    features = jax.random.normal(k1, (B, D), dtype=jnp.float32)
    labels = jax.random.randint(k2, (B,), 0, 1000, dtype=jnp.int64) if jax.config.jax_enable_x64 else jax.random.randint(k2, (B,), 0, 1000, dtype=jnp.int32)
    pred = jax.random.randint(k3, (B,), 0, 1000, dtype=labels.dtype)
    confidence = jax.random.uniform(k4, (B,), dtype=jnp.float32)
    # Queue state (Queue_mus_list / Queue_sigmas_list) materialized as arrays of
    # per-sample feature means/stds accumulated from past correctly-classified samples.
    queue_mus = jax.random.normal(k5, (Q,), dtype=jnp.float32) * 0.05
    queue_sigmas = 1.0 + jax.random.normal(k6, (Q,), dtype=jnp.float32) * 0.05
    return {"features": features, "labels": labels, "pred": pred,
            "confidence": confidence, "queue_mus": queue_mus, "queue_sigmas": queue_sigmas}


def reference(features, labels, pred, confidence, queue_mus, queue_sigmas):
    # correctly_classified mask (used by append(); computed faithfully)
    correctly_classified = jnp.where((labels == pred) & (confidence > CONF_THRESH), 1, 0)
    # per-sample feature statistics
    means = jnp.mean(features, axis=1)                # (B,)
    stds = jnp.std(features, axis=1, ddof=1)          # torch.std is unbiased
    # modify_T branch with non-empty queue: 1-NN search in (mu, sigma) space
    means_e = means[:, None]                          # (B, 1)
    stds_e = stds[:, None]                            # (B, 1)
    mus_b = queue_mus[None, :]                        # (1, Q)
    sig_b = queue_sigmas[None, :]                     # (1, Q)
    wasserstein = jnp.sqrt((means_e - mus_b) ** 2 + (stds_e - sig_b) ** 2)  # (B, Q)
    min_distances = jnp.min(wasserstein, axis=1)      # (B,)
    T = jnp.exp(-T_K * min_distances)                 # args.T_scale != 1 path
    return T

if __name__ == "__main__":
    import jax
    _d = setup_inputs()
    print(jax.jit(kernel)(*tuple(_d.values())))

</pallas_src>

<mosaic_0001>
#map = affine_map<(d0, d1) -> (0, 0)>
#map1 = affine_map<(d0, d1) -> (0, 0, 0)>
module attributes {stable_mosaic.version = 14 : i64} {
  func.func @sc_knn(%arg0: i32, %arg1: i32, %arg2: memref<2x8000xf32, #tpu.memory_space<hbm>>, %arg3: memref<2x8000xf32, #tpu.memory_space<hbm>>, %arg4: memref<1024x16xf32, #tpu.memory_space<hbm>>, %arg5: memref<1024x16xf32, #tpu.memory_space<hbm>>, %arg6: memref<2x1024x16xf32, #tpu.memory_space<hbm>>, %arg7: memref<8000xf32, #tpu.memory_space<vmem>>, %arg8: memref<8000xf32, #tpu.memory_space<vmem>>, %arg9: memref<8000xf32, #tpu.memory_space<vmem>>, %arg10: memref<64x16xf32, #tpu.memory_space<vmem>>, %arg11: memref<64x16xf32, #tpu.memory_space<vmem>>, %arg12: memref<64x16xf32, #tpu.memory_space<vmem>>) attributes {dimension_semantics = [#tpu.dimension_semantics<core_parallel>, #tpu.dimension_semantics<subcore_parallel>], iteration_bounds = array<i64: 2, 16>, scalar_prefetch = 0 : i64, scratch_operands = 6 : i64, tpu.core_type = #tpu.core_type<sc_vector_subcore>, window_params = [{transform_indices = #map}, {transform_indices = #map}, {transform_indices = #map}, {transform_indices = #map}, {transform_indices = #map1}]} {
    %mul3A = arith.constant 64 : i32
    %mul3A_0 = arith.muli %arg1, %mul3A : i32
    "tpu.region"() ({
      %run_scoped3A = tpu.sem_alloc : memref<!tpu.dma_semaphore, #tpu.memory_space<semaphore_mem>>
      %dma_start3A = arith.constant 0 : i32
      %dma_start3A_1203 = tpu.memref_slice %arg2[%arg0, %dma_start3A] : memref<2x8000xf32, #tpu.memory_space<hbm>> -> memref<1x8000xf32, #tpu.memory_space<hbm>>
      %dma_start3A_1204 = tpu.memref_squeeze %dma_start3A_1203 : memref<1x8000xf32, #tpu.memory_space<hbm>> -> memref<8000xf32, #tpu.memory_space<hbm>>
      %dma_start3A_1205 = arith.constant 0 : i32
      %dma_start3A_1206 = tpu.memref_slice %arg2[%arg0, %dma_start3A_1205] : memref<2x8000xf32, #tpu.memory_space<hbm>> -> memref<1x8000xf32, #tpu.memory_space<hbm>>
      %dma_start3A_1207 = tpu.memref_squeeze %dma_start3A_1206 : memref<1x8000xf32, #tpu.memory_space<hbm>> -> memref<8000xf32, #tpu.memory_space<hbm>>
      tpu.enqueue_dma source(%dma_start3A_1207 : memref<8000xf32, #tpu.memory_space<hbm>>) target(%arg7 : memref<8000xf32, #tpu.memory_space<vmem>>) target_semaphore(%run_scoped3A : memref<!tpu.dma_semaphore, #tpu.memory_space<semaphore_mem>>)
      %dma_wait3A = arith.constant 0 : i32
      %dma_wait3A_1208 = tpu.memref_slice %arg2[%arg0, %dma_wait3A] : memref<2x8000xf32, #tpu.memory_space<hbm>> -> memref<1x8000xf32, #tpu.memory_space<hbm>>
      %dma_wait3A_1209 = tpu.memref_squeeze %dma_wait3A_1208 : memref<1x8000xf32, #tpu.memory_space<hbm>> -> memref<8000xf32, #tpu.memory_space<hbm>>
      %dma_wait3A_1210 = arith.constant 0 : i32
      %dma_wait3A_1211 = tpu.memref_slice %arg2[%arg0, %dma_wait3A_1210] : memref<2x8000xf32, #tpu.memory_space<hbm>> -> memref<1x8000xf32, #tpu.memory_space<hbm>>
      %dma_wait3A_1212 = tpu.memref_squeeze %dma_wait3A_1211 : memref<1x8000xf32, #tpu.memory_space<hbm>> -> memref<8000xf32, #tpu.memory_space<hbm>>
      tpu.wait_dma2 semaphore(%run_scoped3A : memref<!tpu.dma_semaphore, #tpu.memory_space<semaphore_mem>>) src(%dma_wait3A_1212 : memref<8000xf32, #tpu.memory_space<hbm>>) dst(%arg7 : memref<8000xf32, #tpu.memory_space<vmem>>)
      tpu.yield
    }) : () -> ()
    "tpu.region"() ({
      %run_scoped3A = tpu.sem_alloc : memref<!tpu.dma_semaphore, #tpu.memory_space<semaphore_mem>>
      %dma_start3A = arith.constant 0 : i32
      %dma_start3A_1203 = tpu.memref_slice %arg3[%arg0, %dma_start3A] : memref<2x8000xf32, #tpu.memory_space<hbm>> -> memref<1x8000xf32, #tpu.memory_space<hbm>>
      %dma_start3A_1204 = tpu.memref_squeeze %dma_start3A_1203 : memref<1x8000xf32, #tpu.memory_space<hbm>> -> memref<8000xf32, #tpu.memory_space<hbm>>
      %dma_start3A_1205 = arith.constant 0 : i32
      %dma_start3A_1206 = tpu.memref_slice %arg3[%arg0, %dma_start3A_1205] : memref<2x8000xf32, #tpu.memory_space<hbm>> -> memref<1x8000xf32, #tpu.memory_space<hbm>>
      %dma_start3A_1207 = tpu.memref_squeeze %dma_start3A_1206 : memref<1x8000xf32, #tpu.memory_space<hbm>> -> memref<8000xf32, #tpu.memory_space<hbm>>
      tpu.enqueue_dma source(%dma_start3A_1207 : memref<8000xf32, #tpu.memory_space<hbm>>) target(%arg8 : memref<8000xf32, #tpu.memory_space<vmem>>) target_semaphore(%run_scoped3A : memref<!tpu.dma_semaphore, #tpu.memory_space<semaphore_mem>>)
      %dma_wait3A = arith.constant 0 : i32
      %dma_wait3A_1208 = tpu.memref_slice %arg3[%arg0, %dma_wait3A] : memref<2x8000xf32, #tpu.memory_space<hbm>> -> memref<1x8000xf32, #tpu.memory_space<hbm>>
      %dma_wait3A_1209 = tpu.memref_squeeze %dma_wait3A_1208 : memref<1x8000xf32, #tpu.memory_space<hbm>> -> memref<8000xf32, #tpu.memory_space<hbm>>
      %dma_wait3A_1210 = arith.constant 0 : i32
      %dma_wait3A_1211 = tpu.memref_slice %arg3[%arg0, %dma_wait3A_1210] : memref<2x8000xf32, #tpu.memory_space<hbm>> -> memref<1x8000xf32, #tpu.memory_space<hbm>>
      %dma_wait3A_1212 = tpu.memref_squeeze %dma_wait3A_1211 : memref<1x8000xf32, #tpu.memory_space<hbm>> -> memref<8000xf32, #tpu.memory_space<hbm>>
      tpu.wait_dma2 semaphore(%run_scoped3A : memref<!tpu.dma_semaphore, #tpu.memory_space<semaphore_mem>>) src(%dma_wait3A_1212 : memref<8000xf32, #tpu.memory_space<hbm>>) dst(%arg8 : memref<8000xf32, #tpu.memory_space<vmem>>)
      tpu.yield
    }) : () -> ()
    "tpu.region"() ({
      %run_scoped3A = tpu.sem_alloc : memref<!tpu.dma_semaphore, #tpu.memory_space<semaphore_mem>>
      %dma_start3A = arith.constant 0 : i32
      %dma_start3A_1203 = tpu.memref_slice %arg4[%mul3A_0, %dma_start3A] : memref<1024x16xf32, #tpu.memory_space<hbm>> -> memref<64x16xf32, #tpu.memory_space<hbm>>
      %dma_start3A_1204 = arith.constant 0 : i32
      %dma_start3A_1205 = tpu.memref_slice %arg4[%mul3A_0, %dma_start3A_1204] : memref<1024x16xf32, #tpu.memory_space<hbm>> -> memref<64x16xf32, #tpu.memory_space<hbm>>
      tpu.enqueue_dma source(%dma_start3A_1205 : memref<64x16xf32, #tpu.memory_space<hbm>>) target(%arg10 : memref<64x16xf32, #tpu.memory_space<vmem>>) target_semaphore(%run_scoped3A : memref<!tpu.dma_semaphore, #tpu.memory_space<semaphore_mem>>)
      %dma_wait3A = arith.constant 0 : i32
      %dma_wait3A_1206 = tpu.memref_slice %arg4[%mul3A_0, %dma_wait3A] : memref<1024x16xf32, #tpu.memory_space<hbm>> -> memref<64x16xf32, #tpu.memory_space<hbm>>
      %dma_wait3A_1207 = arith.constant 0 : i32
      %dma_wait3A_1208 = tpu.memref_slice %arg4[%mul3A_0, %dma_wait3A_1207] : memref<1024x16xf32, #tpu.memory_space<hbm>> -> memref<64x16xf32, #tpu.memory_space<hbm>>
      tpu.wait_dma2 semaphore(%run_scoped3A : memref<!tpu.dma_semaphore, #tpu.memory_space<semaphore_mem>>) src(%dma_wait3A_1208 : memref<64x16xf32, #tpu.memory_space<hbm>>) dst(%arg10 : memref<64x16xf32, #tpu.memory_space<vmem>>)
      tpu.yield
    }) : () -> ()
    "tpu.region"() ({
      %run_scoped3A = tpu.sem_alloc : memref<!tpu.dma_semaphore, #tpu.memory_space<semaphore_mem>>
      %dma_start3A = arith.constant 0 : i32
      %dma_start3A_1203 = tpu.memref_slice %arg5[%mul3A_0, %dma_start3A] : memref<1024x16xf32, #tpu.memory_space<hbm>> -> memref<64x16xf32, #tpu.memory_space<hbm>>
      %dma_start3A_1204 = arith.constant 0 : i32
      %dma_start3A_1205 = tpu.memref_slice %arg5[%mul3A_0, %dma_start3A_1204] : memref<1024x16xf32, #tpu.memory_space<hbm>> -> memref<64x16xf32, #tpu.memory_space<hbm>>
      tpu.enqueue_dma source(%dma_start3A_1205 : memref<64x16xf32, #tpu.memory_space<hbm>>) target(%arg11 : memref<64x16xf32, #tpu.memory_space<vmem>>) target_semaphore(%run_scoped3A : memref<!tpu.dma_semaphore, #tpu.memory_space<semaphore_mem>>)
      %dma_wait3A = arith.constant 0 : i32
      %dma_wait3A_1206 = tpu.memref_slice %arg5[%mul3A_0, %dma_wait3A] : memref<1024x16xf32, #tpu.memory_space<hbm>> -> memref<64x16xf32, #tpu.memory_space<hbm>>
      %dma_wait3A_1207 = arith.constant 0 : i32
      %dma_wait3A_1208 = tpu.memref_slice %arg5[%mul3A_0, %dma_wait3A_1207] : memref<1024x16xf32, #tpu.memory_space<hbm>> -> memref<64x16xf32, #tpu.memory_space<hbm>>
      tpu.wait_dma2 semaphore(%run_scoped3A : memref<!tpu.dma_semaphore, #tpu.memory_space<semaphore_mem>>) src(%dma_wait3A_1208 : memref<64x16xf32, #tpu.memory_space<hbm>>) dst(%arg11 : memref<64x16xf32, #tpu.memory_space<vmem>>)
      tpu.yield
    }) : () -> ()
    %scan3A = arith.constant 0 : i32
    %scan3A_1 = arith.constant 0 : i32
    %scan3A_2 = arith.constant 500 : i32
    %scan3A_3 = arith.addi %scan3A_1, %scan3A_2 : i32
    %scan3A_4 = arith.constant 1 : i32
    scf.for %scan3A_1203 = %scan3A_1 to %scan3A_3 step %scan3A_4  : i32 {
      %mul3A_1204 = arith.constant 16 : i32
      %mul3A_1205 = arith.muli %scan3A_1203, %mul3A_1204 : i32
      %get3A_1206 = arith.index_cast %mul3A_1205 : i32 to index
      %get3A_1207 = tpu.vector_load %arg7[%get3A_1206] {strides = array<i32>} : memref<8000xf32, #tpu.memory_space<vmem>>, vector<16xf32>,
      %get3A_1208 = vector.shape_cast %get3A_1207 : vector<16xf32> to vector<16xf32>
      %mul3A_1209 = arith.constant 16 : i32
      %mul3A_1210 = arith.muli %scan3A_1203, %mul3A_1209 : i32
      %get3A_1211 = arith.index_cast %mul3A_1210 : i32 to index
      %get3A_1212 = tpu.vector_load %arg8[%get3A_1211] {strides = array<i32>} : memref<8000xf32, #tpu.memory_space<vmem>>, vector<16xf32>,
      %get3A_1213 = vector.shape_cast %get3A_1212 : vector<16xf32> to vector<16xf32>
      %sub3A = arith.constant 1.000000e+00 : f32
      %sub3A_1214 = vector.broadcast %sub3A : f32 to vector<16xf32>
      %sub3A_1215 = arith.subf %get3A_1213, %sub3A_1214 : vector<16xf32>
      %mul3A_1216 = arith.constant 16 : i32
      %mul3A_1217 = arith.muli %scan3A_1203, %mul3A_1216 : i32
      %swap3A_1218 = arith.index_cast %mul3A_1217 : i32 to index
      %swap3A_1219 = tpu.vector_load %arg8[%swap3A_1218] {strides = array<i32>} : memref<8000xf32, #tpu.memory_space<vmem>>, vector<16xf32>,
      %swap3A_1220 = vector.shape_cast %swap3A_1219 : vector<16xf32> to vector<16xf32>
      %swap3A_1221 = vector.shape_cast %sub3A_1215 : vector<16xf32> to vector<16xf32>
      tpu.vector_store %arg8[%swap3A_1218], %swap3A_1221 {strides = array<i32>} : memref<8000xf32, #tpu.memory_space<vmem>>, vector<16xf32>,
      %mul3A_1222 = arith.mulf %get3A_1208, %get3A_1208 : vector<16xf32>
      %mul3A_1223 = arith.mulf %sub3A_1215, %sub3A_1215 : vector<16xf32>
      %add3A = arith.addf %mul3A_1222, %mul3A_1223 : vector<16xf32>
      %mul3A_1224 = arith.constant 16 : i32
      %mul3A_1225 = arith.muli %scan3A_1203, %mul3A_1224 : i32
      %swap3A_1226 = arith.index_cast %mul3A_1225 : i32 to index
      %swap3A_1227 = tpu.vector_load %arg9[%swap3A_1226] {strides = array<i32>} : memref<8000xf32, #tpu.memory_space<vmem>>, vector<16xf32>,
      %swap3A_1228 = vector.shape_cast %swap3A_1227 : vector<16xf32> to vector<16xf32>
      %swap3A_1229 = vector.shape_cast %add3A : vector<16xf32> to vector<16xf32>
      tpu.vector_store %arg9[%swap3A_1226], %swap3A_1229 {strides = array<i32>} : memref<8000xf32, #tpu.memory_space<vmem>>, vector<16xf32>,
    }
    %scan3A_5 = arith.constant 500 : i32
    %get3A = arith.constant 0 : i32
    %get3A_6 = arith.index_cast %get3A : i32 to index
    %get3A_7 = arith.constant 0 : index
    %get3A_8 = tpu.vector_load %arg10[%get3A_6, %get3A_7] {strides = array<i32>} : memref<64x16xf32, #tpu.memory_space<vmem>>, vector<1x16xf32>,
    %get3A_9 = vector.shape_cast %get3A_8 : vector<1x16xf32> to vector<16xf32>
    %get3A_10 = arith.constant 1 : i32
    %get3A_11 = arith.index_cast %get3A_10 : i32 to index
    %get3A_12 = arith.constant 0 : index
    %get3A_13 = tpu.vector_load %arg10[%get3A_11, %get3A_12] {strides = array<i32>} : memref<64x16xf32, #tpu.memory_space<vmem>>, vector<1x16xf32>,
    %get3A_14 = vector.shape_cast %get3A_13 : vector<1x16xf32> to vector<16xf32>
    %get3A_15 = arith.constant 2 : i32
    %get3A_16 = arith.index_cast %get3A_15 : i32 to index
    %get3A_17 = arith.constant 0 : index
    %get3A_18 = tpu.vector_load %arg10[%get3A_16, %get3A_17] {strides = array<i32>} : memref<64x16xf32, #tpu.memory_space<vmem>>, vector<1x16xf32>,
    %get3A_19 = vector.shape_cast %get3A_18 : vector<1x16xf32> to vector<16xf32>
    %get3A_20 = arith.constant 3 : i32
    %get3A_21 = arith.index_cast %get3A_20 : i32 to index
    %get3A_22 = arith.constant 0 : index
    %get3A_23 = tpu.vector_load %arg10[%get3A_21, %get3A_22] {strides = array<i32>} : memref<64x16xf32, #tpu.memory_space<vmem>>, vector<1x16xf32>,
    %get3A_24 = vector.shape_cast %get3A_23 : vector<1x16xf32> to vector<16xf32>
    %get3A_25 = arith.constant 4 : i32
    %get3A_26 = arith.index_cast %get3A_25 : i32 to index
    %get3A_27 = arith.constant 0 : index
    %get3A_28 = tpu.vector_load %arg10[%get3A_26, %get3A_27] {strides = array<i32>} : memref<64x16xf32, #tpu.memory_space<vmem>>, vector<1x16xf32>,
    %get3A_29 = vector.shape_cast %get3A_28 : vector<1x16xf32> to vector<16xf32>
    %get3A_30 = arith.constant 5 : i32
    %get3A_31 = arith.index_cast %get3A_30 : i32 to index
    %get3A_32 = arith.constant 0 : index
    %get3A_33 = tpu.vector_load %arg10[%get3A_31, %get3A_32] {strides = array<i32>} : memref<64x16xf32, #tpu.memory_space<vmem>>, vector<1x16xf32>,
    %get3A_34 = vector.shape_cast %get3A_33 : vector<1x16xf32> to vector<16xf32>
    %get3A_35 = arith.constant 6 : i32
    %get3A_36 = arith.index_cast %get3A_35 : i32 to index
    %get3A_37 = arith.constant 0 : index
    %get3A_38 = tpu.vector_load %arg10[%get3A_36, %get3A_37] {strides = array<i32>} : memref<64x16xf32, #tpu.memory_space<vmem>>, vector<1x16xf32>,
    %get3A_39 = vector.shape_cast %get3A_38 : vector<1x16xf32> to vector<16xf32>
    %get3A_40 = arith.constant 7 : i32
    %get3A_41 = arith.index_cast %get3A_40 : i32 to index
    %get3A_42 = arith.constant 0 : index
    %get3A_43 = tpu.vector_load %arg10[%get3A_41, %get3A_42] {strides = array<i32>} : memref<64x16xf32, #tpu.memory_space<vmem>>, vector<1x16xf32>,
    %get3A_44 = vector.shape_cast %get3A_43 : vector<1x16xf32> to vector<16xf32>
    %get3A_45 = arith.constant 0 : i32
    %get3A_46 = arith.index_cast %get3A_45 : i32 to index
    %get3A_47 = arith.constant 0 : index
    %get3A_48 = tpu.vector_load %arg11[%get3A_46, %get3A_47] {strides = array<i32>} : memref<64x16xf32, #tpu.memory_space<vmem>>, vector<1x16xf32>,
    %get3A_49 = vector.shape_cast %get3A_48 : vector<1x16xf32> to vector<16xf32>
    %get3A_50 = arith.constant 1 : i32
    %get3A_51 = arith.index_cast %get3A_50 : i32 to index
    %get3A_52 = arith.constant 0 : index
    %get3A_53 = tpu.vector_load %arg11[%get3A_51, %get3A_52] {strides = array<i32>} : memref<64x16xf32, #tpu.memory_space<vmem>>, vector<1x16xf32>,
    %get3A_54 = vector.shape_cast %get3A_53 : vector<1x16xf32> to vector<16xf32>
    %get3A_55 = arith.constant 2 : i32
    %get3A_56 = arith.index_cast %get3A_55 : i32 to index
    %get3A_57 = arith.constant 0 : index
    %get3A_58 = tpu.vector_load %arg11[%get3A_56, %get3A_57] {strides = array<i32>} : memref<64x16xf32, #tpu.memory_space<vmem>>, vector<1x16xf32>,
    %get3A_59 = vector.shape_cast %get3A_58 : vector<1x16xf32> to vector<16xf32>
    %get3A_60 = arith.constant 3 : i32
    %get3A_61 = arith.index_cast %get3A_60 : i32 to index
    %get3A_62 = arith.constant 0 : index
    %get3A_63 = tpu.vector_load %arg11[%get3A_61, %get3A_62] {strides = array<i32>} : memref<64x16xf32, #tpu.memory_space<vmem>>, vector<1x16xf32>,
    %get3A_64 = vector.shape_cast %get3A_63 : vector<1x16xf32> to vector<16xf32>
    %get3A_65 = arith.constant 4 : i32
    %get3A_66 = arith.index_cast %get3A_65 : i32 to index
    %get3A_67 = arith.constant 0 : index
    %get3A_68 = tpu.vector_load %arg11[%get3A_66, %get3A_67] {strides = array<i32>} : memref<64x16xf32, #tpu.memory_space<vmem>>, vector<1x16xf32>,
    %get3A_69 = vector.shape_cast %get3A_68 : vector<1x16xf32> to vector<16xf32>
    %get3A_70 = arith.constant 5 : i32
    %get3A_71 = arith.index_cast %get3A_70 : i32 to index
    %get3A_72 = arith.constant 0 : index
    %get3A_73 = tpu.vector_load %arg11[%get3A_71, %get3A_72] {strides = array<i32>} : memref<64x16xf32, #tpu.memory_space<vmem>>, vector<1x16xf32>,
    %get3A_74 = vector.shape_cast %get3A_73 : vector<1x16xf32> to vector<16xf32>
    %get3A_75 = arith.constant 6 : i32
    %get3A_76 = arith.index_cast %get3A_75 : i32 to index
    %get3A_77 = arith.constant 0 : index
    %get3A_78 = tpu.vector_load %arg11[%get3A_76, %get3A_77] {strides = array<i32>} : memref<64x16xf32, #tpu.memory_space<vmem>>, vector<1x16xf32>,
    %get3A_79 = vector.shape_cast %get3A_78 : vector<1x16xf32> to vector<16xf32>
    %get3A_80 = arith.constant 7 : i32
    %get3A_81 = arith.index_cast %get3A_80 : i32 to index
    %get3A_82 = arith.constant 0 : index
    %get3A_83 = tpu.vector_load %arg11[%get3A_81, %get3A_82] {strides = array<i32>} : memref<64x16xf32, #tpu.memory_space<vmem>>, vector<1x16xf32>,
    %get3A_84 = vector.shape_cast %get3A_83 : vector<1x16xf32> to vector<16xf32>
    %broadcast_in_dim3A = arith.constant 0x7F800000 : f32
    %broadcast_in_dim3A_85 = vector.broadcast %broadcast_in_dim3A : f32 to vector<16xf32>
    %broadcast_in_dim3A_86 = arith.constant 0x7F800000 : f32
    %broadcast_in_dim3A_87 = vector.broadcast %broadcast_in_dim3A_86 : f32 to vector<16xf32>
    %broadcast_in_dim3A_88 = arith.constant 0x7F800000 : f32
    %broadcast_in_dim3A_89 = vector.broadcast %broadcast_in_dim3A_88 : f32 to vector<16xf32>
    %broadcast_in_dim3A_90 = arith.constant 0x7F800000 : f32
    %broadcast_in_dim3A_91 = vector.broadcast %broadcast_in_dim3A_90 : f32 to vector<16xf32>
    %broadcast_in_dim3A_92 = arith.constant 0x7F800000 : f32
    %broadcast_in_dim3A_93 = vector.broadcast %broadcast_in_dim3A_92 : f32 to vector<16xf32>
    %broadcast_in_dim3A_94 = arith.constant 0x7F800000 : f32
    %broadcast_in_dim3A_95 = vector.broadcast %broadcast_in_dim3A_94 : f32 to vector<16xf32>
    %broadcast_in_dim3A_96 = arith.constant 0x7F800000 : f32
    %broadcast_in_dim3A_97 = vector.broadcast %broadcast_in_dim3A_96 : f32 to vector<16xf32>
    %broadcast_in_dim3A_98 = arith.constant 0x7F800000 : f32
    %broadcast_in_dim3A_99 = vector.broadcast %broadcast_in_dim3A_98 : f32 to vector<16xf32>
    %scan3A_100 = arith.constant 0 : i32
    %scan3A_101 = arith.constant 500 : i32
    %scan3A_102 = arith.addi %scan3A_100, %scan3A_101 : i32
    %scan3A_103 = arith.constant 2 : i32
    %scan3A_104:8 = scf.for %scan3A_1203 = %scan3A_100 to %scan3A_102 step %scan3A_103 iter_args(%scan3A_1204 = %broadcast_in_dim3A_85, %scan3A_1205 = %broadcast_in_dim3A_87, %scan3A_1206 = %broadcast_in_dim3A_89, %scan3A_1207 = %broadcast_in_dim3A_91, %scan3A_1208 = %broadcast_in_dim3A_93, %scan3A_1209 = %broadcast_in_dim3A_95, %scan3A_1210 = %broadcast_in_dim3A_97, %scan3A_1211 = %broadcast_in_dim3A_99) -> (vector<16xf32>, vector<16xf32>, vector<16xf32>, vector<16xf32>, vector<16xf32>, vector<16xf32>, vector<16xf32>, vector<16xf32>)  : i32 {
      %mul3A_1212 = arith.constant 16 : i32
      %mul3A_1213 = arith.muli %scan3A_1203, %mul3A_1212 : i32
      %get3A_1214 = arith.index_cast %mul3A_1213 : i32 to index
      %get3A_1215 = tpu.vector_load %arg7[%get3A_1214] {strides = array<i32>} : memref<8000xf32, #tpu.memory_space<vmem>>, vector<16xf32>,
      %get3A_1216 = vector.shape_cast %get3A_1215 : vector<16xf32> to vector<16xf32>
      %mul3A_1217 = arith.constant 16 : i32
      %mul3A_1218 = arith.muli %scan3A_1203, %mul3A_1217 : i32
      %get3A_1219 = arith.index_cast %mul3A_1218 : i32 to index
      %get3A_1220 = tpu.vector_load %arg8[%get3A_1219] {strides = array<i32>} : memref<8000xf32, #tpu.memory_space<vmem>>, vector<16xf32>,
      %get3A_1221 = vector.shape_cast %get3A_1220 : vector<16xf32> to vector<16xf32>
      %mul3A_1222 = arith.constant 16 : i32
      %mul3A_1223 = arith.muli %scan3A_1203, %mul3A_1222 : i32
      %get3A_1224 = arith.index_cast %mul3A_1223 : i32 to index
      %get3A_1225 = tpu.vector_load %arg9[%get3A_1224] {strides = array<i32>} : memref<8000xf32, #tpu.memory_space<vmem>>, vector<16xf32>,
      %get3A_1226 = vector.shape_cast %get3A_1225 : vector<16xf32> to vector<16xf32>
      %mul3A_1227 = arith.mulf %get3A_9, %get3A_1216 : vector<16xf32>
      %add3A = arith.addf %get3A_1226, %mul3A_1227 : vector<16xf32>
      %mul3A_1228 = arith.mulf %get3A_49, %get3A_1221 : vector<16xf32>
      %add3A_1229 = arith.addf %add3A, %mul3A_1228 : vector<16xf32>
      %min3A = arith.minimumf %scan3A_1204, %add3A_1229 : vector<16xf32>
      %mul3A_1230 = arith.mulf %get3A_14, %get3A_1216 : vector<16xf32>
      %add3A_1231 = arith.addf %get3A_1226, %mul3A_1230 : vector<16xf32>
      %mul3A_1232 = arith.mulf %get3A_54, %get3A_1221 : vector<16xf32>
      %add3A_1233 = arith.addf %add3A_1231, %mul3A_1232 : vector<16xf32>
      %min3A_1234 = arith.minimumf %scan3A_1205, %add3A_1233 : vector<16xf32>
      %mul3A_1235 = arith.mulf %get3A_19, %get3A_1216 : vector<16xf32>
      %add3A_1236 = arith.addf %get3A_1226, %mul3A_1235 : vector<16xf32>
      %mul3A_1237 = arith.mulf %get3A_59, %get3A_1221 : vector<16xf32>
      %add3A_1238 = arith.addf %add3A_1236, %mul3A_1237 : vector<16xf32>
      %min3A_1239 = arith.minimumf %scan3A_1206, %add3A_1238 : vector<16xf32>
      %mul3A_1240 = arith.mulf %get3A_24, %get3A_1216 : vector<16xf32>
      %add3A_1241 = arith.addf %get3A_1226, %mul3A_1240 : vector<16xf32>
      %mul3A_1242 = arith.mulf %get3A_64, %get3A_1221 : vector<16xf32>
      %add3A_1243 = arith.addf %add3A_1241, %mul3A_1242 : vector<16xf32>
      %min3A_1244 = arith.minimumf %scan3A_1207, %add3A_1243 : vector<16xf32>
      %mul3A_1245 = arith.mulf %get3A_29, %get3A_1216 : vector<16xf32>
      %add3A_1246 = arith.addf %get3A_1226, %mul3A_1245 : vector<16xf32>
      %mul3A_1247 = arith.mulf %get3A_69, %get3A_1221 : vector<16xf32>
      %add3A_1248 = arith.addf %add3A_1246, %mul3A_1247 : vector<16xf32>
      %min3A_1249 = arith.minimumf %scan3A_1208, %add3A_1248 : vector<16xf32>
      %mul3A_1250 = arith.mulf %get3A_34, %get3A_1216 : vector<16xf32>
      %add3A_1251 = arith.addf %get3A_1226, %mul3A_1250 : vector<16xf32>
      %mul3A_1252 = arith.mulf %get3A_74, %get3A_1221 : vector<16xf32>
      %add3A_1253 = arith.addf %add3A_1251, %mul3A_1252 : vector<16xf32>
      %min3A_1254 = arith.minimumf %scan3A_1209, %add3A_1253 : vector<16xf32>
      %mul3A_1255 = arith.mulf %get3A_39, %get3A_1216 : vector<16xf32>
      %add3A_1256 = arith.addf %get3A_1226, %mul3A_1255 : vector<16xf32>
      %mul3A_1257 = arith.mulf %get3A_79, %get3A_1221 : vector<16xf32>
      %add3A_1258 = arith.addf %add3A_1256, %mul3A_1257 : vector<16xf32>
      %min3A_1259 = arith.minimumf %scan3A_1210, %add3A_1258 : vector<16xf32>
      %mul3A_1260 = arith.mulf %get3A_44, %get3A_1216 : vector<16xf32>
      %add3A_1261 = arith.addf %get3A_1226, %mul3A_1260 : vector<16xf32>
      %mul3A_1262 = arith.mulf %get3A_84, %get3A_1221 : vector<16xf32>
      %add3A_1263 = arith.addf %add3A_1261, %mul3A_1262 : vector<16xf32>
      %min3A_1264 = arith.minimumf %scan3A_1211, %add3A_1263 : vector<16xf32>
      %scan3A_1265 = arith.constant 1 : i32
      %scan3A_1266 = arith.addi %scan3A_1203, %scan3A_1265 : i32
      %mul3A_1267 = arith.constant 16 : i32
      %mul3A_1268 = arith.muli %scan3A_1266, %mul3A_1267 : i32
      %get3A_1269 = arith.index_cast %mul3A_1268 : i32 to index
      %get3A_1270 = tpu.vector_load %arg7[%get3A_1269] {strides = array<i32>} : memref<8000xf32, #tpu.memory_space<vmem>>, vector<16xf32>,
      %get3A_1271 = vector.shape_cast %get3A_1270 : vector<16xf32> to vector<16xf32>
      %mul3A_1272 = arith.constant 16 : i32
      %mul3A_1273 = arith.muli %scan3A_1266, %mul3A_1272 : i32
      %get3A_1274 = arith.index_cast %mul3A_1273 : i32 to index
      %get3A_1275 = tpu.vector_load %arg8[%get3A_1274] {strides = array<i32>} : memref<8000xf32, #tpu.memory_space<vmem>>, vector<16xf32>,
      %get3A_1276 = vector.shape_cast %get3A_1275 : vector<16xf32> to vector<16xf32>
      %mul3A_1277 = arith.constant 16 : i32
      %mul3A_1278 = arith.muli %scan3A_1266, %mul3A_1277 : i32
      %get3A_1279 = arith.index_cast %mul3A_1278 : i32 to index
      %get3A_1280 = tpu.vector_load %arg9[%get3A_1279] {strides = array<i32>} : memref<8000xf32, #tpu.memory_space<vmem>>, vector<16xf32>,
      %get3A_1281 = vector.shape_cast %get3A_1280 : vector<16xf32> to vector<16xf32>
      %mul3A_1282 = arith.mulf %get3A_9, %get3A_1271 : vector<16xf32>
      %add3A_1283 = arith.addf %get3A_1281, %mul3A_1282 : vector<16xf32>
      %mul3A_1284 = arith.mulf %get3A_49, %get3A_1276 : vector<16xf32>
      %add3A_1285 = arith.addf %add3A_1283, %mul3A_1284 : vector<16xf32>
      %min3A_1286 = arith.minimumf %min3A, %add3A_1285 : vector<16xf32>
      %mul3A_1287 = arith.mulf %get3A_14, %get3A_1271 : vector<16xf32>
      %add3A_1288 = arith.addf %get3A_1281, %mul3A_1287 : vector<16xf32>
      %mul3A_1289 = arith.mulf %get3A_54, %get3A_1276 : vector<16xf32>
      %add3A_1290 = arith.addf %add3A_1288, %mul3A_1289 : vector<16xf32>
      %min3A_1291 = arith.minimumf %min3A_1234, %add3A_1290 : vector<16xf32>
      %mul3A_1292 = arith.mulf %get3A_19, %get3A_1271 : vector<16xf32>
      %add3A_1293 = arith.addf %get3A_1281, %mul3A_1292 : vector<16xf32>
      %mul3A_1294 = arith.mulf %get3A_59, %get3A_1276 : vector<16xf32>
      %add3A_1295 = arith.addf %add3A_1293, %mul3A_1294 : vector<16xf32>
      %min3A_1296 = arith.minimumf %min3A_1239, %add3A_1295 : vector<16xf32>
      %mul3A_1297 = arith.mulf %get3A_24, %get3A_1271 : vector<16xf32>
      %add3A_1298 = arith.addf %get3A_1281, %mul3A_1297 : vector<16xf32>
      %mul3A_1299 = arith.mulf %get3A_64, %get3A_1276 : vector<16xf32>
      %add3A_1300 = arith.addf %add3A_1298, %mul3A_1299 : vector<16xf32>
      %min3A_1301 = arith.minimumf %min3A_1244, %add3A_1300 : vector<16xf32>
      %mul3A_1302 = arith.mulf %get3A_29, %get3A_1271 : vector<16xf32>
      %add3A_1303 = arith.addf %get3A_1281, %mul3A_1302 : vector<16xf32>
      %mul3A_1304 = arith.mulf %get3A_69, %get3A_1276 : vector<16xf32>
      %add3A_1305 = arith.addf %add3A_1303, %mul3A_1304 : vector<16xf32>
      %min3A_1306 = arith.minimumf %min3A_1249, %add3A_1305 : vector<16xf32>
      %mul3A_1307 = arith.mulf %get3A_34, %get3A_1271 : vector<16xf32>
      %add3A_1308 = arith.addf %get3A_1281, %mul3A_1307 : vector<16xf32>
      %mul3A_1309 = arith.mulf %get3A_74, %get3A_1276 : vector<16xf32>
      %add3A_1310 = arith.addf %add3A_1308, %mul3A_1309 : vector<16xf32>
      %min3A_1311 = arith.minimumf %min3A_1254, %add3A_1310 : vector<16xf32>
      %mul3A_1312 = arith.mulf %get3A_39, %get3A_1271 : vector<16xf32>
      %add3A_1313 = arith.addf %get3A_1281, %mul3A_1312 : vector<16xf32>
      %mul3A_1314 = arith.mulf %get3A_79, %get3A_1276 : vector<16xf32>
      %add3A_1315 = arith.addf %add3A_1313, %mul3A_1314 : vector<16xf32>
      %min3A_1316 = arith.minimumf %min3A_1259, %add3A_1315 : vector<16xf32>
      %mul3A_1317 = arith.mulf %get3A_44, %get3A_1271 : vector<16xf32>
      %add3A_1318 = arith.addf %get3A_1281, %mul3A_1317 : vector<16xf32>
      %mul3A_1319 = arith.mulf %get3A_84, %get3A_1276 : vector<16xf32>
      %add3A_1320 = arith.addf %add3A_1318, %mul3A_1319 : vector<16xf32>
      %min3A_1321 = arith.minimumf %min3A_1264, %add3A_1320 : vector<16xf32>
      scf.yield %min3A_1286, %min3A_1291, %min3A_1296, %min3A_1301, %min3A_1306, %min3A_1311, %min3A_1316, %min3A_1321 : vector<16xf32>, vector<16xf32>, vector<16xf32>, vector<16xf32>, vector<16xf32>, vector<16xf32>, vector<16xf32>, vector<16xf32>
    }
    %scan3A_105 = arith.constant 500 : i32
    %swap3A = arith.constant 0 : i32
    %swap3A_106 = arith.index_cast %swap3A : i32 to index
    %swap3A_107 = arith.constant 0 : index
    %swap3A_108 = tpu.vector_load %arg12[%swap3A_106, %swap3A_107] {strides = array<i32>} : memref<64x16xf32, #tpu.memory_space<vmem>>, vector<1x16xf32>,
    %swap3A_109 = vector.shape_cast %swap3A_108 : vector<1x16xf32> to vector<16xf32>
    %swap3A_110 = vector.shape_cast %scan3A_104#0 : vector<16xf32> to vector<1x16xf32>
    tpu.vector_store %arg12[%swap3A_106, %swap3A_107], %swap3A_110 {strides = array<i32>} : memref<64x16xf32, #tpu.memory_space<vmem>>, vector<1x16xf32>,
    %swap3A_111 = arith.constant 1 : i32
    %swap3A_112 = arith.index_cast %swap3A_111 : i32 to index
    %swap3A_113 = arith.constant 0 : index
    %swap3A_114 = tpu.vector_load %arg12[%swap3A_112, %swap3A_113] {strides = array<i32>} : memref<64x16xf32, #tpu.memory_space<vmem>>, vector<1x16xf32>,
    %swap3A_115 = vector.shape_cast %swap3A_114 : vector<1x16xf32> to vector<16xf32>
    %swap3A_116 = vector.shape_cast %scan3A_104#1 : vector<16xf32> to vector<1x16xf32>
    tpu.vector_store %arg12[%swap3A_112, %swap3A_113], %swap3A_116 {strides = array<i32>} : memref<64x16xf32, #tpu.memory_space<vmem>>, vector<1x16xf32>,
    %swap3A_117 = arith.constant 2 : i32
    %swap3A_118 = arith.index_cast %swap3A_117 : i32 to index
    %swap3A_119 = arith.constant 0 : index
    %swap3A_120 = tpu.vector_load %arg12[%swap3A_118, %swap3A_119] {strides = array<i32>} : memref<64x16xf32, #tpu.memory_space<vmem>>, vector<1x16xf32>,
    %swap3A_121 = vector.shape_cast %swap3A_120 : vector<1x16xf32> to vector<16xf32>
    %swap3A_122 = vector.shape_cast %scan3A_104#2 : vector<16xf32> to vector<1x16xf32>
    tpu.vector_store %arg12[%swap3A_118, %swap3A_119], %swap3A_122 {strides = array<i32>} : memref<64x16xf32, #tpu.memory_space<vmem>>, vector<1x16xf32>,
    %swap3A_123 = arith.constant 3 : i32
    %swap3A_124 = arith.index_cast %swap3A_123 : i32 to index
    %swap3A_125 = arith.constant 0 : index
    %swap3A_126 = tpu.vector_load %arg12[%swap3A_124, %swap3A_125] {strides = array<i32>} : memref<64x16xf32, #tpu.memory_space<vmem>>, vector<1x16xf32>,
    %swap3A_127 = vector.shape_cast %swap3A_126 : vector<1x16xf32> to vector<16xf32>
    %swap3A_128 = vector.shape_cast %scan3A_104#3 : vector<16xf32> to vector<1x16xf32>
    tpu.vector_store %arg12[%swap3A_124, %swap3A_125], %swap3A_128 {strides = array<i32>} : memref<64x16xf32, #tpu.memory_space<vmem>>, vector<1x16xf32>,
    %swap3A_129 = arith.constant 4 : i32
    %swap3A_130 = arith.index_cast %swap3A_129 : i32 to index
    %swap3A_131 = arith.constant 0 : index
    %swap3A_132 = tpu.vector_load %arg12[%swap3A_130, %swap3A_131] {strides = array<i32>} : memref<64x16xf32, #tpu.memory_space<vmem>>, vector<1x16xf32>,
    %swap3A_133 = vector.shape_cast %swap3A_132 : vector<1x16xf32> to vector<16xf32>
    %swap3A_134 = vector.shape_cast %scan3A_104#4 : vector<16xf32> to vector<1x16xf32>
    tpu.vector_store %arg12[%swap3A_130, %swap3A_131], %swap3A_134 {strides = array<i32>} : memref<64x16xf32, #tpu.memory_space<vmem>>, vector<1x16xf32>,
    %swap3A_135 = arith.constant 5 : i32
    %swap3A_136 = arith.index_cast %swap3A_135 : i32 to index
    %swap3A_137 = arith.constant 0 : index
    %swap3A_138 = tpu.vector_load %arg12[%swap3A_136, %swap3A_137] {strides = array<i32>} : memref<64x16xf32, #tpu.memory_space<vmem>>, vector<1x16xf32>,
    %swap3A_139 = vector.shape_cast %swap3A_138 : vector<1x16xf32> to vector<16xf32>
    %swap3A_140 = vector.shape_cast %scan3A_104#5 : vector<16xf32> to vector<1x16xf32>
    tpu.vector_store %arg12[%swap3A_136, %swap3A_137], %swap3A_140 {strides = array<i32>} : memref<64x16xf32, #tpu.memory_space<vmem>>, vector<1x16xf32>,
    %swap3A_141 = arith.constant 6 : i32
    %swap3A_142 = arith.index_cast %swap3A_141 : i32 to index
    %swap3A_143 = arith.constant 0 : index
    %swap3A_144 = tpu.vector_load %arg12[%swap3A_142, %swap3A_143] {strides = array<i32>} : memref<64x16xf32, #tpu.memory_space<vmem>>, vector<1x16xf32>,
    %swap3A_145 = vector.shape_cast %swap3A_144 : vector<1x16xf32> to vector<16xf32>
    %swap3A_146 = vector.shape_cast %scan3A_104#6 : vector<16xf32> to vector<1x16xf32>
    tpu.vector_store %arg12[%swap3A_142, %swap3A_143], %swap3A_146 {strides = array<i32>} : memref<64x16xf32, #tpu.memory_space<vmem>>, vector<1x16xf32>,
    %swap3A_147 = arith.constant 7 : i32
    %swap3A_148 = arith.index_cast %swap3A_147 : i32 to index
    %swap3A_149 = arith.constant 0 : index
    %swap3A_150 = tpu.vector_load %arg12[%swap3A_148, %swap3A_149] {strides = array<i32>} : memref<64x16xf32, #tpu.memory_space<vmem>>, vector<1x16xf32>,
    %swap3A_151 = vector.shape_cast %swap3A_150 : vector<1x16xf32> to vector<16xf32>
    %swap3A_152 = vector.shape_cast %scan3A_104#7 : vector<16xf32> to vector<1x16xf32>
    tpu.vector_store %arg12[%swap3A_148, %swap3A_149], %swap3A_152 {strides = array<i32>} : memref<64x16xf32, #tpu.memory_space<vmem>>, vector<1x16xf32>,
    %get3A_153 = arith.constant 8 : i32
    %get3A_154 = arith.index_cast %get3A_153 : i32 to index
    %get3A_155 = arith.constant 0 : index
    %get3A_156 = tpu.vector_load %arg10[%get3A_154, %get3A_155] {strides = array<i32>} : memref<64x16xf32, #tpu.memory_space<vmem>>, vector<1x16xf32>,
    %get3A_157 = vector.shape_cast %get3A_156 : vector<1x16xf32> to vector<16xf32>
    %get3A_158 = arith.constant 9 : i32
    %get3A_159 = arith.index_cast %get3A_158 : i32 to index
    %get3A_160 = arith.constant 0 : index
    %get3A_161 = tpu.vector_load %arg10[%get3A_159, %get3A_160] {strides = array<i32>} : memref<64x16xf32, #tpu.memory_space<vmem>>, vector<1x16xf32>,
    %get3A_162 = vector.shape_cast %get3A_161 : vector<1x16xf32> to vector<16xf32>
    %get3A_163 = arith.constant 10 : i32
    %get3A_164 = arith.index_cast %get3A_163 : i32 to index
    %get3A_165 = arith.constant 0 : index
    %get3A_166 = tpu.vector_load %arg10[%get3A_164, %get3A_165] {strides = array<i32>} : memref<64x16xf32, #tpu.memory_space<vmem>>, vector<1x16xf32>,
    %get3A_167 = vector.shape_cast %get3A_166 : vector<1x16xf32> to vector<16xf32>
    %get3A_168 = arith.constant 11 : i32
    %get3A_169 = arith.index_cast %get3A_168 : i32 to index
    %get3A_170 = arith.constant 0 : index
    %get3A_171 = tpu.vector_load %arg10[%get3A_169, %get3A_170] {strides = array<i32>} : memref<64x16xf32, #tpu.memory_space<vmem>>, vector<1x16xf32>,
    %get3A_172 = vector.shape_cast %get3A_171 : vector<1x16xf32> to vector<16xf32>
    %get3A_173 = arith.constant 12 : i32
    %get3A_174 = arith.index_cast %get3A_173 : i32 to index
    %get3A_175 = arith.constant 0 : index
    %get3A_176 = tpu.vector_load %arg10[%get3A_174, %get3A_175] {strides = array<i32>} : memref<64x16xf32, #tpu.memory_space<vmem>>, vector<1x16xf32>,
    %get3A_177 = vector.shape_cast %get3A_176 : vector<1x16xf32> to vector<16xf32>
    %get3A_178 = arith.constant 13 : i32
    %get3A_179 = arith.index_cast %get3A_178 : i32 to index
    %get3A_180 = arith.constant 0 : index
    %get3A_181 = tpu.vector_load %arg10[%get3A_179, %get3A_180] {strides = array<i32>} : memref<64x16xf32, #tpu.memory_space<vmem>>, vector<1x16xf32>,
    %get3A_182 = vector.shape_cast %get3A_181 : vector<1x16xf32> to vector<16xf32>
    %get3A_183 = arith.constant 14 : i32
    %get3A_184 = arith.index_cast %get3A_183 : i32 to index
    %get3A_185 = arith.constant 0 : index
    %get3A_186 = tpu.vector_load %arg10[%get3A_184, %get3A_185] {strides = array<i32>} : memref<64x16xf32, #tpu.memory_space<vmem>>, vector<1x16xf32>,
    %get3A_187 = vector.shape_cast %get3A_186 : vector<1x16xf32> to vector<16xf32>
    %get3A_188 = arith.constant 15 : i32
    %get3A_189 = arith.index_cast %get3A_188 : i32 to index
    %get3A_190 = arith.constant 0 : index
    %get3A_191 = tpu.vector_load %arg10[%get3A_189, %get3A_190] {strides = array<i32>} : memref<64x16xf32, #tpu.memory_space<vmem>>, vector<1x16xf32>,
    %get3A_192 = vector.shape_cast %get3A_191 : vector<1x16xf32> to vector<16xf32>
    %get3A_193 = arith.constant 8 : i32
    %get3A_194 = arith.index_cast %get3A_193 : i32 to index
    %get3A_195 = arith.constant 0 : index
    %get3A_196 = tpu.vector_load %arg11[%get3A_194, %get3A_195] {strides = array<i32>} : memref<64x16xf32, #tpu.memory_space<vmem>>, vector<1x16xf32>,
    %get3A_197 = vector.shape_cast %get3A_196 : vector<1x16xf32> to vector<16xf32>
    %get3A_198 = arith.constant 9 : i32
    %get3A_199 = arith.index_cast %get3A_198 : i32 to index
    %get3A_200 = arith.constant 0 : index
    %get3A_201 = tpu.vector_load %arg11[%get3A_199, %get3A_200] {strides = array<i32>} : memref<64x16xf32, #tpu.memory_space<vmem>>, vector<1x16xf32>,
    %get3A_202 = vector.shape_cast %get3A_201 : vector<1x16xf32> to vector<16xf32>
    %get3A_203 = arith.constant 10 : i32
    %get3A_204 = arith.index_cast %get3A_203 : i32 to index
    %get3A_205 = arith.constant 0 : index
    %get3A_206 = tpu.vector_load %arg11[%get3A_204, %get3A_205] {strides = array<i32>} : memref<64x16xf32, #tpu.memory_space<vmem>>, vector<1x16xf32>,
    %get3A_207 = vector.shape_cast %get3A_206 : vector<1x16xf32> to vector<16xf32>
    %get3A_208 = arith.constant 11 : i32
    %get3A_209 = arith.index_cast %get3A_208 : i32 to index
    %get3A_210 = arith.constant 0 : index
    %get3A_211 = tpu.vector_load %arg11[%get3A_209, %get3A_210] {strides = array<i32>} : memref<64x16xf32, #tpu.memory_space<vmem>>, vector<1x16xf32>,
    %get3A_212 = vector.shape_cast %get3A_211 : vector<1x16xf32> to vector<16xf32>
    %get3A_213 = arith.constant 12 : i32
    %get3A_214 = arith.index_cast %get3A_213 : i32 to index
    %get3A_215 = arith.constant 0 : index
    %get3A_216 = tpu.vector_load %arg11[%get3A_214, %get3A_215] {strides = array<i32>} : memref<64x16xf32, #tpu.memory_space<vmem>>, vector<1x16xf32>,
    %get3A_217 = vector.shape_cast %get3A_216 : vector<1x16xf32> to vector<16xf32>
    %get3A_218 = arith.constant 13 : i32
    %get3A_219 = arith.index_cast %get3A_218 : i32 to index
    %get3A_220 = arith.constant 0 : index
    %get3A_221 = tpu.vector_load %arg11[%get3A_219, %get3A_220] {strides = array<i32>} : memref<64x16xf32, #tpu.memory_space<vmem>>, vector<1x16xf32>,
    %get3A_222 = vector.shape_cast %get3A_221 : vector<1x16xf32> to vector<16xf32>
    %get3A_223 = arith.constant 14 : i32
    %get3A_224 = arith.index_cast %get3A_223 : i32 to index
    %get3A_225 = arith.constant 0 : index
    %get3A_226 = tpu.vector_load %arg11[%get3A_224, %get3A_225] {strides = array<i32>} : memref<64x16xf32, #tpu.memory_space<vmem>>, vector<1x16xf32>,
    %get3A_227 = vector.shape_cast %get3A_226 : vector<1x16xf32> to vector<16xf32>
    %get3A_228 = arith.constant 15 : i32
    %get3A_229 = arith.index_cast %get3A_228 : i32 to index
    %get3A_230 = arith.constant 0 : index
    %get3A_231 = tpu.vector_load %arg11[%get3A_229, %get3A_230] {strides = array<i32>} : memref<64x16xf32, #tpu.memory_space<vmem>>, vector<1x16xf32>,
    %get3A_232 = vector.shape_cast %get3A_231 : vector<1x16xf32> to vector<16xf32>
    %broadcast_in_dim3A_233 = arith.constant 0x7F800000 : f32
    %broadcast_in_dim3A_234 = vector.broadcast %broadcast_in_dim3A_233 : f32 to vector<16xf32>
    %broadcast_in_dim3A_235 = arith.constant 0x7F800000 : f32
    %broadcast_in_dim3A_236 = vector.broadcast %broadcast_in_dim3A_235 : f32 to vector<16xf32>
    %broadcast_in_dim3A_237 = arith.constant 0x7F800000 : f32
    %broadcast_in_dim3A_238 = vector.broadcast %broadcast_in_dim3A_237 : f32 to vector<16xf32>
    %broadcast_in_dim3A_239 = arith.constant 0x7F800000 : f32
    %broadcast_in_dim3A_240 = vector.broadcast %broadcast_in_dim3A_239 : f32 to vector<16xf32>
    %broadcast_in_dim3A_241 = arith.constant 0x7F800000 : f32
    %broadcast_in_dim3A_242 = vector.broadcast %broadcast_in_dim3A_241 : f32 to vector<16xf32>
    %broadcast_in_dim3A_243 = arith.constant 0x7F800000 : f32
    %broadcast_in_dim3A_244 = vector.broadcast %broadcast_in_dim3A_243 : f32 to vector<16xf32>
    %broadcast_in_dim3A_245 = arith.constant 0x7F800000 : f32
    %broadcast_in_dim3A_246 = vector.broadcast %broadcast_in_dim3A_245 : f32 to vector<16xf32>
    %broadcast_in_dim3A_247 = arith.constant 0x7F800000 : f32
    %broadcast_in_dim3A_248 = vector.broadcast %broadcast_in_dim3A_247 : f32 to vector<16xf32>
    %scan3A_249 = arith.constant 0 : i32
    %scan3A_250 = arith.constant 500 : i32
    %scan3A_251 = arith.addi %scan3A_249, %scan3A_250 : i32
    %scan3A_252 = arith.constant 2 : i32
    %scan3A_253:8 = scf.for %scan3A_1203 = %scan3A_249 to %scan3A_251 step %scan3A_252 iter_args(%scan3A_1204 = %broadcast_in_dim3A_234, %scan3A_1205 = %broadcast_in_dim3A_236, %scan3A_1206 = %broadcast_in_dim3A_238, %scan3A_1207 = %broadcast_in_dim3A_240, %scan3A_1208 = %broadcast_in_dim3A_242, %scan3A_1209 = %broadcast_in_dim3A_244, %scan3A_1210 = %broadcast_in_dim3A_246, %scan3A_1211 = %broadcast_in_dim3A_248) -> (vector<16xf32>, vector<16xf32>, vector<16xf32>, vector<16xf32>, vector<16xf32>, vector<16xf32>, vector<16xf32>, vector<16xf32>)  : i32 {
      %mul3A_1212 = arith.constant 16 : i32
      %mul3A_1213 = arith.muli %scan3A_1203, %mul3A_1212 : i32
      %get3A_1214 = arith.index_cast %mul3A_1213 : i32 to index
      %get3A_1215 = tpu.vector_load %arg7[%get3A_1214] {strides = array<i32>} : memref<8000xf32, #tpu.memory_space<vmem>>, vector<16xf32>,
      %get3A_1216 = vector.shape_cast %get3A_1215 : vector<16xf32> to vector<16xf32>
      %mul3A_1217 = arith.constant 16 : i32
      %mul3A_1218 = arith.muli %scan3A_1203, %mul3A_1217 : i32
      %get3A_1219 = arith.index_cast %mul3A_1218 : i32 to index
      %get3A_1220 = tpu.vector_load %arg8[%get3A_1219] {strides = array<i32>} : memref<8000xf32, #tpu.memory_space<vmem>>, vector<16xf32>,
      %get3A_1221 = vector.shape_cast %get3A_1220 : vector<16xf32> to vector<16xf32>
      %mul3A_1222 = arith.constant 16 : i32
      %mul3A_1223 = arith.muli %scan3A_1203, %mul3A_1222 : i32
      %get3A_1224 = arith.index_cast %mul3A_1223 : i32 to index
      %get3A_1225 = tpu.vector_load %arg9[%get3A_1224] {strides = array<i32>} : memref<8000xf32, #tpu.memory_space<vmem>>, vector<16xf32>,
      %get3A_1226 = vector.shape_cast %get3A_1225 : vector<16xf32> to vector<16xf32>
      %mul3A_1227 = arith.mulf %get3A_157, %get3A_1216 : vector<16xf32>
      %add3A = arith.addf %get3A_1226, %mul3A_1227 : vector<16xf32>
      %mul3A_1228 = arith.mulf %get3A_197, %get3A_1221 : vector<16xf32>
      %add3A_1229 = arith.addf %add3A, %mul3A_1228 : vector<16xf32>
      %min3A = arith.minimumf %scan3A_1204, %add3A_1229 : vector<16xf32>
      %mul3A_1230 = arith.mulf %get3A_162, %get3A_1216 : vector<16xf32>
      %add3A_1231 = arith.addf %get3A_1226, %mul3A_1230 : vector<16xf32>
      %mul3A_1232 = arith.mulf %get3A_202, %get3A_1221 : vector<16xf32>
      %add3A_1233 = arith.addf %add3A_1231, %mul3A_1232 : vector<16xf32>
      %min3A_1234 = arith.minimumf %scan3A_1205, %add3A_1233 : vector<16xf32>
      %mul3A_1235 = arith.mulf %get3A_167, %get3A_1216 : vector<16xf32>
      %add3A_1236 = arith.addf %get3A_1226, %mul3A_1235 : vector<16xf32>
      %mul3A_1237 = arith.mulf %get3A_207, %get3A_1221 : vector<16xf32>
      %add3A_1238 = arith.addf %add3A_1236, %mul3A_1237 : vector<16xf32>
      %min3A_1239 = arith.minimumf %scan3A_1206, %add3A_1238 : vector<16xf32>
      %mul3A_1240 = arith.mulf %get3A_172, %get3A_1216 : vector<16xf32>
      %add3A_1241 = arith.addf %get3A_1226, %mul3A_1240 : vector<16xf32>
      %mul3A_1242 = arith.mulf %get3A_212, %get3A_1221 : vector<16xf32>
      %add3A_1243 = arith.addf %add3A_1241, %mul3A_1242 : vector<16xf32>
      %min3A_1244 = arith.minimumf %scan3A_1207, %add3A_1243 : vector<16xf32>
      %mul3A_1245 = arith.mulf %get3A_177, %get3A_1216 : vector<16xf32>
      %add3A_1246 = arith.addf %get3A_1226, %mul3A_1245 : vector<16xf32>
      %mul3A_1247 = arith.mulf %get3A_217, %get3A_1221 : vector<16xf32>
      %add3A_1248 = arith.addf %add3A_1246, %mul3A_1247 : vector<16xf32>
      %min3A_1249 = arith.minimumf %scan3A_1208, %add3A_1248 : vector<16xf32>
      %mul3A_1250 = arith.mulf %get3A_182, %get3A_1216 : vector<16xf32>
      %add3A_1251 = arith.addf %get3A_1226, %mul3A_1250 : vector<16xf32>
      %mul3A_1252 = arith.mulf %get3A_222, %get3A_1221 : vector<16xf32>
      %add3A_1253 = arith.addf %add3A_1251, %mul3A_1252 : vector<16xf32>
      %min3A_1254 = arith.minimumf %scan3A_1209, %add3A_1253 : vector<16xf32>
      %mul3A_1255 = arith.mulf %get3A_187, %get3A_1216 : vector<16xf32>
      %add3A_1256 = arith.addf %get3A_1226, %mul3A_1255 : vector<16xf32>
      %mul3A_1257 = arith.mulf %get3A_227, %get3A_1221 : vector<16xf32>
      %add3A_1258 = arith.addf %add3A_1256, %mul3A_1257 : vector<16xf32>
      %min3A_1259 = arith.minimumf %scan3A_1210, %add3A_1258 : vector<16xf32>
      %mul3A_1260 = arith.mulf %get3A_192, %get3A_1216 : vector<16xf32>
      %add3A_1261 = arith.addf %get3A_1226, %mul3A_1260 : vector<16xf32>
      %mul3A_1262 = arith.mulf %get3A_232, %get3A_1221 : vector<16xf32>
      %add3A_1263 = arith.addf %add3A_1261, %mul3A_1262 : vector<16xf32>
      %min3A_1264 = arith.minimumf %scan3A_1211, %add3A_1263 : vector<16xf32>
      %scan3A_1265 = arith.constant 1 : i32
      %scan3A_1266 = arith.addi %scan3A_1203, %scan3A_1265 : i32
      %mul3A_1267 = arith.constant 16 : i32
      %mul3A_1268 = arith.muli %scan3A_1266, %mul3A_1267 : i32
      %get3A_1269 = arith.index_cast %mul3A_1268 : i32 to index
      %get3A_1270 = tpu.vector_load %arg7[%get3A_1269] {strides = array<i32>} : memref<8000xf32, #tpu.memory_space<vmem>>, vector<16xf32>,
      %get3A_1271 = vector.shape_cast %get3A_1270 : vector<16xf32> to vector<16xf32>
      %mul3A_1272 = arith.constant 16 : i32
      %mul3A_1273 = arith.muli %scan3A_1266, %mul3A_1272 : i32
      %get3A_1274 = arith.index_cast %mul3A_1273 : i32 to index
      %get3A_1275 = tpu.vector_load %arg8[%get3A_1274] {strides = array<i32>} : memref<8000xf32, #tpu.memory_space<vmem>>, vector<16xf32>,
      %get3A_1276 = vector.shape_cast %get3A_1275 : vector<16xf32> to vector<16xf32>
      %mul3A_1277 = arith.constant 16 : i32
      %mul3A_1278 = arith.muli %scan3A_1266, %mul3A_1277 : i32
      %get3A_1279 = arith.index_cast %mul3A_1278 : i32 to index
      %get3A_1280 = tpu.vector_load %arg9[%get3A_1279] {strides = array<i32>} : memref<8000xf32, #tpu.memory_space<vmem>>, vector<16xf32>,
      %get3A_1281 = vector.shape_cast %get3A_1280 : vector<16xf32> to vector<16xf32>
      %mul3A_1282 = arith.mulf %get3A_157, %get3A_1271 : vector<16xf32>
      %add3A_1283 = arith.addf %get3A_1281, %mul3A_1282 : vector<16xf32>
      %mul3A_1284 = arith.mulf %get3A_197, %get3A_1276 : vector<16xf32>
      %add3A_1285 = arith.addf %add3A_1283, %mul3A_1284 : vector<16xf32>
      %min3A_1286 = arith.minimumf %min3A, %add3A_1285 : vector<16xf32>
      %mul3A_1287 = arith.mulf %get3A_162, %get3A_1271 : vector<16xf32>
      %add3A_1288 = arith.addf %get3A_1281, %mul3A_1287 : vector<16xf32>
      %mul3A_1289 = arith.mulf %get3A_202, %get3A_1276 : vector<16xf32>
      %add3A_1290 = arith.addf %add3A_1288, %mul3A_1289 : vector<16xf32>
      %min3A_1291 = arith.minimumf %min3A_1234, %add3A_1290 : vector<16xf32>
      %mul3A_1292 = arith.mulf %get3A_167, %get3A_1271 : vector<16xf32>
      %add3A_1293 = arith.addf %get3A_1281, %mul3A_1292 : vector<16xf32>
      %mul3A_1294 = arith.mulf %get3A_207, %get3A_1276 : vector<16xf32>
      %add3A_1295 = arith.addf %add3A_1293, %mul3A_1294 : vector<16xf32>
      %min3A_1296 = arith.minimumf %min3A_1239, %add3A_1295 : vector<16xf32>
      %mul3A_1297 = arith.mulf %get3A_172, %get3A_1271 : vector<16xf32>
      %add3A_1298 = arith.addf %get3A_1281, %mul3A_1297 : vector<16xf32>
      %mul3A_1299 = arith.mulf %get3A_212, %get3A_1276 : vector<16xf32>
      %add3A_1300 = arith.addf %add3A_1298, %mul3A_1299 : vector<16xf32>
      %min3A_1301 = arith.minimumf %min3A_1244, %add3A_1300 : vector<16xf32>
      %mul3A_1302 = arith.mulf %get3A_177, %get3A_1271 : vector<16xf32>
      %add3A_1303 = arith.addf %get3A_1281, %mul3A_1302 : vector<16xf32>
      %mul3A_1304 = arith.mulf %get3A_217, %get3A_1276 : vector<16xf32>
      %add3A_1305 = arith.addf %add3A_1303, %mul3A_1304 : vector<16xf32>
      %min3A_1306 = arith.minimumf %min3A_1249, %add3A_1305 : vector<16xf32>
      %mul3A_1307 = arith.mulf %get3A_182, %get3A_1271 : vector<16xf32>
      %add3A_1308 = arith.addf %get3A_1281, %mul3A_1307 : vector<16xf32>
      %mul3A_1309 = arith.mulf %get3A_222, %get3A_1276 : vector<16xf32>
      %add3A_1310 = arith.addf %add3A_1308, %mul3A_1309 : vector<16xf32>
      %min3A_1311 = arith.minimumf %min3A_1254, %add3A_1310 : vector<16xf32>
      %mul3A_1312 = arith.mulf %get3A_187, %get3A_1271 : vector<16xf32>
      %add3A_1313 = arith.addf %get3A_1281, %mul3A_1312 : vector<16xf32>
      %mul3A_1314 = arith.mulf %get3A_227, %get3A_1276 : vector<16xf32>
      %add3A_1315 = arith.addf %add3A_1313, %mul3A_1314 : vector<16xf32>
      %min3A_1316 = arith.minimumf %min3A_1259, %add3A_1315 : vector<16xf32>
      %mul3A_1317 = arith.mulf %get3A_192, %get3A_1271 : vector<16xf32>
      %add3A_1318 = arith.addf %get3A_1281, %mul3A_1317 : vector<16xf32>
      %mul3A_1319 = arith.mulf %get3A_232, %get3A_1276 : vector<16xf32>
      %add3A_1320 = arith.addf %add3A_1318, %mul3A_1319 : vector<16xf32>
      %min3A_1321 = arith.minimumf %min3A_1264, %add3A_1320 : vector<16xf32>
      scf.yield %min3A_1286, %min3A_1291, %min3A_1296, %min3A_1301, %min3A_1306, %min3A_1311, %min3A_1316, %min3A_1321 : vector<16xf32>, vector<16xf32>, vector<16xf32>, vector<16xf32>, vector<16xf32>, vector<16xf32>, vector<16xf32>, vector<16xf32>
    }
    %scan3A_254 = arith.constant 500 : i32
    %swap3A_255 = arith.constant 8 : i32
    %swap3A_256 = arith.index_cast %swap3A_255 : i32 to index
    %swap3A_257 = arith.constant 0 : index
    %swap3A_258 = tpu.vector_load %arg12[%swap3A_256, %swap3A_257] {strides = array<i32>} : memref<64x16xf32, #tpu.memory_space<vmem>>, vector<1x16xf32>,
    %swap3A_259 = vector.shape_cast %swap3A_258 : vector<1x16xf32> to vector<16xf32>
    %swap3A_260 = vector.shape_cast %scan3A_253#0 : vector<16xf32> to vector<1x16xf32>
    tpu.vector_store %arg12[%swap3A_256, %swap3A_257], %swap3A_260 {strides = array<i32>} : memref<64x16xf32, #tpu.memory_space<vmem>>, vector<1x16xf32>,
    %swap3A_261 = arith.constant 9 : i32
    %swap3A_262 = arith.index_cast %swap3A_261 : i32 to index
    %swap3A_263 = arith.constant 0 : index
    %swap3A_264 = tpu.vector_load %arg12[%swap3A_262, %swap3A_263] {strides = array<i32>} : memref<64x16xf32, #tpu.memory_space<vmem>>, vector<1x16xf32>,
    %swap3A_265 = vector.shape_cast %swap3A_264 : vector<1x16xf32> to vector<16xf32>
    %swap3A_266 = vector.shape_cast %scan3A_253#1 : vector<16xf32> to vector<1x16xf32>
    tpu.vector_store %arg12[%swap3A_262, %swap3A_263], %swap3A_266 {strides = array<i32>} : memref<64x16xf32, #tpu.memory_space<vmem>>, vector<1x16xf32>,
    %swap3A_267 = arith.constant 10 : i32
    %swap3A_268 = arith.index_cast %swap3A_267 : i32 to index
    %swap3A_269 = arith.constant 0 : index
    %swap3A_270 = tpu.vector_load %arg12[%swap3A_268, %swap3A_269] {strides = array<i32>} : memref<64x16xf32, #tpu.memory_space<vmem>>, vector<1x16xf32>,
    %swap3A_271 = vector.shape_cast %swap3A_270 : vector<1x16xf32> to vector<16xf32>
    %swap3A_272 = vector.shape_cast %scan3A_253#2 : vector<16xf32> to vector<1x16xf32>
    tpu.vector_store %arg12[%swap3A_268, %swap3A_269], %swap3A_272 {strides = array<i32>} : memref<64x16xf32, #tpu.memory_space<vmem>>, vector<1x16xf32>,
    %swap3A_273 = arith.constant 11 : i32
    %swap3A_274 = arith.index_cast %swap3A_273 : i32 to index
    %swap3A_275 = arith.constant 0 : index
    %swap3A_276 = tpu.vector_load %arg12[%swap3A_274, %swap3A_275] {strides = array<i32>} : memref<64x16xf32, #tpu.memory_space<vmem>>, vector<1x16xf32>,
    %swap3A_277 = vector.shape_cast %swap3A_276 : vector<1x16xf32> to vector<16xf32>
    %swap3A_278 = vector.shape_cast %scan3A_253#3 : vector<16xf32> to vector<1x16xf32>
    tpu.vector_store %arg12[%swap3A_274, %swap3A_275], %swap3A_278 {strides = array<i32>} : memref<64x16xf32, #tpu.memory_space<vmem>>, vector<1x16xf32>,
    %swap3A_279 = arith.constant 12 : i32
    %swap3A_280 = arith.index_cast %swap3A_279 : i32 to index
    %swap3A_281 = arith.constant 0 : index
    %swap3A_282 = tpu.vector_load %arg12[%swap3A_280, %swap3A_281] {strides = array<i32>} : memref<64x16xf32, #tpu.memory_space<vmem>>, vector<1x16xf32>,
    %swap3A_283 = vector.shape_cast %swap3A_282 : vector<1x16xf32> to vector<16xf32>
    %swap3A_284 = vector.shape_cast %scan3A_253#4 : vector<16xf32> to vector<1x16xf32>
    tpu.vector_store %arg12[%swap3A_280, %swap3A_281], %swap3A_284 {strides = array<i32>} : memref<64x16xf32, #tpu.memory_space<vmem>>, vector<1x16xf32>,
    %swap3A_285 = arith.constant 13 : i32
    %swap3A_286 = arith.index_cast %swap3A_285 : i32 to index
    %swap3A_287 = arith.constant 0 : index
    %swap3A_288 = tpu.vector_load %arg12[%swap3A_286, %swap3A_287] {strides = array<i32>} : memref<64x16xf32, #tpu.memory_space<vmem>>, vector<1x16xf32>,
    %swap3A_289 = vector.shape_cast %swap3A_288 : vector<1x16xf32> to vector<16xf32>
    %swap3A_290 = vector.shape_cast %scan3A_253#5 : vector<16xf32> to vector<1x16xf32>
    tpu.vector_store %arg12[%swap3A_286, %swap3A_287], %swap3A_290 {strides = array<i32>} : memref<64x16xf32, #tpu.memory_space<vmem>>, vector<1x16xf32>,
    %swap3A_291 = arith.constant 14 : i32
    %swap3A_292 = arith.index_cast %swap3A_291 : i32 to index
    %swap3A_293 = arith.constant 0 : index
    %swap3A_294 = tpu.vector_load %arg12[%swap3A_292, %swap3A_293] {strides = array<i32>} : memref<64x16xf32, #tpu.memory_space<vmem>>, vector<1x16xf32>,
    %swap3A_295 = vector.shape_cast %swap3A_294 : vector<1x16xf32> to vector<16xf32>
    %swap3A_296 = vector.shape_cast %scan3A_253#6 : vector<16xf32> to vector<1x16xf32>
    tpu.vector_store %arg12[%swap3A_292, %swap3A_293], %swap3A_296 {strides = array<i32>} : memref<64x16xf32, #tpu.memory_space<vmem>>, vector<1x16xf32>,
    %swap3A_297 = arith.constant 15 : i32
    %swap3A_298 = arith.index_cast %swap3A_297 : i32 to index
    %swap3A_299 = arith.constant 0 : index
    %swap3A_300 = tpu.vector_load %arg12[%swap3A_298, %swap3A_299] {strides = array<i32>} : memref<64x16xf32, #tpu.memory_space<vmem>>, vector<1x16xf32>,
    %swap3A_301 = vector.shape_cast %swap3A_300 : vector<1x16xf32> to vector<16xf32>
    %swap3A_302 = vector.shape_cast %scan3A_253#7 : vector<16xf32> to vector<1x16xf32>
    tpu.vector_store %arg12[%swap3A_298, %swap3A_299], %swap3A_302 {strides = array<i32>} : memref<64x16xf32, #tpu.memory_space<vmem>>, vector<1x16xf32>,
    %get3A_303 = arith.constant 16 : i32
    %get3A_304 = arith.index_cast %get3A_303 : i32 to index
    %get3A_305 = arith.constant 0 : index
    %get3A_306 = tpu.vector_load %arg10[%get3A_304, %get3A_305] {strides = array<i32>} : memref<64x16xf32, #tpu.memory_space<vmem>>, vector<1x16xf32>,
    %get3A_307 = vector.shape_cast %get3A_306 : vector<1x16xf32> to vector<16xf32>
    %get3A_308 = arith.constant 17 : i32
    %get3A_309 = arith.index_cast %get3A_308 : i32 to index
    %get3A_310 = arith.constant 0 : index
    %get3A_311 = tpu.vector_load %arg10[%get3A_309, %get3A_310] {strides = array<i32>} : memref<64x16xf32, #tpu.memory_space<vmem>>, vector<1x16xf32>,
    %get3A_312 = vector.shape_cast %get3A_311 : vector<1x16xf32> to vector<16xf32>
    %get3A_313 = arith.constant 18 : i32
    %get3A_314 = arith.index_cast %get3A_313 : i32 to index
    %get3A_315 = arith.constant 0 : index
    %get3A_316 = tpu.vector_load %arg10[%get3A_314, %get3A_315] {strides = array<i32>} : memref<64x16xf32, #tpu.memory_space<vmem>>, vector<1x16xf32>,
    %get3A_317 = vector.shape_cast %get3A_316 : vector<1x16xf32> to vector<16xf32>
    %get3A_318 = arith.constant 19 : i32
    %get3A_319 = arith.index_cast %get3A_318 : i32 to index
    %get3A_320 = arith.constant 0 : index
    %get3A_321 = tpu.vector_load %arg10[%get3A_319, %get3A_320] {strides = array<i32>} : memref<64x16xf32, #tpu.memory_space<vmem>>, vector<1x16xf32>,
    %get3A_322 = vector.shape_cast %get3A_321 : vector<1x16xf32> to vector<16xf32>
    %get3A_323 = arith.constant 20 : i32
    %get3A_324 = arith.index_cast %get3A_323 : i32 to index
    %get3A_325 = arith.constant 0 : index
    %get3A_326 = tpu.vector_load %arg10[%get3A_324, %get3A_325] {strides = array<i32>} : memref<64x16xf32, #tpu.memory_space<vmem>>, vector<1x16xf32>,
    %get3A_327 = vector.shape_cast %get3A_326 : vector<1x16xf32> to vector<16xf32>
    %get3A_328 = arith.constant 21 : i32
    %get3A_329 = arith.index_cast %get3A_328 : i32 to index
    %get3A_330 = arith.constant 0 : index
    %get3A_331 = tpu.vector_load %arg10[%get3A_329, %get3A_330] {strides = array<i32>} : memref<64x16xf32, #tpu.memory_space<vmem>>, vector<1x16xf32>,
    %get3A_332 = vector.shape_cast %get3A_331 : vector<1x16xf32> to vector<16xf32>
    %get3A_333 = arith.constant 22 : i32
    %get3A_334 = arith.index_cast %get3A_333 : i32 to index
    %get3A_335 = arith.constant 0 : index
    %get3A_336 = tpu.vector_load %arg10[%get3A_334, %get3A_335] {strides = array<i32>} : memref<64x16xf32, #tpu.memory_space<vmem>>, vector<1x16xf32>,
    %get3A_337 = vector.shape_cast %get3A_336 : vector<1x16xf32> to vector<16xf32>
    %get3A_338 = arith.constant 23 : i32
    %get3A_339 = arith.index_cast %get3A_338 : i32 to index
    %get3A_340 = arith.constant 0 : index
    %get3A_341 = tpu.vector_load %arg10[%get3A_339, %get3A_340] {strides = array<i32>} : memref<64x16xf32, #tpu.memory_space<vmem>>, vector<1x16xf32>,
    %get3A_342 = vector.shape_cast %get3A_341 : vector<1x16xf32> to vector<16xf32>
    %get3A_343 = arith.constant 16 : i32
    %get3A_344 = arith.index_cast %get3A_343 : i32 to index
    %get3A_345 = arith.constant 0 : index
    %get3A_346 = tpu.vector_load %arg11[%get3A_344, %get3A_345] {strides = array<i32>} : memref<64x16xf32, #tpu.memory_space<vmem>>, vector<1x16xf32>,
    %get3A_347 = vector.shape_cast %get3A_346 : vector<1x16xf32> to vector<16xf32>
    %get3A_348 = arith.constant 17 : i32
    %get3A_349 = arith.index_cast %get3A_348 : i32 to index
    %get3A_350 = arith.constant 0 : index
    %get3A_351 = tpu.vector_load %arg11[%get3A_349, %get3A_350] {strides = array<i32>} : memref<64x16xf32, #tpu.memory_space<vmem>>, vector<1x16xf32>,
    %get3A_352 = vector.shape_cast %get3A_351 : vector<1x16xf32> to vector<16xf32>
    %get3A_353 = arith.constant 18 : i32
    %get3A_354 = arith.index_cast %get3A_353 : i32 to index
    %get3A_355 = arith.constant 0 : index
    %get3A_356 = tpu.vector_load %arg11[%get3A_354, %get3A_355] {strides = array<i32>} : memref<64x16xf32, #tpu.memory_space<vmem>>, vector<1x16xf32>,
    %get3A_357 = vector.shape_cast %get3A_356 : vector<1x16xf32> to vector<16xf32>
    %get3A_358 = arith.constant 19 : i32
    %get3A_359 = arith.index_cast %get3A_358 : i32 to index
    %get3A_360 = arith.constant 0 : index
    %get3A_361 = tpu.vector_load %arg11[%get3A_359, %get3A_360] {strides = array<i32>} : memref<64x16xf32, #tpu.memory_space<vmem>>, vector<1x16xf32>,
    %get3A_362 = vector.shape_cast %get3A_361 : vector<1x16xf32> to vector<16xf32>
    %get3A_363 = arith.constant 20 : i32
    %get3A_364 = arith.index_cast %get3A_363 : i32 to index
    %get3A_365 = arith.constant 0 : index
    %get3A_366 = tpu.vector_load %arg11[%get3A_364, %get3A_365] {strides = array<i32>} : memref<64x16xf32, #tpu.memory_space<vmem>>, vector<1x16xf32>,
    %get3A_367 = vector.shape_cast %get3A_366 : vector<1x16xf32> to vector<16xf32>
    %get3A_368 = arith.constant 21 : i32
    %get3A_369 = arith.index_cast %get3A_368 : i32 to index
    %get3A_370 = arith.constant 0 : index
    %get3A_371 = tpu.vector_load %arg11[%get3A_369, %get3A_370] {strides = array<i32>} : memref<64x16xf32, #tpu.memory_space<vmem>>, vector<1x16xf32>,
    %get3A_372 = vector.shape_cast %get3A_371 : vector<1x16xf32> to vector<16xf32>
    %get3A_373 = arith.constant 22 : i32
    %get3A_374 = arith.index_cast %get3A_373 : i32 to index
    %get3A_375 = arith.constant 0 : index
    %get3A_376 = tpu.vector_load %arg11[%get3A_374, %get3A_375] {strides = array<i32>} : memref<64x16xf32, #tpu.memory_space<vmem>>, vector<1x16xf32>,
    %get3A_377 = vector.shape_cast %get3A_376 : vector<1x16xf32> to vector<16xf32>
    %get3A_378 = arith.constant 23 : i32
    %get3A_379 = arith.index_cast %get3A_378 : i32 to index
    %get3A_380 = arith.constant 0 : index
    %get3A_381 = tpu.vector_load %arg11[%get3A_379, %get3A_380] {strides = array<i32>} : memref<64x16xf32, #tpu.memory_space<vmem>>, vector<1x16xf32>,
    %get3A_382 = vector.shape_cast %get3A_381 : vector<1x16xf32> to vector<16xf32>
    %broadcast_in_dim3A_383 = arith.constant 0x7F800000 : f32
    %broadcast_in_dim3A_384 = vector.broadcast %broadcast_in_dim3A_383 : f32 to vector<16xf32>
    %broadcast_in_dim3A_385 = arith.constant 0x7F800000 : f32
    %broadcast_in_dim3A_386 = vector.broadcast %broadcast_in_dim3A_385 : f32 to vector<16xf32>
    %broadcast_in_dim3A_387 = arith.constant 0x7F800000 : f32
    %broadcast_in_dim3A_388 = vector.broadcast %broadcast_in_dim3A_387 : f32 to vector<16xf32>
    %broadcast_in_dim3A_389 = arith.constant 0x7F800000 : f32
    %broadcast_in_dim3A_390 = vector.broadcast %broadcast_in_dim3A_389 : f32 to vector<16xf32>
    %broadcast_in_dim3A_391 = arith.constant 0x7F800000 : f32
    %broadcast_in_dim3A_392 = vector.broadcast %broadcast_in_dim3A_391 : f32 to vector<16xf32>
    %broadcast_in_dim3A_393 = arith.constant 0x7F800000 : f32
    %broadcast_in_dim3A_394 = vector.broadcast %broadcast_in_dim3A_393 : f32 to vector<16xf32>
    %broadcast_in_dim3A_395 = arith.constant 0x7F800000 : f32
    %broadcast_in_dim3A_396 = vector.broadcast %broadcast_in_dim3A_395 : f32 to vector<16xf32>
    %broadcast_in_dim3A_397 = arith.constant 0x7F800000 : f32
    %broadcast_in_dim3A_398 = vector.broadcast %broadcast_in_dim3A_397 : f32 to vector<16xf32>
    %scan3A_399 = arith.constant 0 : i32
    %scan3A_400 = arith.constant 500 : i32
    %scan3A_401 = arith.addi %scan3A_399, %scan3A_400 : i32
    %scan3A_402 = arith.constant 2 : i32
    %scan3A_403:8 = scf.for %scan3A_1203 = %scan3A_399 to %scan3A_401 step %scan3A_402 iter_args(%scan3A_1204 = %broadcast_in_dim3A_384, %scan3A_1205 = %broadcast_in_dim3A_386, %scan3A_1206 = %broadcast_in_dim3A_388, %scan3A_1207 = %broadcast_in_dim3A_390, %scan3A_1208 = %broadcast_in_dim3A_392, %scan3A_1209 = %broadcast_in_dim3A_394, %scan3A_1210 = %broadcast_in_dim3A_396, %scan3A_1211 = %broadcast_in_dim3A_398) -> (vector<16xf32>, vector<16xf32>, vector<16xf32>, vector<16xf32>, vector<16xf32>, vector<16xf32>, vector<16xf32>, vector<16xf32>)  : i32 {
      %mul3A_1212 = arith.constant 16 : i32
      %mul3A_1213 = arith.muli %scan3A_1203, %mul3A_1212 : i32
      %get3A_1214 = arith.index_cast %mul3A_1213 : i32 to index
      %get3A_1215 = tpu.vector_load %arg7[%get3A_1214] {strides = array<i32>} : memref<8000xf32, #tpu.memory_space<vmem>>, vector<16xf32>,
      %get3A_1216 = vector.shape_cast %get3A_1215 : vector<16xf32> to vector<16xf32>
      %mul3A_1217 = arith.constant 16 : i32
      %mul3A_1218 = arith.muli %scan3A_1203, %mul3A_1217 : i32
      %get3A_1219 = arith.index_cast %mul3A_1218 : i32 to index
      %get3A_1220 = tpu.vector_load %arg8[%get3A_1219] {strides = array<i32>} : memref<8000xf32, #tpu.memory_space<vmem>>, vector<16xf32>,
      %get3A_1221 = vector.shape_cast %get3A_1220 : vector<16xf32> to vector<16xf32>
      %mul3A_1222 = arith.constant 16 : i32
      %mul3A_1223 = arith.muli %scan3A_1203, %mul3A_1222 : i32
      %get3A_1224 = arith.index_cast %mul3A_1223 : i32 to index
      %get3A_1225 = tpu.vector_load %arg9[%get3A_1224] {strides = array<i32>} : memref<8000xf32, #tpu.memory_space<vmem>>, vector<16xf32>,
      %get3A_1226 = vector.shape_cast %get3A_1225 : vector<16xf32> to vector<16xf32>
      %mul3A_1227 = arith.mulf %get3A_307, %get3A_1216 : vector<16xf32>
      %add3A = arith.addf %get3A_1226, %mul3A_1227 : vector<16xf32>
      %mul3A_1228 = arith.mulf %get3A_347, %get3A_1221 : vector<16xf32>
      %add3A_1229 = arith.addf %add3A, %mul3A_1228 : vector<16xf32>
      %min3A = arith.minimumf %scan3A_1204, %add3A_1229 : vector<16xf32>
      %mul3A_1230 = arith.mulf %get3A_312, %get3A_1216 : vector<16xf32>
      %add3A_1231 = arith.addf %get3A_1226, %mul3A_1230 : vector<16xf32>
      %mul3A_1232 = arith.mulf %get3A_352, %get3A_1221 : vector<16xf32>
      %add3A_1233 = arith.addf %add3A_1231, %mul3A_1232 : vector<16xf32>
      %min3A_1234 = arith.minimumf %scan3A_1205, %add3A_1233 : vector<16xf32>
      %mul3A_1235 = arith.mulf %get3A_317, %get3A_1216 : vector<16xf32>
      %add3A_1236 = arith.addf %get3A_1226, %mul3A_1235 : vector<16xf32>
      %mul3A_1237 = arith.mulf %get3A_357, %get3A_1221 : vector<16xf32>
      %add3A_1238 = arith.addf %add3A_1236, %mul3A_1237 : vector<16xf32>
      %min3A_1239 = arith.minimumf %scan3A_1206, %add3A_1238 : vector<16xf32>
      %mul3A_1240 = arith.mulf %get3A_322, %get3A_1216 : vector<16xf32>
      %add3A_1241 = arith.addf %get3A_1226, %mul3A_1240 : vector<16xf32>
      %mul3A_1242 = arith.mulf %get3A_362, %get3A_1221 : vector<16xf32>
      %add3A_1243 = arith.addf %add3A_1241, %mul3A_1242 : vector<16xf32>
      %min3A_1244 = arith.minimumf %scan3A_1207, %add3A_1243 : vector<16xf32>
      %mul3A_1245 = arith.mulf %get3A_327, %get3A_1216 : vector<16xf32>
      %add3A_1246 = arith.addf %get3A_1226, %mul3A_1245 : vector<16xf32>
      %mul3A_1247 = arith.mulf %get3A_367, %get3A_1221 : vector<16xf32>
      %add3A_1248 = arith.addf %add3A_1246, %mul3A_1247 : vector<16xf32>
      %min3A_1249 = arith.minimumf %scan3A_1208, %add3A_1248 : vector<16xf32>
      %mul3A_1250 = arith.mulf %get3A_332, %get3A_1216 : vector<16xf32>
      %add3A_1251 = arith.addf %get3A_1226, %mul3A_1250 : vector<16xf32>
      %mul3A_1252 = arith.mulf %get3A_372, %get3A_1221 : vector<16xf32>
      %add3A_1253 = arith.addf %add3A_1251, %mul3A_1252 : vector<16xf32>
      %min3A_1254 = arith.minimumf %scan3A_1209, %add3A_1253 : vector<16xf32>
      %mul3A_1255 = arith.mulf %get3A_337, %get3A_1216 : vector<16xf32>
      %add3A_1256 = arith.addf %get3A_1226, %mul3A_1255 : vector<16xf32>
      %mul3A_1257 = arith.mulf %get3A_377, %get3A_1221 : vector<16xf32>
      %add3A_1258 = arith.addf %add3A_1256, %mul3A_1257 : vector<16xf32>
      %min3A_1259 = arith.minimumf %scan3A_1210, %add3A_1258 : vector<16xf32>
      %mul3A_1260 = arith.mulf %get3A_342, %get3A_1216 : vector<16xf32>
      %add3A_1261 = arith.addf %get3A_1226, %mul3A_1260 : vector<16xf32>
      %mul3A_1262 = arith.mulf %get3A_382, %get3A_1221 : vector<16xf32>
      %add3A_1263 = arith.addf %add3A_1261, %mul3A_1262 : vector<16xf32>
      %min3A_1264 = arith.minimumf %scan3A_1211, %add3A_1263 : vector<16xf32>
      %scan3A_1265 = arith.constant 1 : i32
      %scan3A_1266 = arith.addi %scan3A_1203, %scan3A_1265 : i32
      %mul3A_1267 = arith.constant 16 : i32
      %mul3A_1268 = arith.muli %scan3A_1266, %mul3A_1267 : i32
      %get3A_1269 = arith.index_cast %mul3A_1268 : i32 to index
      %get3A_1270 = tpu.vector_load %arg7[%get3A_1269] {strides = array<i32>} : memref<8000xf32, #tpu.memory_space<vmem>>, vector<16xf32>,
      %get3A_1271 = vector.shape_cast %get3A_1270 : vector<16xf32> to vector<16xf32>
      %mul3A_1272 = arith.constant 16 : i32
      %mul3A_1273 = arith.muli %scan3A_1266, %mul3A_1272 : i32
      %get3A_1274 = arith.index_cast %mul3A_1273 : i32 to index
      %get3A_1275 = tpu.vector_load %arg8[%get3A_1274] {strides = array<i32>} : memref<8000xf32, #tpu.memory_space<vmem>>, vector<16xf32>,
      %get3A_1276 = vector.shape_cast %get3A_1275 : vector<16xf32> to vector<16xf32>
      %mul3A_1277 = arith.constant 16 : i32
      %mul3A_1278 = arith.muli %scan3A_1266, %mul3A_1277 : i32
      %get3A_1279 = arith.index_cast %mul3A_1278 : i32 to index
      %get3A_1280 = tpu.vector_load %arg9[%get3A_1279] {strides = array<i32>} : memref<8000xf32, #tpu.memory_space<vmem>>, vector<16xf32>,
      %get3A_1281 = vector.shape_cast %get3A_1280 : vector<16xf32> to vector<16xf32>
      %mul3A_1282 = arith.mulf %get3A_307, %get3A_1271 : vector<16xf32>
      %add3A_1283 = arith.addf %get3A_1281, %mul3A_1282 : vector<16xf32>
      %mul3A_1284 = arith.mulf %get3A_347, %get3A_1276 : vector<16xf32>
      %add3A_1285 = arith.addf %add3A_1283, %mul3A_1284 : vector<16xf32>
      %min3A_1286 = arith.minimumf %min3A, %add3A_1285 : vector<16xf32>
      %mul3A_1287 = arith.mulf %get3A_312, %get3A_1271 : vector<16xf32>
      %add3A_1288 = arith.addf %get3A_1281, %mul3A_1287 : vector<16xf32>
      %mul3A_1289 = arith.mulf %get3A_352, %get3A_1276 : vector<16xf32>
      %add3A_1290 = arith.addf %add3A_1288, %mul3A_1289 : vector<16xf32>
      %min3A_1291 = arith.minimumf %min3A_1234, %add3A_1290 : vector<16xf32>
      %mul3A_1292 = arith.mulf %get3A_317, %get3A_1271 : vector<16xf32>
      %add3A_1293 = arith.addf %get3A_1281, %mul3A_1292 : vector<16xf32>
      %mul3A_1294 = arith.mulf %get3A_357, %get3A_1276 : vector<16xf32>
      %add3A_1295 = arith.addf %add3A_1293, %mul3A_1294 : vector<16xf32>
      %min3A_1296 = arith.minimumf %min3A_1239, %add3A_1295 : vector<16xf32>
      %mul3A_1297 = arith.mulf %get3A_322, %get3A_1271 : vector<16xf32>
      %add3A_1298 = arith.addf %get3A_1281, %mul3A_1297 : vector<16xf32>
      %mul3A_1299 = arith.mulf %get3A_362, %get3A_1276 : vector<16xf32>
      %add3A_1300 = arith.addf %add3A_1298, %mul3A_1299 : vector<16xf32>
      %min3A_1301 = arith.minimumf %min3A_1244, %add3A_1300 : vector<16xf32>
      %mul3A_1302 = arith.mulf %get3A_327, %get3A_1271 : vector<16xf32>
      %add3A_1303 = arith.addf %get3A_1281, %mul3A_1302 : vector<16xf32>
      %mul3A_1304 = arith.mulf %get3A_367, %get3A_1276 : vector<16xf32>
      %add3A_1305 = arith.addf %add3A_1303, %mul3A_1304 : vector<16xf32>
      %min3A_1306 = arith.minimumf %min3A_1249, %add3A_1305 : vector<16xf32>
      %mul3A_1307 = arith.mulf %get3A_332, %get3A_1271 : vector<16xf32>
      %add3A_1308 = arith.addf %get3A_1281, %mul3A_1307 : vector<16xf32>
      %mul3A_1309 = arith.mulf %get3A_372, %get3A_1276 : vector<16xf32>
      %add3A_1310 = arith.addf %add3A_1308, %mul3A_1309 : vector<16xf32>
      %min3A_1311 = arith.minimumf %min3A_1254, %add3A_1310 : vector<16xf32>
      %mul3A_1312 = arith.mulf %get3A_337, %get3A_1271 : vector<16xf32>
      %add3A_1313 = arith.addf %get3A_1281, %mul3A_1312 : vector<16xf32>
      %mul3A_1314 = arith.mulf %get3A_377, %get3A_1276 : vector<16xf32>
      %add3A_1315 = arith.addf %add3A_1313, %mul3A_1314 : vector<16xf32>
      %min3A_1316 = arith.minimumf %min3A_1259, %add3A_1315 : vector<16xf32>
      %mul3A_1317 = arith.mulf %get3A_342, %get3A_1271 : vector<16xf32>
      %add3A_1318 = arith.addf %get3A_1281, %mul3A_1317 : vector<16xf32>
      %mul3A_1319 = arith.mulf %get3A_382, %get3A_1276 : vector<16xf32>
      %add3A_1320 = arith.addf %add3A_1318, %mul3A_1319 : vector<16xf32>
      %min3A_1321 = arith.minimumf %min3A_1264, %add3A_1320 : vector<16xf32>
      scf.yield %min3A_1286, %min3A_1291, %min3A_1296, %min3A_1301, %min3A_1306, %min3A_1311, %min3A_1316, %min3A_1321 : vector<16xf32>, vector<16xf32>, vector<16xf32>, vector<16xf32>, vector<16xf32>, vector<16xf32>, vector<16xf32>, vector<16xf32>
    }
    %scan3A_404 = arith.constant 500 : i32
    %swap3A_405 = arith.constant 16 : i32
    %swap3A_406 = arith.index_cast %swap3A_405 : i32 to index
    %swap3A_407 = arith.constant 0 : index
    %swap3A_408 = tpu.vector_load %arg12[%swap3A_406, %swap3A_407] {strides = array<i32>} : memref<64x16xf32, #tpu.memory_space<vmem>>, vector<1x16xf32>,
    %swap3A_409 = vector.shape_cast %swap3A_408 : vector<1x16xf32> to vector<16xf32>
    %swap3A_410 = vector.shape_cast %scan3A_403#0 : vector<16xf32> to vector<1x16xf32>
    tpu.vector_store %arg12[%swap3A_406, %swap3A_407], %swap3A_410 {strides = array<i32>} : memref<64x16xf32, #tpu.memory_space<vmem>>, vector<1x16xf32>,
    %swap3A_411 = arith.constant 17 : i32
    %swap3A_412 = arith.index_cast %swap3A_411 : i32 to index
    %swap3A_413 = arith.constant 0 : index
    %swap3A_414 = tpu.vector_load %arg12[%swap3A_412, %swap3A_413] {strides = array<i32>} : memref<64x16xf32, #tpu.memory_space<vmem>>, vector<1x16xf32>,
    %swap3A_415 = vector.shape_cast %swap3A_414 : vector<1x16xf32> to vector<16xf32>
    %swap3A_416 = vector.shape_cast %scan3A_403#1 : vector<16xf32> to vector<1x16xf32>
    tpu.vector_store %arg12[%swap3A_412, %swap3A_413], %swap3A_416 {strides = array<i32>} : memref<64x16xf32, #tpu.memory_space<vmem>>, vector<1x16xf32>,
    %swap3A_417 = arith.constant 18 : i32
    %swap3A_418 = arith.index_cast %swap3A_417 : i32 to index
    %swap3A_419 = arith.constant 0 : index
    %swap3A_420 = tpu.vector_load %arg12[%swap3A_418, %swap3A_419] {strides = array<i32>} : memref<64x16xf32, #tpu.memory_space<vmem>>, vector<1x16xf32>,
    %swap3A_421 = vector.shape_cast %swap3A_420 : vector<1x16xf32> to vector<16xf32>
    %swap3A_422 = vector.shape_cast %scan3A_403#2 : vector<16xf32> to vector<1x16xf32>
    tpu.vector_store %arg12[%swap3A_418, %swap3A_419], %swap3A_422 {strides = array<i32>} : memref<64x16xf32, #tpu.memory_space<vmem>>, vector<1x16xf32>,
    %swap3A_423 = arith.constant 19 : i32
    %swap3A_424 = arith.index_cast %swap3A_423 : i32 to index
    %swap3A_425 = arith.constant 0 : index
    %swap3A_426 = tpu.vector_load %arg12[%swap3A_424, %swap3A_425] {strides = array<i32>} : memref<64x16xf32, #tpu.memory_space<vmem>>, vector<1x16xf32>,
    %swap3A_427 = vector.shape_cast %swap3A_426 : vector<1x16xf32> to vector<16xf32>
    %swap3A_428 = vector.shape_cast %scan3A_403#3 : vector<16xf32> to vector<1x16xf32>
    tpu.vector_store %arg12[%swap3A_424, %swap3A_425], %swap3A_428 {strides = array<i32>} : memref<64x16xf32, #tpu.memory_space<vmem>>, vector<1x16xf32>,
    %swap3A_429 = arith.constant 20 : i32
    %swap3A_430 = arith.index_cast %swap3A_429 : i32 to index
    %swap3A_431 = arith.constant 0 : index
    %swap3A_432 = tpu.vector_load %arg12[%swap3A_430, %swap3A_431] {strides = array<i32>} : memref<64x16xf32, #tpu.memory_space<vmem>>, vector<1x16xf32>,
    %swap3A_433 = vector.shape_cast %swap3A_432 : vector<1x16xf32> to vector<16xf32>
    %swap3A_434 = vector.shape_cast %scan3A_403#4 : vector<16xf32> to vector<1x16xf32>
    tpu.vector_store %arg12[%swap3A_430, %swap3A_431], %swap3A_434 {strides = array<i32>} : memref<64x16xf32, #tpu.memory_space<vmem>>, vector<1x16xf32>,
    %swap3A_435 = arith.constant 21 : i32
    %swap3A_436 = arith.index_cast %swap3A_435 : i32 to index
    %swap3A_437 = arith.constant 0 : index
    %swap3A_438 = tpu.vector_load %arg12[%swap3A_436, %swap3A_437] {strides = array<i32>} : memref<64x16xf32, #tpu.memory_space<vmem>>, vector<1x16xf32>,
    %swap3A_439 = vector.shape_cast %swap3A_438 : vector<1x16xf32> to vector<16xf32>
    %swap3A_440 = vector.shape_cast %scan3A_403#5 : vector<16xf32> to vector<1x16xf32>
    tpu.vector_store %arg12[%swap3A_436, %swap3A_437], %swap3A_440 {strides = array<i32>} : memref<64x16xf32, #tpu.memory_space<vmem>>, vector<1x16xf32>,
    %swap3A_441 = arith.constant 22 : i32
    %swap3A_442 = arith.index_cast %swap3A_441 : i32 to index
    %swap3A_443 = arith.constant 0 : index
    %swap3A_444 = tpu.vector_load %arg12[%swap3A_442, %swap3A_443] {strides = array<i32>} : memref<64x16xf32, #tpu.memory_space<vmem>>, vector<1x16xf32>,
    %swap3A_445 = vector.shape_cast %swap3A_444 : vector<1x16xf32> to vector<16xf32>
    %swap3A_446 = vector.shape_cast %scan3A_403#6 : vector<16xf32> to vector<1x16xf32>
    tpu.vector_store %arg12[%swap3A_442, %swap3A_443], %swap3A_446 {strides = array<i32>} : memref<64x16xf32, #tpu.memory_space<vmem>>, vector<1x16xf32>,
    %swap3A_447 = arith.constant 23 : i32
    %swap3A_448 = arith.index_cast %swap3A_447 : i32 to index
    %swap3A_449 = arith.constant 0 : index
    %swap3A_450 = tpu.vector_load %arg12[%swap3A_448, %swap3A_449] {strides = array<i32>} : memref<64x16xf32, #tpu.memory_space<vmem>>, vector<1x16xf32>,
    %swap3A_451 = vector.shape_cast %swap3A_450 : vector<1x16xf32> to vector<16xf32>
    %swap3A_452 = vector.shape_cast %scan3A_403#7 : vector<16xf32> to vector<1x16xf32>
    tpu.vector_store %arg12[%swap3A_448, %swap3A_449], %swap3A_452 {strides = array<i32>} : memref<64x16xf32, #tpu.memory_space<vmem>>, vector<1x16xf32>,
    %get3A_453 = arith.constant 24 : i32
    %get3A_454 = arith.index_cast %get3A_453 : i32 to index
    %get3A_455 = arith.constant 0 : index
    %get3A_456 = tpu.vector_load %arg10[%get3A_454, %get3A_455] {strides = array<i32>} : memref<64x16xf32, #tpu.memory_space<vmem>>, vector<1x16xf32>,
    %get3A_457 = vector.shape_cast %get3A_456 : vector<1x16xf32> to vector<16xf32>
    %get3A_458 = arith.constant 25 : i32
    %get3A_459 = arith.index_cast %get3A_458 : i32 to index
    %get3A_460 = arith.constant 0 : index
    %get3A_461 = tpu.vector_load %arg10[%get3A_459, %get3A_460] {strides = array<i32>} : memref<64x16xf32, #tpu.memory_space<vmem>>, vector<1x16xf32>,
    %get3A_462 = vector.shape_cast %get3A_461 : vector<1x16xf32> to vector<16xf32>
    %get3A_463 = arith.constant 26 : i32
    %get3A_464 = arith.index_cast %get3A_463 : i32 to index
    %get3A_465 = arith.constant 0 : index
    %get3A_466 = tpu.vector_load %arg10[%get3A_464, %get3A_465] {strides = array<i32>} : memref<64x16xf32, #tpu.memory_space<vmem>>, vector<1x16xf32>,
    %get3A_467 = vector.shape_cast %get3A_466 : vector<1x16xf32> to vector<16xf32>
    %get3A_468 = arith.constant 27 : i32
    %get3A_469 = arith.index_cast %get3A_468 : i32 to index
    %get3A_470 = arith.constant 0 : index
    %get3A_471 = tpu.vector_load %arg10[%get3A_469, %get3A_470] {strides = array<i32>} : memref<64x16xf32, #tpu.memory_space<vmem>>, vector<1x16xf32>,
    %get3A_472 = vector.shape_cast %get3A_471 : vector<1x16xf32> to vector<16xf32>
    %get3A_473 = arith.constant 28 : i32
    %get3A_474 = arith.index_cast %get3A_473 : i32 to index
    %get3A_475 = arith.constant 0 : index
    %get3A_476 = tpu.vector_load %arg10[%get3A_474, %get3A_475] {strides = array<i32>} : memref<64x16xf32, #tpu.memory_space<vmem>>, vector<1x16xf32>,
    %get3A_477 = vector.shape_cast %get3A_476 : vector<1x16xf32> to vector<16xf32>
    %get3A_478 = arith.constant 29 : i32
    %get3A_479 = arith.index_cast %get3A_478 : i32 to index
    %get3A_480 = arith.constant 0 : index
    %get3A_481 = tpu.vector_load %arg10[%get3A_479, %get3A_480] {strides = array<i32>} : memref<64x16xf32, #tpu.memory_space<vmem>>, vector<1x16xf32>,
    %get3A_482 = vector.shape_cast %get3A_481 : vector<1x16xf32> to vector<16xf32>
    %get3A_483 = arith.constant 30 : i32
    %get3A_484 = arith.index_cast %get3A_483 : i32 to index
    %get3A_485 = arith.constant 0 : index
    %get3A_486 = tpu.vector_load %arg10[%get3A_484, %get3A_485] {strides = array<i32>} : memref<64x16xf32, #tpu.memory_space<vmem>>, vector<1x16xf32>,
    %get3A_487 = vector.shape_cast %get3A_486 : vector<1x16xf32> to vector<16xf32>
    %get3A_488 = arith.constant 31 : i32
    %get3A_489 = arith.index_cast %get3A_488 : i32 to index
    %get3A_490 = arith.constant 0 : index
    %get3A_491 = tpu.vector_load %arg10[%get3A_489, %get3A_490] {strides = array<i32>} : memref<64x16xf32, #tpu.memory_space<vmem>>, vector<1x16xf32>,
    %get3A_492 = vector.shape_cast %get3A_491 : vector<1x16xf32> to vector<16xf32>
    %get3A_493 = arith.constant 24 : i32
    %get3A_494 = arith.index_cast %get3A_493 : i32 to index
    %get3A_495 = arith.constant 0 : index
    %get3A_496 = tpu.vector_load %arg11[%get3A_494, %get3A_495] {strides = array<i32>} : memref<64x16xf32, #tpu.memory_space<vmem>>, vector<1x16xf32>,
    %get3A_497 = vector.shape_cast %get3A_496 : vector<1x16xf32> to vector<16xf32>
    %get3A_498 = arith.constant 25 : i32
    %get3A_499 = arith.index_cast %get3A_498 : i32 to index
    %get3A_500 = arith.constant 0 : index
    %get3A_501 = tpu.vector_load %arg11[%get3A_499, %get3A_500] {strides = array<i32>} : memref<64x16xf32, #tpu.memory_space<vmem>>, vector<1x16xf32>,
    %get3A_502 = vector.shape_cast %get3A_501 : vector<1x16xf32> to vector<16xf32>
    %get3A_503 = arith.constant 26 : i32
    %get3A_504 = arith.index_cast %get3A_503 : i32 to index
    %get3A_505 = arith.constant 0 : index
    %get3A_506 = tpu.vector_load %arg11[%get3A_504, %get3A_505] {strides = array<i32>} : memref<64x16xf32, #tpu.memory_space<vmem>>, vector<1x16xf32>,
    %get3A_507 = vector.shape_cast %get3A_506 : vector<1x16xf32> to vector<16xf32>
    %get3A_508 = arith.constant 27 : i32
    %get3A_509 = arith.index_cast %get3A_508 : i32 to index
    %get3A_510 = arith.constant 0 : index
    %get3A_511 = tpu.vector_load %arg11[%get3A_509, %get3A_510] {strides = array<i32>} : memref<64x16xf32, #tpu.memory_space<vmem>>, vector<1x16xf32>,
    %get3A_512 = vector.shape_cast %get3A_511 : vector<1x16xf32> to vector<16xf32>
    %get3A_513 = arith.constant 28 : i32
    %get3A_514 = arith.index_cast %get3A_513 : i32 to index
    %get3A_515 = arith.constant 0 : index
    %get3A_516 = tpu.vector_load %arg11[%get3A_514, %get3A_515] {strides = array<i32>} : memref<64x16xf32, #tpu.memory_space<vmem>>, vector<1x16xf32>,
    %get3A_517 = vector.shape_cast %get3A_516 : vector<1x16xf32> to vector<16xf32>
    %get3A_518 = arith.constant 29 : i32
    %get3A_519 = arith.index_cast %get3A_518 : i32 to index
    %get3A_520 = arith.constant 0 : index
    %get3A_521 = tpu.vector_load %arg11[%get3A_519, %get3A_520] {strides = array<i32>} : memref<64x16xf32, #tpu.memory_space<vmem>>, vector<1x16xf32>,
    %get3A_522 = vector.shape_cast %get3A_521 : vector<1x16xf32> to vector<16xf32>
    %get3A_523 = arith.constant 30 : i32
    %get3A_524 = arith.index_cast %get3A_523 : i32 to index
    %get3A_525 = arith.constant 0 : index
    %get3A_526 = tpu.vector_load %arg11[%get3A_524, %get3A_525] {strides = array<i32>} : memref<64x16xf32, #tpu.memory_space<vmem>>, vector<1x16xf32>,
    %get3A_527 = vector.shape_cast %get3A_526 : vector<1x16xf32> to vector<16xf32>
    %get3A_528 = arith.constant 31 : i32
    %get3A_529 = arith.index_cast %get3A_528 : i32 to index
    %get3A_530 = arith.constant 0 : index
    %get3A_531 = tpu.vector_load %arg11[%get3A_529, %get3A_530] {strides = array<i32>} : memref<64x16xf32, #tpu.memory_space<vmem>>, vector<1x16xf32>,
    %get3A_532 = vector.shape_cast %get3A_531 : vector<1x16xf32> to vector<16xf32>
    %broadcast_in_dim3A_533 = arith.constant 0x7F800000 : f32
    %broadcast_in_dim3A_534 = vector.broadcast %broadcast_in_dim3A_533 : f32 to vector<16xf32>
    %broadcast_in_dim3A_535 = arith.constant 0x7F800000 : f32
    %broadcast_in_dim3A_536 = vector.broadcast %broadcast_in_dim3A_535 : f32 to vector<16xf32>
    %broadcast_in_dim3A_537 = arith.constant 0x7F800000 : f32
    %broadcast_in_dim3A_538 = vector.broadcast %broadcast_in_dim3A_537 : f32 to vector<16xf32>
    %broadcast_in_dim3A_539 = arith.constant 0x7F800000 : f32
    %broadcast_in_dim3A_540 = vector.broadcast %broadcast_in_dim3A_539 : f32 to vector<16xf32>
    %broadcast_in_dim3A_541 = arith.constant 0x7F800000 : f32
    %broadcast_in_dim3A_542 = vector.broadcast %broadcast_in_dim3A_541 : f32 to vector<16xf32>
    %broadcast_in_dim3A_543 = arith.constant 0x7F800000 : f32
    %broadcast_in_dim3A_544 = vector.broadcast %broadcast_in_dim3A_543 : f32 to vector<16xf32>
    %broadcast_in_dim3A_545 = arith.constant 0x7F800000 : f32
    %broadcast_in_dim3A_546 = vector.broadcast %broadcast_in_dim3A_545 : f32 to vector<16xf32>
    %broadcast_in_dim3A_547 = arith.constant 0x7F800000 : f32
    %broadcast_in_dim3A_548 = vector.broadcast %broadcast_in_dim3A_547 : f32 to vector<16xf32>
    %scan3A_549 = arith.constant 0 : i32
    %scan3A_550 = arith.constant 500 : i32
    %scan3A_551 = arith.addi %scan3A_549, %scan3A_550 : i32
    %scan3A_552 = arith.constant 2 : i32
    %scan3A_553:8 = scf.for %scan3A_1203 = %scan3A_549 to %scan3A_551 step %scan3A_552 iter_args(%scan3A_1204 = %broadcast_in_dim3A_534, %scan3A_1205 = %broadcast_in_dim3A_536, %scan3A_1206 = %broadcast_in_dim3A_538, %scan3A_1207 = %broadcast_in_dim3A_540, %scan3A_1208 = %broadcast_in_dim3A_542, %scan3A_1209 = %broadcast_in_dim3A_544, %scan3A_1210 = %broadcast_in_dim3A_546, %scan3A_1211 = %broadcast_in_dim3A_548) -> (vector<16xf32>, vector<16xf32>, vector<16xf32>, vector<16xf32>, vector<16xf32>, vector<16xf32>, vector<16xf32>, vector<16xf32>)  : i32 {
      %mul3A_1212 = arith.constant 16 : i32
      %mul3A_1213 = arith.muli %scan3A_1203, %mul3A_1212 : i32
      %get3A_1214 = arith.index_cast %mul3A_1213 : i32 to index
      %get3A_1215 = tpu.vector_load %arg7[%get3A_1214] {strides = array<i32>} : memref<8000xf32, #tpu.memory_space<vmem>>, vector<16xf32>,
      %get3A_1216 = vector.shape_cast %get3A_1215 : vector<16xf32> to vector<16xf32>
      %mul3A_1217 = arith.constant 16 : i32
      %mul3A_1218 = arith.muli %scan3A_1203, %mul3A_1217 : i32
      %get3A_1219 = arith.index_cast %mul3A_1218 : i32 to index
      %get3A_1220 = tpu.vector_load %arg8[%get3A_1219] {strides = array<i32>} : memref<8000xf32, #tpu.memory_space<vmem>>, vector<16xf32>,
      %get3A_1221 = vector.shape_cast %get3A_1220 : vector<16xf32> to vector<16xf32>
      %mul3A_1222 = arith.constant 16 : i32
      %mul3A_1223 = arith.muli %scan3A_1203, %mul3A_1222 : i32
      %get3A_1224 = arith.index_cast %mul3A_1223 : i32 to index
      %get3A_1225 = tpu.vector_load %arg9[%get3A_1224] {strides = array<i32>} : memref<8000xf32, #tpu.memory_space<vmem>>, vector<16xf32>,
      %get3A_1226 = vector.shape_cast %get3A_1225 : vector<16xf32> to vector<16xf32>
      %mul3A_1227 = arith.mulf %get3A_457, %get3A_1216 : vector<16xf32>
      %add3A = arith.addf %get3A_1226, %mul3A_1227 : vector<16xf32>
      %mul3A_1228 = arith.mulf %get3A_497, %get3A_1221 : vector<16xf32>
      %add3A_1229 = arith.addf %add3A, %mul3A_1228 : vector<16xf32>
      %min3A = arith.minimumf %scan3A_1204, %add3A_1229 : vector<16xf32>
      %mul3A_1230 = arith.mulf %get3A_462, %get3A_1216 : vector<16xf32>
      %add3A_1231 = arith.addf %get3A_1226, %mul3A_1230 : vector<16xf32>
      %mul3A_1232 = arith.mulf %get3A_502, %get3A_1221 : vector<16xf32>
      %add3A_1233 = arith.addf %add3A_1231, %mul3A_1232 : vector<16xf32>
      %min3A_1234 = arith.minimumf %scan3A_1205, %add3A_1233 : vector<16xf32>
      %mul3A_1235 = arith.mulf %get3A_467, %get3A_1216 : vector<16xf32>
      %add3A_1236 = arith.addf %get3A_1226, %mul3A_1235 : vector<16xf32>
      %mul3A_1237 = arith.mulf %get3A_507, %get3A_1221 : vector<16xf32>
      %add3A_1238 = arith.addf %add3A_1236, %mul3A_1237 : vector<16xf32>
      %min3A_1239 = arith.minimumf %scan3A_1206, %add3A_1238 : vector<16xf32>
      %mul3A_1240 = arith.mulf %get3A_472, %get3A_1216 : vector<16xf32>
      %add3A_1241 = arith.addf %get3A_1226, %mul3A_1240 : vector<16xf32>
      %mul3A_1242 = arith.mulf %get3A_512, %get3A_1221 : vector<16xf32>
      %add3A_1243 = arith.addf %add3A_1241, %mul3A_1242 : vector<16xf32>
      %min3A_1244 = arith.minimumf %scan3A_1207, %add3A_1243 : vector<16xf32>
      %mul3A_1245 = arith.mulf %get3A_477, %get3A_1216 : vector<16xf32>
      %add3A_1246 = arith.addf %get3A_1226, %mul3A_1245 : vector<16xf32>
      %mul3A_1247 = arith.mulf %get3A_517, %get3A_1221 : vector<16xf32>
      %add3A_1248 = arith.addf %add3A_1246, %mul3A_1247 : vector<16xf32>
      %min3A_1249 = arith.minimumf %scan3A_1208, %add3A_1248 : vector<16xf32>
      %mul3A_1250 = arith.mulf %get3A_482, %get3A_1216 : vector<16xf32>
      %add3A_1251 = arith.addf %get3A_1226, %mul3A_1250 : vector<16xf32>
      %mul3A_1252 = arith.mulf %get3A_522, %get3A_1221 : vector<16xf32>
      %add3A_1253 = arith.addf %add3A_1251, %mul3A_1252 : vector<16xf32>
      %min3A_1254 = arith.minimumf %scan3A_1209, %add3A_1253 : vector<16xf32>
      %mul3A_1255 = arith.mulf %get3A_487, %get3A_1216 : vector<16xf32>
      %add3A_1256 = arith.addf %get3A_1226, %mul3A_1255 : vector<16xf32>
      %mul3A_1257 = arith.mulf %get3A_527, %get3A_1221 : vector<16xf32>
      %add3A_1258 = arith.addf %add3A_1256, %mul3A_1257 : vector<16xf32>
      %min3A_1259 = arith.minimumf %scan3A_1210, %add3A_1258 : vector<16xf32>
      %mul3A_1260 = arith.mulf %get3A_492, %get3A_1216 : vector<16xf32>
      %add3A_1261 = arith.addf %get3A_1226, %mul3A_1260 : vector<16xf32>
      %mul3A_1262 = arith.mulf %get3A_532, %get3A_1221 : vector<16xf32>
      %add3A_1263 = arith.addf %add3A_1261, %mul3A_1262 : vector<16xf32>
      %min3A_1264 = arith.minimumf %scan3A_1211, %add3A_1263 : vector<16xf32>
      %scan3A_1265 = arith.constant 1 : i32
      %scan3A_1266 = arith.addi %scan3A_1203, %scan3A_1265 : i32
      %mul3A_1267 = arith.constant 16 : i32
      %mul3A_1268 = arith.muli %scan3A_1266, %mul3A_1267 : i32
      %get3A_1269 = arith.index_cast %mul3A_1268 : i32 to index
      %get3A_1270 = tpu.vector_load %arg7[%get3A_1269] {strides = array<i32>} : memref<8000xf32, #tpu.memory_space<vmem>>, vector<16xf32>,
      %get3A_1271 = vector.shape_cast %get3A_1270 : vector<16xf32> to vector<16xf32>
      %mul3A_1272 = arith.constant 16 : i32
      %mul3A_1273 = arith.muli %scan3A_1266, %mul3A_1272 : i32
      %get3A_1274 = arith.index_cast %mul3A_1273 : i32 to index
      %get3A_1275 = tpu.vector_load %arg8[%get3A_1274] {strides = array<i32>} : memref<8000xf32, #tpu.memory_space<vmem>>, vector<16xf32>,
      %get3A_1276 = vector.shape_cast %get3A_1275 : vector<16xf32> to vector<16xf32>
      %mul3A_1277 = arith.constant 16 : i32
      %mul3A_1278 = arith.muli %scan3A_1266, %mul3A_1277 : i32
      %get3A_1279 = arith.index_cast %mul3A_1278 : i32 to index
      %get3A_1280 = tpu.vector_load %arg9[%get3A_1279] {strides = array<i32>} : memref<8000xf32, #tpu.memory_space<vmem>>, vector<16xf32>,
      %get3A_1281 = vector.shape_cast %get3A_1280 : vector<16xf32> to vector<16xf32>
      %mul3A_1282 = arith.mulf %get3A_457, %get3A_1271 : vector<16xf32>
      %add3A_1283 = arith.addf %get3A_1281, %mul3A_1282 : vector<16xf32>
      %mul3A_1284 = arith.mulf %get3A_497, %get3A_1276 : vector<16xf32>
      %add3A_1285 = arith.addf %add3A_1283, %mul3A_1284 : vector<16xf32>
      %min3A_1286 = arith.minimumf %min3A, %add3A_1285 : vector<16xf32>
      %mul3A_1287 = arith.mulf %get3A_462, %get3A_1271 : vector<16xf32>
      %add3A_1288 = arith.addf %get3A_1281, %mul3A_1287 : vector<16xf32>
      %mul3A_1289 = arith.mulf %get3A_502, %get3A_1276 : vector<16xf32>
      %add3A_1290 = arith.addf %add3A_1288, %mul3A_1289 : vector<16xf32>
      %min3A_1291 = arith.minimumf %min3A_1234, %add3A_1290 : vector<16xf32>
      %mul3A_1292 = arith.mulf %get3A_467, %get3A_1271 : vector<16xf32>
      %add3A_1293 = arith.addf %get3A_1281, %mul3A_1292 : vector<16xf32>
      %mul3A_1294 = arith.mulf %get3A_507, %get3A_1276 : vector<16xf32>
      %add3A_1295 = arith.addf %add3A_1293, %mul3A_1294 : vector<16xf32>
      %min3A_1296 = arith.minimumf %min3A_1239, %add3A_1295 : vector<16xf32>
      %mul3A_1297 = arith.mulf %get3A_472, %get3A_1271 : vector<16xf32>
      %add3A_1298 = arith.addf %get3A_1281, %mul3A_1297 : vector<16xf32>
      %mul3A_1299 = arith.mulf %get3A_512, %get3A_1276 : vector<16xf32>
      %add3A_1300 = arith.addf %add3A_1298, %mul3A_1299 : vector<16xf32>
      %min3A_1301 = arith.minimumf %min3A_1244, %add3A_1300 : vector<16xf32>
      %mul3A_1302 = arith.mulf %get3A_477, %get3A_1271 : vector<16xf32>
      %add3A_1303 = arith.addf %get3A_1281, %mul3A_1302 : vector<16xf32>
      %mul3A_1304 = arith.mulf %get3A_517, %get3A_1276 : vector<16xf32>
      %add3A_1305 = arith.addf %add3A_1303, %mul3A_1304 : vector<16xf32>
      %min3A_1306 = arith.minimumf %min3A_1249, %add3A_1305 : vector<16xf32>
      %mul3A_1307 = arith.mulf %get3A_482, %get3A_1271 : vector<16xf32>
      %add3A_1308 = arith.addf %get3A_1281, %mul3A_1307 : vector<16xf32>
      %mul3A_1309 = arith.mulf %get3A_522, %get3A_1276 : vector<16xf32>
      %add3A_1310 = arith.addf %add3A_1308, %mul3A_1309 : vector<16xf32>
      %min3A_1311 = arith.minimumf %min3A_1254, %add3A_1310 : vector<16xf32>
      %mul3A_1312 = arith.mulf %get3A_487, %get3A_1271 : vector<16xf32>
      %add3A_1313 = arith.addf %get3A_1281, %mul3A_1312 : vector<16xf32>
      %mul3A_1314 = arith.mulf %get3A_527, %get3A_1276 : vector<16xf32>
      %add3A_1315 = arith.addf %add3A_1313, %mul3A_1314 : vector<16xf32>
      %min3A_1316 = arith.minimumf %min3A_1259, %add3A_1315 : vector<16xf32>
      %mul3A_1317 = arith.mulf %get3A_492, %get3A_1271 : vector<16xf32>
      %add3A_1318 = arith.addf %get3A_1281, %mul3A_1317 : vector<16xf32>
      %mul3A_1319 = arith.mulf %get3A_532, %get3A_1276 : vector<16xf32>
      %add3A_1320 = arith.addf %add3A_1318, %mul3A_1319 : vector<16xf32>
      %min3A_1321 = arith.minimumf %min3A_1264, %add3A_1320 : vector<16xf32>
      scf.yield %min3A_1286, %min3A_1291, %min3A_1296, %min3A_1301, %min3A_1306, %min3A_1311, %min3A_1316, %min3A_1321 : vector<16xf32>, vector<16xf32>, vector<16xf32>, vector<16xf32>, vector<16xf32>, vector<16xf32>, vector<16xf32>, vector<16xf32>
    }
    %scan3A_554 = arith.constant 500 : i32
    %swap3A_555 = arith.constant 24 : i32
    %swap3A_556 = arith.index_cast %swap3A_555 : i32 to index
    %swap3A_557 = arith.constant 0 : index
    %swap3A_558 = tpu.vector_load %arg12[%swap3A_556, %swap3A_557] {strides = array<i32>} : memref<64x16xf32, #tpu.memory_space<vmem>>, vector<1x16xf32>,
    %swap3A_559 = vector.shape_cast %swap3A_558 : vector<1x16xf32> to vector<16xf32>
    %swap3A_560 = vector.shape_cast %scan3A_553#0 : vector<16xf32> to vector<1x16xf32>
    tpu.vector_store %arg12[%swap3A_556, %swap3A_557], %swap3A_560 {strides = array<i32>} : memref<64x16xf32, #tpu.memory_space<vmem>>, vector<1x16xf32>,
    %swap3A_561 = arith.constant 25 : i32
    %swap3A_562 = arith.index_cast %swap3A_561 : i32 to index
    %swap3A_563 = arith.constant 0 : index
    %swap3A_564 = tpu.vector_load %arg12[%swap3A_562, %swap3A_563] {strides = array<i32>} : memref<64x16xf32, #tpu.memory_space<vmem>>, vector<1x16xf32>,
    %swap3A_565 = vector.shape_cast %swap3A_564 : vector<1x16xf32> to vector<16xf32>
    %swap3A_566 = vector.shape_cast %scan3A_553#1 : vector<16xf32> to vector<1x16xf32>
    tpu.vector_store %arg12[%swap3A_562, %swap3A_563], %swap3A_566 {strides = array<i32>} : memref<64x16xf32, #tpu.memory_space<vmem>>, vector<1x16xf32>,
    %swap3A_567 = arith.constant 26 : i32
    %swap3A_568 = arith.index_cast %swap3A_567 : i32 to index
    %swap3A_569 = arith.constant 0 : index
    %swap3A_570 = tpu.vector_load %arg12[%swap3A_568, %swap3A_569] {strides = array<i32>} : memref<64x16xf32, #tpu.memory_space<vmem>>, vector<1x16xf32>,
    %swap3A_571 = vector.shape_cast %swap3A_570 : vector<1x16xf32> to vector<16xf32>
    %swap3A_572 = vector.shape_cast %scan3A_553#2 : vector<16xf32> to vector<1x16xf32>
    tpu.vector_store %arg12[%swap3A_568, %swap3A_569], %swap3A_572 {strides = array<i32>} : memref<64x16xf32, #tpu.memory_space<vmem>>, vector<1x16xf32>,
    %swap3A_573 = arith.constant 27 : i32
    %swap3A_574 = arith.index_cast %swap3A_573 : i32 to index
    %swap3A_575 = arith.constant 0 : index
    %swap3A_576 = tpu.vector_load %arg12[%swap3A_574, %swap3A_575] {strides = array<i32>} : memref<64x16xf32, #tpu.memory_space<vmem>>, vector<1x16xf32>,
    %swap3A_577 = vector.shape_cast %swap3A_576 : vector<1x16xf32> to vector<16xf32>
    %swap3A_578 = vector.shape_cast %scan3A_553#3 : vector<16xf32> to vector<1x16xf32>
    tpu.vector_store %arg12[%swap3A_574, %swap3A_575], %swap3A_578 {strides = array<i32>} : memref<64x16xf32, #tpu.memory_space<vmem>>, vector<1x16xf32>,
    %swap3A_579 = arith.constant 28 : i32
    %swap3A_580 = arith.index_cast %swap3A_579 : i32 to index
    %swap3A_581 = arith.constant 0 : index
    %swap3A_582 = tpu.vector_load %arg12[%swap3A_580, %swap3A_581] {strides = array<i32>} : memref<64x16xf32, #tpu.memory_space<vmem>>, vector<1x16xf32>,
    %swap3A_583 = vector.shape_cast %swap3A_582 : vector<1x16xf32> to vector<16xf32>
    %swap3A_584 = vector.shape_cast %scan3A_553#4 : vector<16xf32> to vector<1x16xf32>
    tpu.vector_store %arg12[%swap3A_580, %swap3A_581], %swap3A_584 {strides = array<i32>} : memref<64x16xf32, #tpu.memory_space<vmem>>, vector<1x16xf32>,
    %swap3A_585 = arith.constant 29 : i32
    %swap3A_586 = arith.index_cast %swap3A_585 : i32 to index
    %swap3A_587 = arith.constant 0 : index
    %swap3A_588 = tpu.vector_load %arg12[%swap3A_586, %swap3A_587] {strides = array<i32>} : memref<64x16xf32, #tpu.memory_space<vmem>>, vector<1x16xf32>,
    %swap3A_589 = vector.shape_cast %swap3A_588 : vector<1x16xf32> to vector<16xf32>
    %swap3A_590 = vector.shape_cast %scan3A_553#5 : vector<16xf32> to vector<1x16xf32>
    tpu.vector_store %arg12[%swap3A_586, %swap3A_587], %swap3A_590 {strides = array<i32>} : memref<64x16xf32, #tpu.memory_space<vmem>>, vector<1x16xf32>,
    %swap3A_591 = arith.constant 30 : i32
    %swap3A_592 = arith.index_cast %swap3A_591 : i32 to index
    %swap3A_593 = arith.constant 0 : index
    %swap3A_594 = tpu.vector_load %arg12[%swap3A_592, %swap3A_593] {strides = array<i32>} : memref<64x16xf32, #tpu.memory_space<vmem>>, vector<1x16xf32>,
    %swap3A_595 = vector.shape_cast %swap3A_594 : vector<1x16xf32> to vector<16xf32>
    %swap3A_596 = vector.shape_cast %scan3A_553#6 : vector<16xf32> to vector<1x16xf32>
    tpu.vector_store %arg12[%swap3A_592, %swap3A_593], %swap3A_596 {strides = array<i32>} : memref<64x16xf32, #tpu.memory_space<vmem>>, vector<1x16xf32>,
    %swap3A_597 = arith.constant 31 : i32
    %swap3A_598 = arith.index_cast %swap3A_597 : i32 to index
    %swap3A_599 = arith.constant 0 : index
    %swap3A_600 = tpu.vector_load %arg12[%swap3A_598, %swap3A_599] {strides = array<i32>} : memref<64x16xf32, #tpu.memory_space<vmem>>, vector<1x16xf32>,
    %swap3A_601 = vector.shape_cast %swap3A_600 : vector<1x16xf32> to vector<16xf32>
    %swap3A_602 = vector.shape_cast %scan3A_553#7 : vector<16xf32> to vector<1x16xf32>
    tpu.vector_store %arg12[%swap3A_598, %swap3A_599], %swap3A_602 {strides = array<i32>} : memref<64x16xf32, #tpu.memory_space<vmem>>, vector<1x16xf32>,
    %get3A_603 = arith.constant 32 : i32
    %get3A_604 = arith.index_cast %get3A_603 : i32 to index
    %get3A_605 = arith.constant 0 : index
    %get3A_606 = tpu.vector_load %arg10[%get3A_604, %get3A_605] {strides = array<i32>} : memref<64x16xf32, #tpu.memory_space<vmem>>, vector<1x16xf32>,
    %get3A_607 = vector.shape_cast %get3A_606 : vector<1x16xf32> to vector<16xf32>
    %get3A_608 = arith.constant 33 : i32
    %get3A_609 = arith.index_cast %get3A_608 : i32 to index
    %get3A_610 = arith.constant 0 : index
    %get3A_611 = tpu.vector_load %arg10[%get3A_609, %get3A_610] {strides = array<i32>} : memref<64x16xf32, #tpu.memory_space<vmem>>, vector<1x16xf32>,
    %get3A_612 = vector.shape_cast %get3A_611 : vector<1x16xf32> to vector<16xf32>
    %get3A_613 = arith.constant 34 : i32
    %get3A_614 = arith.index_cast %get3A_613 : i32 to index
    %get3A_615 = arith.constant 0 : index
    %get3A_616 = tpu.vector_load %arg10[%get3A_614, %get3A_615] {strides = array<i32>} : memref<64x16xf32, #tpu.memory_space<vmem>>, vector<1x16xf32>,
    %get3A_617 = vector.shape_cast %get3A_616 : vector<1x16xf32> to vector<16xf32>
    %get3A_618 = arith.constant 35 : i32
    %get3A_619 = arith.index_cast %get3A_618 : i32 to index
    %get3A_620 = arith.constant 0 : index
    %get3A_621 = tpu.vector_load %arg10[%get3A_619, %get3A_620] {strides = array<i32>} : memref<64x16xf32, #tpu.memory_space<vmem>>, vector<1x16xf32>,
    %get3A_622 = vector.shape_cast %get3A_621 : vector<1x16xf32> to vector<16xf32>
    %get3A_623 = arith.constant 36 : i32
    %get3A_624 = arith.index_cast %get3A_623 : i32 to index
    %get3A_625 = arith.constant 0 : index
    %get3A_626 = tpu.vector_load %arg10[%get3A_624, %get3A_625] {strides = array<i32>} : memref<64x16xf32, #tpu.memory_space<vmem>>, vector<1x16xf32>,
    %get3A_627 = vector.shape_cast %get3A_626 : vector<1x16xf32> to vector<16xf32>
    %get3A_628 = arith.constant 37 : i32
    %get3A_629 = arith.index_cast %get3A_628 : i32 to index
    %get3A_630 = arith.constant 0 : index
    %get3A_631 = tpu.vector_load %arg10[%get3A_629, %get3A_630] {strides = array<i32>} : memref<64x16xf32, #tpu.memory_space<vmem>>, vector<1x16xf32>,
    %get3A_632 = vector.shape_cast %get3A_631 : vector<1x16xf32> to vector<16xf32>
    %get3A_633 = arith.constant 38 : i32
    %get3A_634 = arith.index_cast %get3A_633 : i32 to index
    %get3A_635 = arith.constant 0 : index
    %get3A_636 = tpu.vector_load %arg10[%get3A_634, %get3A_635] {strides = array<i32>} : memref<64x16xf32, #tpu.memory_space<vmem>>, vector<1x16xf32>,
    %get3A_637 = vector.shape_cast %get3A_636 : vector<1x16xf32> to vector<16xf32>
    %get3A_638 = arith.constant 39 : i32
    %get3A_639 = arith.index_cast %get3A_638 : i32 to index
    %get3A_640 = arith.constant 0 : index
    %get3A_641 = tpu.vector_load %arg10[%get3A_639, %get3A_640] {strides = array<i32>} : memref<64x16xf32, #tpu.memory_space<vmem>>, vector<1x16xf32>,
    %get3A_642 = vector.shape_cast %get3A_641 : vector<1x16xf32> to vector<16xf32>
    %get3A_643 = arith.constant 32 : i32
    %get3A_644 = arith.index_cast %get3A_643 : i32 to index
    %get3A_645 = arith.constant 0 : index
    %get3A_646 = tpu.vector_load %arg11[%get3A_644, %get3A_645] {strides = array<i32>} : memref<64x16xf32, #tpu.memory_space<vmem>>, vector<1x16xf32>,
    %get3A_647 = vector.shape_cast %get3A_646 : vector<1x16xf32> to vector<16xf32>
    %get3A_648 = arith.constant 33 : i32
    %get3A_649 = arith.index_cast %get3A_648 : i32 to index
    %get3A_650 = arith.constant 0 : index
    %get3A_651 = tpu.vector_load %arg11[%get3A_649, %get3A_650] {strides = array<i32>} : memref<64x16xf32, #tpu.memory_space<vmem>>, vector<1x16xf32>,
    %get3A_652 = vector.shape_cast %get3A_651 : vector<1x16xf32> to vector<16xf32>
    %get3A_653 = arith.constant 34 : i32
    %get3A_654 = arith.index_cast %get3A_653 : i32 to index
    %get3A_655 = arith.constant 0 : index
    %get3A_656 = tpu.vector_load %arg11[%get3A_654, %get3A_655] {strides = array<i32>} : memref<64x16xf32, #tpu.memory_space<vmem>>, vector<1x16xf32>,
    %get3A_657 = vector.shape_cast %get3A_656 : vector<1x16xf32> to vector<16xf32>
    %get3A_658 = arith.constant 35 : i32
    %get3A_659 = arith.index_cast %get3A_658 : i32 to index
    %get3A_660 = arith.constant 0 : index
    %get3A_661 = tpu.vector_load %arg11[%get3A_659, %get3A_660] {strides = array<i32>} : memref<64x16xf32, #tpu.memory_space<vmem>>, vector<1x16xf32>,
    %get3A_662 = vector.shape_cast %get3A_661 : vector<1x16xf32> to vector<16xf32>
    %get3A_663 = arith.constant 36 : i32
    %get3A_664 = arith.index_cast %get3A_663 : i32 to index
    %get3A_665 = arith.constant 0 : index
    %get3A_666 = tpu.vector_load %arg11[%get3A_664, %get3A_665] {strides = array<i32>} : memref<64x16xf32, #tpu.memory_space<vmem>>, vector<1x16xf32>,
    %get3A_667 = vector.shape_cast %get3A_666 : vector<1x16xf32> to vector<16xf32>
    %get3A_668 = arith.constant 37 : i32
    %get3A_669 = arith.index_cast %get3A_668 : i32 to index
    %get3A_670 = arith.constant 0 : index
    %get3A_671 = tpu.vector_load %arg11[%get3A_669, %get3A_670] {strides = array<i32>} : memref<64x16xf32, #tpu.memory_space<vmem>>, vector<1x16xf32>,
    %get3A_672 = vector.shape_cast %get3A_671 : vector<1x16xf32> to vector<16xf32>
    %get3A_673 = arith.constant 38 : i32
    %get3A_674 = arith.index_cast %get3A_673 : i32 to index
    %get3A_675 = arith.constant 0 : index
    %get3A_676 = tpu.vector_load %arg11[%get3A_674, %get3A_675] {strides = array<i32>} : memref<64x16xf32, #tpu.memory_space<vmem>>, vector<1x16xf32>,
    %get3A_677 = vector.shape_cast %get3A_676 : vector<1x16xf32> to vector<16xf32>
    %get3A_678 = arith.constant 39 : i32
    %get3A_679 = arith.index_cast %get3A_678 : i32 to index
    %get3A_680 = arith.constant 0 : index
    %get3A_681 = tpu.vector_load %arg11[%get3A_679, %get3A_680] {strides = array<i32>} : memref<64x16xf32, #tpu.memory_space<vmem>>, vector<1x16xf32>,
    %get3A_682 = vector.shape_cast %get3A_681 : vector<1x16xf32> to vector<16xf32>
    %broadcast_in_dim3A_683 = arith.constant 0x7F800000 : f32
    %broadcast_in_dim3A_684 = vector.broadcast %broadcast_in_dim3A_683 : f32 to vector<16xf32>
    %broadcast_in_dim3A_685 = arith.constant 0x7F800000 : f32
    %broadcast_in_dim3A_686 = vector.broadcast %broadcast_in_dim3A_685 : f32 to vector<16xf32>
    %broadcast_in_dim3A_687 = arith.constant 0x7F800000 : f32
    %broadcast_in_dim3A_688 = vector.broadcast %broadcast_in_dim3A_687 : f32 to vector<16xf32>
    %broadcast_in_dim3A_689 = arith.constant 0x7F800000 : f32
    %broadcast_in_dim3A_690 = vector.broadcast %broadcast_in_dim3A_689 : f32 to vector<16xf32>
    %broadcast_in_dim3A_691 = arith.constant 0x7F800000 : f32
    %broadcast_in_dim3A_692 = vector.broadcast %broadcast_in_dim3A_691 : f32 to vector<16xf32>
    %broadcast_in_dim3A_693 = arith.constant 0x7F800000 : f32
    %broadcast_in_dim3A_694 = vector.broadcast %broadcast_in_dim3A_693 : f32 to vector<16xf32>
    %broadcast_in_dim3A_695 = arith.constant 0x7F800000 : f32
    %broadcast_in_dim3A_696 = vector.broadcast %broadcast_in_dim3A_695 : f32 to vector<16xf32>
    %broadcast_in_dim3A_697 = arith.constant 0x7F800000 : f32
    %broadcast_in_dim3A_698 = vector.broadcast %broadcast_in_dim3A_697 : f32 to vector<16xf32>
    %scan3A_699 = arith.constant 0 : i32
    %scan3A_700 = arith.constant 500 : i32
    %scan3A_701 = arith.addi %scan3A_699, %scan3A_700 : i32
    %scan3A_702 = arith.constant 2 : i32
    %scan3A_703:8 = scf.for %scan3A_1203 = %scan3A_699 to %scan3A_701 step %scan3A_702 iter_args(%scan3A_1204 = %broadcast_in_dim3A_684, %scan3A_1205 = %broadcast_in_dim3A_686, %scan3A_1206 = %broadcast_in_dim3A_688, %scan3A_1207 = %broadcast_in_dim3A_690, %scan3A_1208 = %broadcast_in_dim3A_692, %scan3A_1209 = %broadcast_in_dim3A_694, %scan3A_1210 = %broadcast_in_dim3A_696, %scan3A_1211 = %broadcast_in_dim3A_698) -> (vector<16xf32>, vector<16xf32>, vector<16xf32>, vector<16xf32>, vector<16xf32>, vector<16xf32>, vector<16xf32>, vector<16xf32>)  : i32 {
      %mul3A_1212 = arith.constant 16 : i32
      %mul3A_1213 = arith.muli %scan3A_1203, %mul3A_1212 : i32
      %get3A_1214 = arith.index_cast %mul3A_1213 : i32 to index
      %get3A_1215 = tpu.vector_load %arg7[%get3A_1214] {strides = array<i32>} : memref<8000xf32, #tpu.memory_space<vmem>>, vector<16xf32>,
      %get3A_1216 = vector.shape_cast %get3A_1215 : vector<16xf32> to vector<16xf32>
      %mul3A_1217 = arith.constant 16 : i32
      %mul3A_1218 = arith.muli %scan3A_1203, %mul3A_1217 : i32
      %get3A_1219 = arith.index_cast %mul3A_1218 : i32 to index
      %get3A_1220 = tpu.vector_load %arg8[%get3A_1219] {strides = array<i32>} : memref<8000xf32, #tpu.memory_space<vmem>>, vector<16xf32>,
      %get3A_1221 = vector.shape_cast %get3A_1220 : vector<16xf32> to vector<16xf32>
      %mul3A_1222 = arith.constant 16 : i32
      %mul3A_1223 = arith.muli %scan3A_1203, %mul3A_1222 : i32
      %get3A_1224 = arith.index_cast %mul3A_1223 : i32 to index
      %get3A_1225 = tpu.vector_load %arg9[%get3A_1224] {strides = array<i32>} : memref<8000xf32, #tpu.memory_space<vmem>>, vector<16xf32>,
      %get3A_1226 = vector.shape_cast %get3A_1225 : vector<16xf32> to vector<16xf32>
      %mul3A_1227 = arith.mulf %get3A_607, %get3A_1216 : vector<16xf32>
      %add3A = arith.addf %get3A_1226, %mul3A_1227 : vector<16xf32>
      %mul3A_1228 = arith.mulf %get3A_647, %get3A_1221 : vector<16xf32>
      %add3A_1229 = arith.addf %add3A, %mul3A_1228 : vector<16xf32>
      %min3A = arith.minimumf %scan3A_1204, %add3A_1229 : vector<16xf32>
      %mul3A_1230 = arith.mulf %get3A_612, %get3A_1216 : vector<16xf32>
      %add3A_1231 = arith.addf %get3A_1226, %mul3A_1230 : vector<16xf32>
      %mul3A_1232 = arith.mulf %get3A_652, %get3A_1221 : vector<16xf32>
      %add3A_1233 = arith.addf %add3A_1231, %mul3A_1232 : vector<16xf32>
      %min3A_1234 = arith.minimumf %scan3A_1205, %add3A_1233 : vector<16xf32>
      %mul3A_1235 = arith.mulf %get3A_617, %get3A_1216 : vector<16xf32>
      %add3A_1236 = arith.addf %get3A_1226, %mul3A_1235 : vector<16xf32>
      %mul3A_1237 = arith.mulf %get3A_657, %get3A_1221 : vector<16xf32>
      %add3A_1238 = arith.addf %add3A_1236, %mul3A_1237 : vector<16xf32>
      %min3A_1239 = arith.minimumf %scan3A_1206, %add3A_1238 : vector<16xf32>
      %mul3A_1240 = arith.mulf %get3A_622, %get3A_1216 : vector<16xf32>
      %add3A_1241 = arith.addf %get3A_1226, %mul3A_1240 : vector<16xf32>
      %mul3A_1242 = arith.mulf %get3A_662, %get3A_1221 : vector<16xf32>
      %add3A_1243 = arith.addf %add3A_1241, %mul3A_1242 : vector<16xf32>
      %min3A_1244 = arith.minimumf %scan3A_1207, %add3A_1243 : vector<16xf32>
      %mul3A_1245 = arith.mulf %get3A_627, %get3A_1216 : vector<16xf32>
      %add3A_1246 = arith.addf %get3A_1226, %mul3A_1245 : vector<16xf32>
      %mul3A_1247 = arith.mulf %get3A_667, %get3A_1221 : vector<16xf32>
      %add3A_1248 = arith.addf %add3A_1246, %mul3A_1247 : vector<16xf32>
      %min3A_1249 = arith.minimumf %scan3A_1208, %add3A_1248 : vector<16xf32>
      %mul3A_1250 = arith.mulf %get3A_632, %get3A_1216 : vector<16xf32>
      %add3A_1251 = arith.addf %get3A_1226, %mul3A_1250 : vector<16xf32>
      %mul3A_1252 = arith.mulf %get3A_672, %get3A_1221 : vector<16xf32>
      %add3A_1253 = arith.addf %add3A_1251, %mul3A_1252 : vector<16xf32>
      %min3A_1254 = arith.minimumf %scan3A_1209, %add3A_1253 : vector<16xf32>
      %mul3A_1255 = arith.mulf %get3A_637, %get3A_1216 : vector<16xf32>
      %add3A_1256 = arith.addf %get3A_1226, %mul3A_1255 : vector<16xf32>
      %mul3A_1257 = arith.mulf %get3A_677, %get3A_1221 : vector<16xf32>
      %add3A_1258 = arith.addf %add3A_1256, %mul3A_1257 : vector<16xf32>
      %min3A_1259 = arith.minimumf %scan3A_1210, %add3A_1258 : vector<16xf32>
      %mul3A_1260 = arith.mulf %get3A_642, %get3A_1216 : vector<16xf32>
      %add3A_1261 = arith.addf %get3A_1226, %mul3A_1260 : vector<16xf32>
      %mul3A_1262 = arith.mulf %get3A_682, %get3A_1221 : vector<16xf32>
      %add3A_1263 = arith.addf %add3A_1261, %mul3A_1262 : vector<16xf32>
      %min3A_1264 = arith.minimumf %scan3A_1211, %add3A_1263 : vector<16xf32>
      %scan3A_1265 = arith.constant 1 : i32
      %scan3A_1266 = arith.addi %scan3A_1203, %scan3A_1265 : i32
      %mul3A_1267 = arith.constant 16 : i32
      %mul3A_1268 = arith.muli %scan3A_1266, %mul3A_1267 : i32
      %get3A_1269 = arith.index_cast %mul3A_1268 : i32 to index
      %get3A_1270 = tpu.vector_load %arg7[%get3A_1269] {strides = array<i32>} : memref<8000xf32, #tpu.memory_space<vmem>>, vector<16xf32>,
      %get3A_1271 = vector.shape_cast %get3A_1270 : vector<16xf32> to vector<16xf32>
      %mul3A_1272 = arith.constant 16 : i32
      %mul3A_1273 = arith.muli %scan3A_1266, %mul3A_1272 : i32
      %get3A_1274 = arith.index_cast %mul3A_1273 : i32 to index
      %get3A_1275 = tpu.vector_load %arg8[%get3A_1274] {strides = array<i32>} : memref<8000xf32, #tpu.memory_space<vmem>>, vector<16xf32>,
      %get3A_1276 = vector.shape_cast %get3A_1275 : vector<16xf32> to vector<16xf32>
      %mul3A_1277 = arith.constant 16 : i32
      %mul3A_1278 = arith.muli %scan3A_1266, %mul3A_1277 : i32
      %get3A_1279 = arith.index_cast %mul3A_1278 : i32 to index
      %get3A_1280 = tpu.vector_load %arg9[%get3A_1279] {strides = array<i32>} : memref<8000xf32, #tpu.memory_space<vmem>>, vector<16xf32>,
      %get3A_1281 = vector.shape_cast %get3A_1280 : vector<16xf32> to vector<16xf32>
      %mul3A_1282 = arith.mulf %get3A_607, %get3A_1271 : vector<16xf32>
      %add3A_1283 = arith.addf %get3A_1281, %mul3A_1282 : vector<16xf32>
      %mul3A_1284 = arith.mulf %get3A_647, %get3A_1276 : vector<16xf32>
      %add3A_1285 = arith.addf %add3A_1283, %mul3A_1284 : vector<16xf32>
      %min3A_1286 = arith.minimumf %min3A, %add3A_1285 : vector<16xf32>
      %mul3A_1287 = arith.mulf %get3A_612, %get3A_1271 : vector<16xf32>
      %add3A_1288 = arith.addf %get3A_1281, %mul3A_1287 : vector<16xf32>
      %mul3A_1289 = arith.mulf %get3A_652, %get3A_1276 : vector<16xf32>
      %add3A_1290 = arith.addf %add3A_1288, %mul3A_1289 : vector<16xf32>
      %min3A_1291 = arith.minimumf %min3A_1234, %add3A_1290 : vector<16xf32>
      %mul3A_1292 = arith.mulf %get3A_617, %get3A_1271 : vector<16xf32>
      %add3A_1293 = arith.addf %get3A_1281, %mul3A_1292 : vector<16xf32>
      %mul3A_1294 = arith.mulf %get3A_657, %get3A_1276 : vector<16xf32>
      %add3A_1295 = arith.addf %add3A_1293, %mul3A_1294 : vector<16xf32>
      %min3A_1296 = arith.minimumf %min3A_1239, %add3A_1295 : vector<16xf32>
      %mul3A_1297 = arith.mulf %get3A_622, %get3A_1271 : vector<16xf32>
      %add3A_1298 = arith.addf %get3A_1281, %mul3A_1297 : vector<16xf32>
      %mul3A_1299 = arith.mulf %get3A_662, %get3A_1276 : vector<16xf32>
      %add3A_1300 = arith.addf %add3A_1298, %mul3A_1299 : vector<16xf32>
      %min3A_1301 = arith.minimumf %min3A_1244, %add3A_1300 : vector<16xf32>
      %mul3A_1302 = arith.mulf %get3A_627, %get3A_1271 : vector<16xf32>
      %add3A_1303 = arith.addf %get3A_1281, %mul3A_1302 : vector<16xf32>
      %mul3A_1304 = arith.mulf %get3A_667, %get3A_1276 : vector<16xf32>
      %add3A_1305 = arith.addf %add3A_1303, %mul3A_1304 : vector<16xf32>
      %min3A_1306 = arith.minimumf %min3A_1249, %add3A_1305 : vector<16xf32>
      %mul3A_1307 = arith.mulf %get3A_632, %get3A_1271 : vector<16xf32>
      %add3A_1308 = arith.addf %get3A_1281, %mul3A_1307 : vector<16xf32>
      %mul3A_1309 = arith.mulf %get3A_672, %get3A_1276 : vector<16xf32>
      %add3A_1310 = arith.addf %add3A_1308, %mul3A_1309 : vector<16xf32>
      %min3A_1311 = arith.minimumf %min3A_1254, %add3A_1310 : vector<16xf32>
      %mul3A_1312 = arith.mulf %get3A_637, %get3A_1271 : vector<16xf32>
      %add3A_1313 = arith.addf %get3A_1281, %mul3A_1312 : vector<16xf32>
      %mul3A_1314 = arith.mulf %get3A_677, %get3A_1276 : vector<16xf32>
      %add3A_1315 = arith.addf %add3A_1313, %mul3A_1314 : vector<16xf32>
      %min3A_1316 = arith.minimumf %min3A_1259, %add3A_1315 : vector<16xf32>
      %mul3A_1317 = arith.mulf %get3A_642, %get3A_1271 : vector<16xf32>
      %add3A_1318 = arith.addf %get3A_1281, %mul3A_1317 : vector<16xf32>
      %mul3A_1319 = arith.mulf %get3A_682, %get3A_1276 : vector<16xf32>
      %add3A_1320 = arith.addf %add3A_1318, %mul3A_1319 : vector<16xf32>
      %min3A_1321 = arith.minimumf %min3A_1264, %add3A_1320 : vector<16xf32>
      scf.yield %min3A_1286, %min3A_1291, %min3A_1296, %min3A_1301, %min3A_1306, %min3A_1311, %min3A_1316, %min3A_1321 : vector<16xf32>, vector<16xf32>, vector<16xf32>, vector<16xf32>, vector<16xf32>, vector<16xf32>, vector<16xf32>, vector<16xf32>
    }
    %scan3A_704 = arith.constant 500 : i32
    %swap3A_705 = arith.constant 32 : i32
    %swap3A_706 = arith.index_cast %swap3A_705 : i32 to index
    %swap3A_707 = arith.constant 0 : index
    %swap3A_708 = tpu.vector_load %arg12[%swap3A_706, %swap3A_707] {strides = array<i32>} : memref<64x16xf32, #tpu.memory_space<vmem>>, vector<1x16xf32>,
    %swap3A_709 = vector.shape_cast %swap3A_708 : vector<1x16xf32> to vector<16xf32>
    %swap3A_710 = vector.shape_cast %scan3A_703#0 : vector<16xf32> to vector<1x16xf32>
    tpu.vector_store %arg12[%swap3A_706, %swap3A_707], %swap3A_710 {strides = array<i32>} : memref<64x16xf32, #tpu.memory_space<vmem>>, vector<1x16xf32>,
    %swap3A_711 = arith.constant 33 : i32
    %swap3A_712 = arith.index_cast %swap3A_711 : i32 to index
    %swap3A_713 = arith.constant 0 : index
    %swap3A_714 = tpu.vector_load %arg12[%swap3A_712, %swap3A_713] {strides = array<i32>} : memref<64x16xf32, #tpu.memory_space<vmem>>, vector<1x16xf32>,
    %swap3A_715 = vector.shape_cast %swap3A_714 : vector<1x16xf32> to vector<16xf32>
    %swap3A_716 = vector.shape_cast %scan3A_703#1 : vector<16xf32> to vector<1x16xf32>
    tpu.vector_store %arg12[%swap3A_712, %swap3A_713], %swap3A_716 {strides = array<i32>} : memref<64x16xf32, #tpu.memory_space<vmem>>, vector<1x16xf32>,
    %swap3A_717 = arith.constant 34 : i32
    %swap3A_718 = arith.index_cast %swap3A_717 : i32 to index
    %swap3A_719 = arith.constant 0 : index
    %swap3A_720 = tpu.vector_load %arg12[%swap3A_718, %swap3A_719] {strides = array<i32>} : memref<64x16xf32, #tpu.memory_space<vmem>>, vector<1x16xf32>,
    %swap3A_721 = vector.shape_cast %swap3A_720 : vector<1x16xf32> to vector<16xf32>
    %swap3A_722 = vector.shape_cast %scan3A_703#2 : vector<16xf32> to vector<1x16xf32>
    tpu.vector_store %arg12[%swap3A_718, %swap3A_719], %swap3A_722 {strides = array<i32>} : memref<64x16xf32, #tpu.memory_space<vmem>>, vector<1x16xf32>,
    %swap3A_723 = arith.constant 35 : i32
    %swap3A_724 = arith.index_cast %swap3A_723 : i32 to index
    %swap3A_725 = arith.constant 0 : index
    %swap3A_726 = tpu.vector_load %arg12[%swap3A_724, %swap3A_725] {strides = array<i32>} : memref<64x16xf32, #tpu.memory_space<vmem>>, vector<1x16xf32>,
    %swap3A_727 = vector.shape_cast %swap3A_726 : vector<1x16xf32> to vector<16xf32>
    %swap3A_728 = vector.shape_cast %scan3A_703#3 : vector<16xf32> to vector<1x16xf32>
    tpu.vector_store %arg12[%swap3A_724, %swap3A_725], %swap3A_728 {strides = array<i32>} : memref<64x16xf32, #tpu.memory_space<vmem>>, vector<1x16xf32>,
    %swap3A_729 = arith.constant 36 : i32
    %swap3A_730 = arith.index_cast %swap3A_729 : i32 to index
    %swap3A_731 = arith.constant 0 : index
    %swap3A_732 = tpu.vector_load %arg12[%swap3A_730, %swap3A_731] {strides = array<i32>} : memref<64x16xf32, #tpu.memory_space<vmem>>, vector<1x16xf32>,
    %swap3A_733 = vector.shape_cast %swap3A_732 : vector<1x16xf32> to vector<16xf32>
    %swap3A_734 = vector.shape_cast %scan3A_703#4 : vector<16xf32> to vector<1x16xf32>
    tpu.vector_store %arg12[%swap3A_730, %swap3A_731], %swap3A_734 {strides = array<i32>} : memref<64x16xf32, #tpu.memory_space<vmem>>, vector<1x16xf32>,
    %swap3A_735 = arith.constant 37 : i32
    %swap3A_736 = arith.index_cast %swap3A_735 : i32 to index
    %swap3A_737 = arith.constant 0 : index
    %swap3A_738 = tpu.vector_load %arg12[%swap3A_736, %swap3A_737] {strides = array<i32>} : memref<64x16xf32, #tpu.memory_space<vmem>>, vector<1x16xf32>,
    %swap3A_739 = vector.shape_cast %swap3A_738 : vector<1x16xf32> to vector<16xf32>
    %swap3A_740 = vector.shape_cast %scan3A_703#5 : vector<16xf32> to vector<1x16xf32>
    tpu.vector_store %arg12[%swap3A_736, %swap3A_737], %swap3A_740 {strides = array<i32>} : memref<64x16xf32, #tpu.memory_space<vmem>>, vector<1x16xf32>,
    %swap3A_741 = arith.constant 38 : i32
    %swap3A_742 = arith.index_cast %swap3A_741 : i32 to index
    %swap3A_743 = arith.constant 0 : index
    %swap3A_744 = tpu.vector_load %arg12[%swap3A_742, %swap3A_743] {strides = array<i32>} : memref<64x16xf32, #tpu.memory_space<vmem>>, vector<1x16xf32>,
    %swap3A_745 = vector.shape_cast %swap3A_744 : vector<1x16xf32> to vector<16xf32>
    %swap3A_746 = vector.shape_cast %scan3A_703#6 : vector<16xf32> to vector<1x16xf32>
    tpu.vector_store %arg12[%swap3A_742, %swap3A_743], %swap3A_746 {strides = array<i32>} : memref<64x16xf32, #tpu.memory_space<vmem>>, vector<1x16xf32>,
    %swap3A_747 = arith.constant 39 : i32
    %swap3A_748 = arith.index_cast %swap3A_747 : i32 to index
    %swap3A_749 = arith.constant 0 : index
    %swap3A_750 = tpu.vector_load %arg12[%swap3A_748, %swap3A_749] {strides = array<i32>} : memref<64x16xf32, #tpu.memory_space<vmem>>, vector<1x16xf32>,
    %swap3A_751 = vector.shape_cast %swap3A_750 : vector<1x16xf32> to vector<16xf32>
    %swap3A_752 = vector.shape_cast %scan3A_703#7 : vector<16xf32> to vector<1x16xf32>
    tpu.vector_store %arg12[%swap3A_748, %swap3A_749], %swap3A_752 {strides = array<i32>} : memref<64x16xf32, #tpu.memory_space<vmem>>, vector<1x16xf32>,
    %get3A_753 = arith.constant 40 : i32
    %get3A_754 = arith.index_cast %get3A_753 : i32 to index
    %get3A_755 = arith.constant 0 : index
    %get3A_756 = tpu.vector_load %arg10[%get3A_754, %get3A_755] {strides = array<i32>} : memref<64x16xf32, #tpu.memory_space<vmem>>, vector<1x16xf32>,
    %get3A_757 = vector.shape_cast %get3A_756 : vector<1x16xf32> to vector<16xf32>
    %get3A_758 = arith.constant 41 : i32
    %get3A_759 = arith.index_cast %get3A_758 : i32 to index
    %get3A_760 = arith.constant 0 : index
    %get3A_761 = tpu.vector_load %arg10[%get3A_759, %get3A_760] {strides = array<i32>} : memref<64x16xf32, #tpu.memory_space<vmem>>, vector<1x16xf32>,
    %get3A_762 = vector.shape_cast %get3A_761 : vector<1x16xf32> to vector<16xf32>
    %get3A_763 = arith.constant 42 : i32
    %get3A_764 = arith.index_cast %get3A_763 : i32 to index
    %get3A_765 = arith.constant 0 : index
    %get3A_766 = tpu.vector_load %arg10[%get3A_764, %get3A_765] {strides = array<i32>} : memref<64x16xf32, #tpu.memory_space<vmem>>, vector<1x16xf32>,
    %get3A_767 = vector.shape_cast %get3A_766 : vector<1x16xf32> to vector<16xf32>
    %get3A_768 = arith.constant 43 : i32
    %get3A_769 = arith.index_cast %get3A_768 : i32 to index
    %get3A_770 = arith.constant 0 : index
    %get3A_771 = tpu.vector_load %arg10[%get3A_769, %get3A_770] {strides = array<i32>} : memref<64x16xf32, #tpu.memory_space<vmem>>, vector<1x16xf32>,
    %get3A_772 = vector.shape_cast %get3A_771 : vector<1x16xf32> to vector<16xf32>
    %get3A_773 = arith.constant 44 : i32
    %get3A_774 = arith.index_cast %get3A_773 : i32 to index
    %get3A_775 = arith.constant 0 : index
    %get3A_776 = tpu.vector_load %arg10[%get3A_774, %get3A_775] {strides = array<i32>} : memref<64x16xf32, #tpu.memory_space<vmem>>, vector<1x16xf32>,
    %get3A_777 = vector.shape_cast %get3A_776 : vector<1x16xf32> to vector<16xf32>
    %get3A_778 = arith.constant 45 : i32
    %get3A_779 = arith.index_cast %get3A_778 : i32 to index
    %get3A_780 = arith.constant 0 : index
    %get3A_781 = tpu.vector_load %arg10[%get3A_779, %get3A_780] {strides = array<i32>} : memref<64x16xf32, #tpu.memory_space<vmem>>, vector<1x16xf32>,
    %get3A_782 = vector.shape_cast %get3A_781 : vector<1x16xf32> to vector<16xf32>
    %get3A_783 = arith.constant 46 : i32
    %get3A_784 = arith.index_cast %get3A_783 : i32 to index
    %get3A_785 = arith.constant 0 : index
    %get3A_786 = tpu.vector_load %arg10[%get3A_784, %get3A_785] {strides = array<i32>} : memref<64x16xf32, #tpu.memory_space<vmem>>, vector<1x16xf32>,
    %get3A_787 = vector.shape_cast %get3A_786 : vector<1x16xf32> to vector<16xf32>
    %get3A_788 = arith.constant 47 : i32
    %get3A_789 = arith.index_cast %get3A_788 : i32 to index
    %get3A_790 = arith.constant 0 : index
    %get3A_791 = tpu.vector_load %arg10[%get3A_789, %get3A_790] {strides = array<i32>} : memref<64x16xf32, #tpu.memory_space<vmem>>, vector<1x16xf32>,
    %get3A_792 = vector.shape_cast %get3A_791 : vector<1x16xf32> to vector<16xf32>
    %get3A_793 = arith.constant 40 : i32
    %get3A_794 = arith.index_cast %get3A_793 : i32 to index
    %get3A_795 = arith.constant 0 : index
    %get3A_796 = tpu.vector_load %arg11[%get3A_794, %get3A_795] {strides = array<i32>} : memref<64x16xf32, #tpu.memory_space<vmem>>, vector<1x16xf32>,
    %get3A_797 = vector.shape_cast %get3A_796 : vector<1x16xf32> to vector<16xf32>
    %get3A_798 = arith.constant 41 : i32
    %get3A_799 = arith.index_cast %get3A_798 : i32 to index
    %get3A_800 = arith.constant 0 : index
    %get3A_801 = tpu.vector_load %arg11[%get3A_799, %get3A_800] {strides = array<i32>} : memref<64x16xf32, #tpu.memory_space<vmem>>, vector<1x16xf32>,
    %get3A_802 = vector.shape_cast %get3A_801 : vector<1x16xf32> to vector<16xf32>
    %get3A_803 = arith.constant 42 : i32
    %get3A_804 = arith.index_cast %get3A_803 : i32 to index
    %get3A_805 = arith.constant 0 : index
    %get3A_806 = tpu.vector_load %arg11[%get3A_804, %get3A_805] {strides = array<i32>} : memref<64x16xf32, #tpu.memory_space<vmem>>, vector<1x16xf32>,
    %get3A_807 = vector.shape_cast %get3A_806 : vector<1x16xf32> to vector<16xf32>
    %get3A_808 = arith.constant 43 : i32
    %get3A_809 = arith.index_cast %get3A_808 : i32 to index
    %get3A_810 = arith.constant 0 : index
    %get3A_811 = tpu.vector_load %arg11[%get3A_809, %get3A_810] {strides = array<i32>} : memref<64x16xf32, #tpu.memory_space<vmem>>, vector<1x16xf32>,
    %get3A_812 = vector.shape_cast %get3A_811 : vector<1x16xf32> to vector<16xf32>
    %get3A_813 = arith.constant 44 : i32
    %get3A_814 = arith.index_cast %get3A_813 : i32 to index
    %get3A_815 = arith.constant 0 : index
    %get3A_816 = tpu.vector_load %arg11[%get3A_814, %get3A_815] {strides = array<i32>} : memref<64x16xf32, #tpu.memory_space<vmem>>, vector<1x16xf32>,
    %get3A_817 = vector.shape_cast %get3A_816 : vector<1x16xf32> to vector<16xf32>
    %get3A_818 = arith.constant 45 : i32
    %get3A_819 = arith.index_cast %get3A_818 : i32 to index
    %get3A_820 = arith.constant 0 : index
    %get3A_821 = tpu.vector_load %arg11[%get3A_819, %get3A_820] {strides = array<i32>} : memref<64x16xf32, #tpu.memory_space<vmem>>, vector<1x16xf32>,
    %get3A_822 = vector.shape_cast %get3A_821 : vector<1x16xf32> to vector<16xf32>
    %get3A_823 = arith.constant 46 : i32
    %get3A_824 = arith.index_cast %get3A_823 : i32 to index
    %get3A_825 = arith.constant 0 : index
    %get3A_826 = tpu.vector_load %arg11[%get3A_824, %get3A_825] {strides = array<i32>} : memref<64x16xf32, #tpu.memory_space<vmem>>, vector<1x16xf32>,
    %get3A_827 = vector.shape_cast %get3A_826 : vector<1x16xf32> to vector<16xf32>
    %get3A_828 = arith.constant 47 : i32
    %get3A_829 = arith.index_cast %get3A_828 : i32 to index
    %get3A_830 = arith.constant 0 : index
    %get3A_831 = tpu.vector_load %arg11[%get3A_829, %get3A_830] {strides = array<i32>} : memref<64x16xf32, #tpu.memory_space<vmem>>, vector<1x16xf32>,
    %get3A_832 = vector.shape_cast %get3A_831 : vector<1x16xf32> to vector<16xf32>
    %broadcast_in_dim3A_833 = arith.constant 0x7F800000 : f32
    %broadcast_in_dim3A_834 = vector.broadcast %broadcast_in_dim3A_833 : f32 to vector<16xf32>
    %broadcast_in_dim3A_835 = arith.constant 0x7F800000 : f32
    %broadcast_in_dim3A_836 = vector.broadcast %broadcast_in_dim3A_835 : f32 to vector<16xf32>
    %broadcast_in_dim3A_837 = arith.constant 0x7F800000 : f32
    %broadcast_in_dim3A_838 = vector.broadcast %broadcast_in_dim3A_837 : f32 to vector<16xf32>
    %broadcast_in_dim3A_839 = arith.constant 0x7F800000 : f32
    %broadcast_in_dim3A_840 = vector.broadcast %broadcast_in_dim3A_839 : f32 to vector<16xf32>
    %broadcast_in_dim3A_841 = arith.constant 0x7F800000 : f32
    %broadcast_in_dim3A_842 = vector.broadcast %broadcast_in_dim3A_841 : f32 to vector<16xf32>
    %broadcast_in_dim3A_843 = arith.constant 0x7F800000 : f32
    %broadcast_in_dim3A_844 = vector.broadcast %broadcast_in_dim3A_843 : f32 to vector<16xf32>
    %broadcast_in_dim3A_845 = arith.constant 0x7F800000 : f32
    %broadcast_in_dim3A_846 = vector.broadcast %broadcast_in_dim3A_845 : f32 to vector<16xf32>
    %broadcast_in_dim3A_847 = arith.constant 0x7F800000 : f32
    %broadcast_in_dim3A_848 = vector.broadcast %broadcast_in_dim3A_847 : f32 to vector<16xf32>
    %scan3A_849 = arith.constant 0 : i32
    %scan3A_850 = arith.constant 500 : i32
    %scan3A_851 = arith.addi %scan3A_849, %scan3A_850 : i32
    %scan3A_852 = arith.constant 2 : i32
    %scan3A_853:8 = scf.for %scan3A_1203 = %scan3A_849 to %scan3A_851 step %scan3A_852 iter_args(%scan3A_1204 = %broadcast_in_dim3A_834, %scan3A_1205 = %broadcast_in_dim3A_836, %scan3A_1206 = %broadcast_in_dim3A_838, %scan3A_1207 = %broadcast_in_dim3A_840, %scan3A_1208 = %broadcast_in_dim3A_842, %scan3A_1209 = %broadcast_in_dim3A_844, %scan3A_1210 = %broadcast_in_dim3A_846, %scan3A_1211 = %broadcast_in_dim3A_848) -> (vector<16xf32>, vector<16xf32>, vector<16xf32>, vector<16xf32>, vector<16xf32>, vector<16xf32>, vector<16xf32>, vector<16xf32>)  : i32 {
      %mul3A_1212 = arith.constant 16 : i32
      %mul3A_1213 = arith.muli %scan3A_1203, %mul3A_1212 : i32
      %get3A_1214 = arith.index_cast %mul3A_1213 : i32 to index
      %get3A_1215 = tpu.vector_load %arg7[%get3A_1214] {strides = array<i32>} : memref<8000xf32, #tpu.memory_space<vmem>>, vector<16xf32>,
      %get3A_1216 = vector.shape_cast %get3A_1215 : vector<16xf32> to vector<16xf32>
      %mul3A_1217 = arith.constant 16 : i32
      %mul3A_1218 = arith.muli %scan3A_1203, %mul3A_1217 : i32
      %get3A_1219 = arith.index_cast %mul3A_1218 : i32 to index
      %get3A_1220 = tpu.vector_load %arg8[%get3A_1219] {strides = array<i32>} : memref<8000xf32, #tpu.memory_space<vmem>>, vector<16xf32>,
      %get3A_1221 = vector.shape_cast %get3A_1220 : vector<16xf32> to vector<16xf32>
      %mul3A_1222 = arith.constant 16 : i32
      %mul3A_1223 = arith.muli %scan3A_1203, %mul3A_1222 : i32
      %get3A_1224 = arith.index_cast %mul3A_1223 : i32 to index
      %get3A_1225 = tpu.vector_load %arg9[%get3A_1224] {strides = array<i32>} : memref<8000xf32, #tpu.memory_space<vmem>>, vector<16xf32>,
      %get3A_1226 = vector.shape_cast %get3A_1225 : vector<16xf32> to vector<16xf32>
      %mul3A_1227 = arith.mulf %get3A_757, %get3A_1216 : vector<16xf32>
      %add3A = arith.addf %get3A_1226, %mul3A_1227 : vector<16xf32>
      %mul3A_1228 = arith.mulf %get3A_797, %get3A_1221 : vector<16xf32>
      %add3A_1229 = arith.addf %add3A, %mul3A_1228 : vector<16xf32>
      %min3A = arith.minimumf %scan3A_1204, %add3A_1229 : vector<16xf32>
      %mul3A_1230 = arith.mulf %get3A_762, %get3A_1216 : vector<16xf32>
      %add3A_1231 = arith.addf %get3A_1226, %mul3A_1230 : vector<16xf32>
      %mul3A_1232 = arith.mulf %get3A_802, %get3A_1221 : vector<16xf32>
      %add3A_1233 = arith.addf %add3A_1231, %mul3A_1232 : vector<16xf32>
      %min3A_1234 = arith.minimumf %scan3A_1205, %add3A_1233 : vector<16xf32>
      %mul3A_1235 = arith.mulf %get3A_767, %get3A_1216 : vector<16xf32>
      %add3A_1236 = arith.addf %get3A_1226, %mul3A_1235 : vector<16xf32>
      %mul3A_1237 = arith.mulf %get3A_807, %get3A_1221 : vector<16xf32>
      %add3A_1238 = arith.addf %add3A_1236, %mul3A_1237 : vector<16xf32>
      %min3A_1239 = arith.minimumf %scan3A_1206, %add3A_1238 : vector<16xf32>
      %mul3A_1240 = arith.mulf %get3A_772, %get3A_1216 : vector<16xf32>
      %add3A_1241 = arith.addf %get3A_1226, %mul3A_1240 : vector<16xf32>
      %mul3A_1242 = arith.mulf %get3A_812, %get3A_1221 : vector<16xf32>
      %add3A_1243 = arith.addf %add3A_1241, %mul3A_1242 : vector<16xf32>
      %min3A_1244 = arith.minimumf %scan3A_1207, %add3A_1243 : vector<16xf32>
      %mul3A_1245 = arith.mulf %get3A_777, %get3A_1216 : vector<16xf32>
      %add3A_1246 = arith.addf %get3A_1226, %mul3A_1245 : vector<16xf32>
      %mul3A_1247 = arith.mulf %get3A_817, %get3A_1221 : vector<16xf32>
      %add3A_1248 = arith.addf %add3A_1246, %mul3A_1247 : vector<16xf32>
      %min3A_1249 = arith.minimumf %scan3A_1208, %add3A_1248 : vector<16xf32>
      %mul3A_1250 = arith.mulf %get3A_782, %get3A_1216 : vector<16xf32>
      %add3A_1251 = arith.addf %get3A_1226, %mul3A_1250 : vector<16xf32>
      %mul3A_1252 = arith.mulf %get3A_822, %get3A_1221 : vector<16xf32>
      %add3A_1253 = arith.addf %add3A_1251, %mul3A_1252 : vector<16xf32>
      %min3A_1254 = arith.minimumf %scan3A_1209, %add3A_1253 : vector<16xf32>
      %mul3A_1255 = arith.mulf %get3A_787, %get3A_1216 : vector<16xf32>
      %add3A_1256 = arith.addf %get3A_1226, %mul3A_1255 : vector<16xf32>
      %mul3A_1257 = arith.mulf %get3A_827, %get3A_1221 : vector<16xf32>
      %add3A_1258 = arith.addf %add3A_1256, %mul3A_1257 : vector<16xf32>
      %min3A_1259 = arith.minimumf %scan3A_1210, %add3A_1258 : vector<16xf32>
      %mul3A_1260 = arith.mulf %get3A_792, %get3A_1216 : vector<16xf32>
      %add3A_1261 = arith.addf %get3A_1226, %mul3A_1260 : vector<16xf32>
      %mul3A_1262 = arith.mulf %get3A_832, %get3A_1221 : vector<16xf32>
      %add3A_1263 = arith.addf %add3A_1261, %mul3A_1262 : vector<16xf32>
      %min3A_1264 = arith.minimumf %scan3A_1211, %add3A_1263 : vector<16xf32>
      %scan3A_1265 = arith.constant 1 : i32
      %scan3A_1266 = arith.addi %scan3A_1203, %scan3A_1265 : i32
      %mul3A_1267 = arith.constant 16 : i32
      %mul3A_1268 = arith.muli %scan3A_1266, %mul3A_1267 : i32
      %get3A_1269 = arith.index_cast %mul3A_1268 : i32 to index
      %get3A_1270 = tpu.vector_load %arg7[%get3A_1269] {strides = array<i32>} : memref<8000xf32, #tpu.memory_space<vmem>>, vector<16xf32>,
      %get3A_1271 = vector.shape_cast %get3A_1270 : vector<16xf32> to vector<16xf32>
      %mul3A_1272 = arith.constant 16 : i32
      %mul3A_1273 = arith.muli %scan3A_1266, %mul3A_1272 : i32
      %get3A_1274 = arith.index_cast %mul3A_1273 : i32 to index
      %get3A_1275 = tpu.vector_load %arg8[%get3A_1274] {strides = array<i32>} : memref<8000xf32, #tpu.memory_space<vmem>>, vector<16xf32>,
      %get3A_1276 = vector.shape_cast %get3A_1275 : vector<16xf32> to vector<16xf32>
      %mul3A_1277 = arith.constant 16 : i32
      %mul3A_1278 = arith.muli %scan3A_1266, %mul3A_1277 : i32
      %get3A_1279 = arith.index_cast %mul3A_1278 : i32 to index
      %get3A_1280 = tpu.vector_load %arg9[%get3A_1279] {strides = array<i32>} : memref<8000xf32, #tpu.memory_space<vmem>>, vector<16xf32>,
      %get3A_1281 = vector.shape_cast %get3A_1280 : vector<16xf32> to vector<16xf32>
      %mul3A_1282 = arith.mulf %get3A_757, %get3A_1271 : vector<16xf32>
      %add3A_1283 = arith.addf %get3A_1281, %mul3A_1282 : vector<16xf32>
      %mul3A_1284 = arith.mulf %get3A_797, %get3A_1276 : vector<16xf32>
      %add3A_1285 = arith.addf %add3A_1283, %mul3A_1284 : vector<16xf32>
      %min3A_1286 = arith.minimumf %min3A, %add3A_1285 : vector<16xf32>
      %mul3A_1287 = arith.mulf %get3A_762, %get3A_1271 : vector<16xf32>
      %add3A_1288 = arith.addf %get3A_1281, %mul3A_1287 : vector<16xf32>
      %mul3A_1289 = arith.mulf %get3A_802, %get3A_1276 : vector<16xf32>
      %add3A_1290 = arith.addf %add3A_1288, %mul3A_1289 : vector<16xf32>
      %min3A_1291 = arith.minimumf %min3A_1234, %add3A_1290 : vector<16xf32>
      %mul3A_1292 = arith.mulf %get3A_767, %get3A_1271 : vector<16xf32>
      %add3A_1293 = arith.addf %get3A_1281, %mul3A_1292 : vector<16xf32>
      %mul3A_1294 = arith.mulf %get3A_807, %get3A_1276 : vector<16xf32>
      %add3A_1295 = arith.addf %add3A_1293, %mul3A_1294 : vector<16xf32>
      %min3A_1296 = arith.minimumf %min3A_1239, %add3A_1295 : vector<16xf32>
      %mul3A_1297 = arith.mulf %get3A_772, %get3A_1271 : vector<16xf32>
      %add3A_1298 = arith.addf %get3A_1281, %mul3A_1297 : vector<16xf32>
      %mul3A_1299 = arith.mulf %get3A_812, %get3A_1276 : vector<16xf32>
      %add3A_1300 = arith.addf %add3A_1298, %mul3A_1299 : vector<16xf32>
      %min3A_1301 = arith.minimumf %min3A_1244, %add3A_1300 : vector<16xf32>
      %mul3A_1302 = arith.mulf %get3A_777, %get3A_1271 : vector<16xf32>
      %add3A_1303 = arith.addf %get3A_1281, %mul3A_1302 : vector<16xf32>
      %mul3A_1304 = arith.mulf %get3A_817, %get3A_1276 : vector<16xf32>
      %add3A_1305 = arith.addf %add3A_1303, %mul3A_1304 : vector<16xf32>
      %min3A_1306 = arith.minimumf %min3A_1249, %add3A_1305 : vector<16xf32>
      %mul3A_1307 = arith.mulf %get3A_782, %get3A_1271 : vector<16xf32>
      %add3A_1308 = arith.addf %get3A_1281, %mul3A_1307 : vector<16xf32>
      %mul3A_1309 = arith.mulf %get3A_822, %get3A_1276 : vector<16xf32>
      %add3A_1310 = arith.addf %add3A_1308, %mul3A_1309 : vector<16xf32>
      %min3A_1311 = arith.minimumf %min3A_1254, %add3A_1310 : vector<16xf32>
      %mul3A_1312 = arith.mulf %get3A_787, %get3A_1271 : vector<16xf32>
      %add3A_1313 = arith.addf %get3A_1281, %mul3A_1312 : vector<16xf32>
      %mul3A_1314 = arith.mulf %get3A_827, %get3A_1276 : vector<16xf32>
      %add3A_1315 = arith.addf %add3A_1313, %mul3A_1314 : vector<16xf32>
      %min3A_1316 = arith.minimumf %min3A_1259, %add3A_1315 : vector<16xf32>
      %mul3A_1317 = arith.mulf %get3A_792, %get3A_1271 : vector<16xf32>
      %add3A_1318 = arith.addf %get3A_1281, %mul3A_1317 : vector<16xf32>
      %mul3A_1319 = arith.mulf %get3A_832, %get3A_1276 : vector<16xf32>
      %add3A_1320 = arith.addf %add3A_1318, %mul3A_1319 : vector<16xf32>
      %min3A_1321 = arith.minimumf %min3A_1264, %add3A_1320 : vector<16xf32>
      scf.yield %min3A_1286, %min3A_1291, %min3A_1296, %min3A_1301, %min3A_1306, %min3A_1311, %min3A_1316, %min3A_1321 : vector<16xf32>, vector<16xf32>, vector<16xf32>, vector<16xf32>, vector<16xf32>, vector<16xf32>, vector<16xf32>, vector<16xf32>
    }
    %scan3A_854 = arith.constant 500 : i32
    %swap3A_855 = arith.constant 40 : i32
    %swap3A_856 = arith.index_cast %swap3A_855 : i32 to index
    %swap3A_857 = arith.constant 0 : index
    %swap3A_858 = tpu.vector_load %arg12[%swap3A_856, %swap3A_857] {strides = array<i32>} : memref<64x16xf32, #tpu.memory_space<vmem>>, vector<1x16xf32>,
    %swap3A_859 = vector.shape_cast %swap3A_858 : vector<1x16xf32> to vector<16xf32>
    %swap3A_860 = vector.shape_cast %scan3A_853#0 : vector<16xf32> to vector<1x16xf32>
    tpu.vector_store %arg12[%swap3A_856, %swap3A_857], %swap3A_860 {strides = array<i32>} : memref<64x16xf32, #tpu.memory_space<vmem>>, vector<1x16xf32>,
    %swap3A_861 = arith.constant 41 : i32
    %swap3A_862 = arith.index_cast %swap3A_861 : i32 to index
    %swap3A_863 = arith.constant 0 : index
    %swap3A_864 = tpu.vector_load %arg12[%swap3A_862, %swap3A_863] {strides = array<i32>} : memref<64x16xf32, #tpu.memory_space<vmem>>, vector<1x16xf32>,
    %swap3A_865 = vector.shape_cast %swap3A_864 : vector<1x16xf32> to vector<16xf32>
    %swap3A_866 = vector.shape_cast %scan3A_853#1 : vector<16xf32> to vector<1x16xf32>
    tpu.vector_store %arg12[%swap3A_862, %swap3A_863], %swap3A_866 {strides = array<i32>} : memref<64x16xf32, #tpu.memory_space<vmem>>, vector<1x16xf32>,
    %swap3A_867 = arith.constant 42 : i32
    %swap3A_868 = arith.index_cast %swap3A_867 : i32 to index
    %swap3A_869 = arith.constant 0 : index
    %swap3A_870 = tpu.vector_load %arg12[%swap3A_868, %swap3A_869] {strides = array<i32>} : memref<64x16xf32, #tpu.memory_space<vmem>>, vector<1x16xf32>,
    %swap3A_871 = vector.shape_cast %swap3A_870 : vector<1x16xf32> to vector<16xf32>
    %swap3A_872 = vector.shape_cast %scan3A_853#2 : vector<16xf32> to vector<1x16xf32>
    tpu.vector_store %arg12[%swap3A_868, %swap3A_869], %swap3A_872 {strides = array<i32>} : memref<64x16xf32, #tpu.memory_space<vmem>>, vector<1x16xf32>,
    %swap3A_873 = arith.constant 43 : i32
    %swap3A_874 = arith.index_cast %swap3A_873 : i32 to index
    %swap3A_875 = arith.constant 0 : index
    %swap3A_876 = tpu.vector_load %arg12[%swap3A_874, %swap3A_875] {strides = array<i32>} : memref<64x16xf32, #tpu.memory_space<vmem>>, vector<1x16xf32>,
    %swap3A_877 = vector.shape_cast %swap3A_876 : vector<1x16xf32> to vector<16xf32>
    %swap3A_878 = vector.shape_cast %scan3A_853#3 : vector<16xf32> to vector<1x16xf32>
    tpu.vector_store %arg12[%swap3A_874, %swap3A_875], %swap3A_878 {strides = array<i32>} : memref<64x16xf32, #tpu.memory_space<vmem>>, vector<1x16xf32>,
    %swap3A_879 = arith.constant 44 : i32
    %swap3A_880 = arith.index_cast %swap3A_879 : i32 to index
    %swap3A_881 = arith.constant 0 : index
    %swap3A_882 = tpu.vector_load %arg12[%swap3A_880, %swap3A_881] {strides = array<i32>} : memref<64x16xf32, #tpu.memory_space<vmem>>, vector<1x16xf32>,
    %swap3A_883 = vector.shape_cast %swap3A_882 : vector<1x16xf32> to vector<16xf32>
    %swap3A_884 = vector.shape_cast %scan3A_853#4 : vector<16xf32> to vector<1x16xf32>
    tpu.vector_store %arg12[%swap3A_880, %swap3A_881], %swap3A_884 {strides = array<i32>} : memref<64x16xf32, #tpu.memory_space<vmem>>, vector<1x16xf32>,
    %swap3A_885 = arith.constant 45 : i32
    %swap3A_886 = arith.index_cast %swap3A_885 : i32 to index
    %swap3A_887 = arith.constant 0 : index
    %swap3A_888 = tpu.vector_load %arg12[%swap3A_886, %swap3A_887] {strides = array<i32>} : memref<64x16xf32, #tpu.memory_space<vmem>>, vector<1x16xf32>,
    %swap3A_889 = vector.shape_cast %swap3A_888 : vector<1x16xf32> to vector<16xf32>
    %swap3A_890 = vector.shape_cast %scan3A_853#5 : vector<16xf32> to vector<1x16xf32>
    tpu.vector_store %arg12[%swap3A_886, %swap3A_887], %swap3A_890 {strides = array<i32>} : memref<64x16xf32, #tpu.memory_space<vmem>>, vector<1x16xf32>,
    %swap3A_891 = arith.constant 46 : i32
    %swap3A_892 = arith.index_cast %swap3A_891 : i32 to index
    %swap3A_893 = arith.constant 0 : index
    %swap3A_894 = tpu.vector_load %arg12[%swap3A_892, %swap3A_893] {strides = array<i32>} : memref<64x16xf32, #tpu.memory_space<vmem>>, vector<1x16xf32>,
    %swap3A_895 = vector.shape_cast %swap3A_894 : vector<1x16xf32> to vector<16xf32>
    %swap3A_896 = vector.shape_cast %scan3A_853#6 : vector<16xf32> to vector<1x16xf32>
    tpu.vector_store %arg12[%swap3A_892, %swap3A_893], %swap3A_896 {strides = array<i32>} : memref<64x16xf32, #tpu.memory_space<vmem>>, vector<1x16xf32>,
    %swap3A_897 = arith.constant 47 : i32
    %swap3A_898 = arith.index_cast %swap3A_897 : i32 to index
    %swap3A_899 = arith.constant 0 : index
    %swap3A_900 = tpu.vector_load %arg12[%swap3A_898, %swap3A_899] {strides = array<i32>} : memref<64x16xf32, #tpu.memory_space<vmem>>, vector<1x16xf32>,
    %swap3A_901 = vector.shape_cast %swap3A_900 : vector<1x16xf32> to vector<16xf32>
    %swap3A_902 = vector.shape_cast %scan3A_853#7 : vector<16xf32> to vector<1x16xf32>
    tpu.vector_store %arg12[%swap3A_898, %swap3A_899], %swap3A_902 {strides = array<i32>} : memref<64x16xf32, #tpu.memory_space<vmem>>, vector<1x16xf32>,
    %get3A_903 = arith.constant 48 : i32
    %get3A_904 = arith.index_cast %get3A_903 : i32 to index
    %get3A_905 = arith.constant 0 : index
    %get3A_906 = tpu.vector_load %arg10[%get3A_904, %get3A_905] {strides = array<i32>} : memref<64x16xf32, #tpu.memory_space<vmem>>, vector<1x16xf32>,
    %get3A_907 = vector.shape_cast %get3A_906 : vector<1x16xf32> to vector<16xf32>
    %get3A_908 = arith.constant 49 : i32
    %get3A_909 = arith.index_cast %get3A_908 : i32 to index
    %get3A_910 = arith.constant 0 : index
    %get3A_911 = tpu.vector_load %arg10[%get3A_909, %get3A_910] {strides = array<i32>} : memref<64x16xf32, #tpu.memory_space<vmem>>, vector<1x16xf32>,
    %get3A_912 = vector.shape_cast %get3A_911 : vector<1x16xf32> to vector<16xf32>
    %get3A_913 = arith.constant 50 : i32
    %get3A_914 = arith.index_cast %get3A_913 : i32 to index
    %get3A_915 = arith.constant 0 : index
    %get3A_916 = tpu.vector_load %arg10[%get3A_914, %get3A_915] {strides = array<i32>} : memref<64x16xf32, #tpu.memory_space<vmem>>, vector<1x16xf32>,
    %get3A_917 = vector.shape_cast %get3A_916 : vector<1x16xf32> to vector<16xf32>
    %get3A_918 = arith.constant 51 : i32
    %get3A_919 = arith.index_cast %get3A_918 : i32 to index
    %get3A_920 = arith.constant 0 : index
    %get3A_921 = tpu.vector_load %arg10[%get3A_919, %get3A_920] {strides = array<i32>} : memref<64x16xf32, #tpu.memory_space<vmem>>, vector<1x16xf32>,
    %get3A_922 = vector.shape_cast %get3A_921 : vector<1x16xf32> to vector<16xf32>
    %get3A_923 = arith.constant 52 : i32
    %get3A_924 = arith.index_cast %get3A_923 : i32 to index
    %get3A_925 = arith.constant 0 : index
    %get3A_926 = tpu.vector_load %arg10[%get3A_924, %get3A_925] {strides = array<i32>} : memref<64x16xf32, #tpu.memory_space<vmem>>, vector<1x16xf32>,
    %get3A_927 = vector.shape_cast %get3A_926 : vector<1x16xf32> to vector<16xf32>
    %get3A_928 = arith.constant 53 : i32
    %get3A_929 = arith.index_cast %get3A_928 : i32 to index
    %get3A_930 = arith.constant 0 : index
    %get3A_931 = tpu.vector_load %arg10[%get3A_929, %get3A_930] {strides = array<i32>} : memref<64x16xf32, #tpu.memory_space<vmem>>, vector<1x16xf32>,
    %get3A_932 = vector.shape_cast %get3A_931 : vector<1x16xf32> to vector<16xf32>
    %get3A_933 = arith.constant 54 : i32
    %get3A_934 = arith.index_cast %get3A_933 : i32 to index
    %get3A_935 = arith.constant 0 : index
    %get3A_936 = tpu.vector_load %arg10[%get3A_934, %get3A_935] {strides = array<i32>} : memref<64x16xf32, #tpu.memory_space<vmem>>, vector<1x16xf32>,
    %get3A_937 = vector.shape_cast %get3A_936 : vector<1x16xf32> to vector<16xf32>
    %get3A_938 = arith.constant 55 : i32
    %get3A_939 = arith.index_cast %get3A_938 : i32 to index
    %get3A_940 = arith.constant 0 : index
    %get3A_941 = tpu.vector_load %arg10[%get3A_939, %get3A_940] {strides = array<i32>} : memref<64x16xf32, #tpu.memory_space<vmem>>, vector<1x16xf32>,
    %get3A_942 = vector.shape_cast %get3A_941 : vector<1x16xf32> to vector<16xf32>
    %get3A_943 = arith.constant 48 : i32
    %get3A_944 = arith.index_cast %get3A_943 : i32 to index
    %get3A_945 = arith.constant 0 : index
    %get3A_946 = tpu.vector_load %arg11[%get3A_944, %get3A_945] {strides = array<i32>} : memref<64x16xf32, #tpu.memory_space<vmem>>, vector<1x16xf32>,
    %get3A_947 = vector.shape_cast %get3A_946 : vector<1x16xf32> to vector<16xf32>
    %get3A_948 = arith.constant 49 : i32
    %get3A_949 = arith.index_cast %get3A_948 : i32 to index
    %get3A_950 = arith.constant 0 : index
    %get3A_951 = tpu.vector_load %arg11[%get3A_949, %get3A_950] {strides = array<i32>} : memref<64x16xf32, #tpu.memory_space<vmem>>, vector<1x16xf32>,
    %get3A_952 = vector.shape_cast %get3A_951 : vector<1x16xf32> to vector<16xf32>
    %get3A_953 = arith.constant 50 : i32
    %get3A_954 = arith.index_cast %get3A_953 : i32 to index
    %get3A_955 = arith.constant 0 : index
    %get3A_956 = tpu.vector_load %arg11[%get3A_954, %get3A_955] {strides = array<i32>} : memref<64x16xf32, #tpu.memory_space<vmem>>, vector<1x16xf32>,
    %get3A_957 = vector.shape_cast %get3A_956 : vector<1x16xf32> to vector<16xf32>
    %get3A_958 = arith.constant 51 : i32
    %get3A_959 = arith.index_cast %get3A_958 : i32 to index
    %get3A_960 = arith.constant 0 : index
    %get3A_961 = tpu.vector_load %arg11[%get3A_959, %get3A_960] {strides = array<i32>} : memref<64x16xf32, #tpu.memory_space<vmem>>, vector<1x16xf32>,
    %get3A_962 = vector.shape_cast %get3A_961 : vector<1x16xf32> to vector<16xf32>
    %get3A_963 = arith.constant 52 : i32
    %get3A_964 = arith.index_cast %get3A_963 : i32 to index
    %get3A_965 = arith.constant 0 : index
    %get3A_966 = tpu.vector_load %arg11[%get3A_964, %get3A_965] {strides = array<i32>} : memref<64x16xf32, #tpu.memory_space<vmem>>, vector<1x16xf32>,
    %get3A_967 = vector.shape_cast %get3A_966 : vector<1x16xf32> to vector<16xf32>
    %get3A_968 = arith.constant 53 : i32
    %get3A_969 = arith.index_cast %get3A_968 : i32 to index
    %get3A_970 = arith.constant 0 : index
    %get3A_971 = tpu.vector_load %arg11[%get3A_969, %get3A_970] {strides = array<i32>} : memref<64x16xf32, #tpu.memory_space<vmem>>, vector<1x16xf32>,
    %get3A_972 = vector.shape_cast %get3A_971 : vector<1x16xf32> to vector<16xf32>
    %get3A_973 = arith.constant 54 : i32
    %get3A_974 = arith.index_cast %get3A_973 : i32 to index
    %get3A_975 = arith.constant 0 : index
    %get3A_976 = tpu.vector_load %arg11[%get3A_974, %get3A_975] {strides = array<i32>} : memref<64x16xf32, #tpu.memory_space<vmem>>, vector<1x16xf32>,
    %get3A_977 = vector.shape_cast %get3A_976 : vector<1x16xf32> to vector<16xf32>
    %get3A_978 = arith.constant 55 : i32
    %get3A_979 = arith.index_cast %get3A_978 : i32 to index
    %get3A_980 = arith.constant 0 : index
    %get3A_981 = tpu.vector_load %arg11[%get3A_979, %get3A_980] {strides = array<i32>} : memref<64x16xf32, #tpu.memory_space<vmem>>, vector<1x16xf32>,
    %get3A_982 = vector.shape_cast %get3A_981 : vector<1x16xf32> to vector<16xf32>
    %broadcast_in_dim3A_983 = arith.constant 0x7F800000 : f32
    %broadcast_in_dim3A_984 = vector.broadcast %broadcast_in_dim3A_983 : f32 to vector<16xf32>
    %broadcast_in_dim3A_985 = arith.constant 0x7F800000 : f32
    %broadcast_in_dim3A_986 = vector.broadcast %broadcast_in_dim3A_985 : f32 to vector<16xf32>
    %broadcast_in_dim3A_987 = arith.constant 0x7F800000 : f32
    %broadcast_in_dim3A_988 = vector.broadcast %broadcast_in_dim3A_987 : f32 to vector<16xf32>
    %broadcast_in_dim3A_989 = arith.constant 0x7F800000 : f32
    %broadcast_in_dim3A_990 = vector.broadcast %broadcast_in_dim3A_989 : f32 to vector<16xf32>
    %broadcast_in_dim3A_991 = arith.constant 0x7F800000 : f32
    %broadcast_in_dim3A_992 = vector.broadcast %broadcast_in_dim3A_991 : f32 to vector<16xf32>
    %broadcast_in_dim3A_993 = arith.constant 0x7F800000 : f32
    %broadcast_in_dim3A_994 = vector.broadcast %broadcast_in_dim3A_993 : f32 to vector<16xf32>
    %broadcast_in_dim3A_995 = arith.constant 0x7F800000 : f32
    %broadcast_in_dim3A_996 = vector.broadcast %broadcast_in_dim3A_995 : f32 to vector<16xf32>
    %broadcast_in_dim3A_997 = arith.constant 0x7F800000 : f32
    %broadcast_in_dim3A_998 = vector.broadcast %broadcast_in_dim3A_997 : f32 to vector<16xf32>
    %scan3A_999 = arith.constant 0 : i32
    %scan3A_1000 = arith.constant 500 : i32
    %scan3A_1001 = arith.addi %scan3A_999, %scan3A_1000 : i32
    %scan3A_1002 = arith.constant 2 : i32
    %scan3A_1003:8 = scf.for %scan3A_1203 = %scan3A_999 to %scan3A_1001 step %scan3A_1002 iter_args(%scan3A_1204 = %broadcast_in_dim3A_984, %scan3A_1205 = %broadcast_in_dim3A_986, %scan3A_1206 = %broadcast_in_dim3A_988, %scan3A_1207 = %broadcast_in_dim3A_990, %scan3A_1208 = %broadcast_in_dim3A_992, %scan3A_1209 = %broadcast_in_dim3A_994, %scan3A_1210 = %broadcast_in_dim3A_996, %scan3A_1211 = %broadcast_in_dim3A_998) -> (vector<16xf32>, vector<16xf32>, vector<16xf32>, vector<16xf32>, vector<16xf32>, vector<16xf32>, vector<16xf32>, vector<16xf32>)  : i32 {
      %mul3A_1212 = arith.constant 16 : i32
      %mul3A_1213 = arith.muli %scan3A_1203, %mul3A_1212 : i32
      %get3A_1214 = arith.index_cast %mul3A_1213 : i32 to index
      %get3A_1215 = tpu.vector_load %arg7[%get3A_1214] {strides = array<i32>} : memref<8000xf32, #tpu.memory_space<vmem>>, vector<16xf32>,
      %get3A_1216 = vector.shape_cast %get3A_1215 : vector<16xf32> to vector<16xf32>
      %mul3A_1217 = arith.constant 16 : i32
      %mul3A_1218 = arith.muli %scan3A_1203, %mul3A_1217 : i32
      %get3A_1219 = arith.index_cast %mul3A_1218 : i32 to index
      %get3A_1220 = tpu.vector_load %arg8[%get3A_1219] {strides = array<i32>} : memref<8000xf32, #tpu.memory_space<vmem>>, vector<16xf32>,
      %get3A_1221 = vector.shape_cast %get3A_1220 : vector<16xf32> to vector<16xf32>
      %mul3A_1222 = arith.constant 16 : i32
      %mul3A_1223 = arith.muli %scan3A_1203, %mul3A_1222 : i32
      %get3A_1224 = arith.index_cast %mul3A_1223 : i32 to index
      %get3A_1225 = tpu.vector_load %arg9[%get3A_1224] {strides = array<i32>} : memref<8000xf32, #tpu.memory_space<vmem>>, vector<16xf32>,
      %get3A_1226 = vector.shape_cast %get3A_1225 : vector<16xf32> to vector<16xf32>
      %mul3A_1227 = arith.mulf %get3A_907, %get3A_1216 : vector<16xf32>
      %add3A = arith.addf %get3A_1226, %mul3A_1227 : vector<16xf32>
      %mul3A_1228 = arith.mulf %get3A_947, %get3A_1221 : vector<16xf32>
      %add3A_1229 = arith.addf %add3A, %mul3A_1228 : vector<16xf32>
      %min3A = arith.minimumf %scan3A_1204, %add3A_1229 : vector<16xf32>
      %mul3A_1230 = arith.mulf %get3A_912, %get3A_1216 : vector<16xf32>
      %add3A_1231 = arith.addf %get3A_1226, %mul3A_1230 : vector<16xf32>
      %mul3A_1232 = arith.mulf %get3A_952, %get3A_1221 : vector<16xf32>
      %add3A_1233 = arith.addf %add3A_1231, %mul3A_1232 : vector<16xf32>
      %min3A_1234 = arith.minimumf %scan3A_1205, %add3A_1233 : vector<16xf32>
      %mul3A_1235 = arith.mulf %get3A_917, %get3A_1216 : vector<16xf32>
      %add3A_1236 = arith.addf %get3A_1226, %mul3A_1235 : vector<16xf32>
      %mul3A_1237 = arith.mulf %get3A_957, %get3A_1221 : vector<16xf32>
      %add3A_1238 = arith.addf %add3A_1236, %mul3A_1237 : vector<16xf32>
      %min3A_1239 = arith.minimumf %scan3A_1206, %add3A_1238 : vector<16xf32>
      %mul3A_1240 = arith.mulf %get3A_922, %get3A_1216 : vector<16xf32>
      %add3A_1241 = arith.addf %get3A_1226, %mul3A_1240 : vector<16xf32>
      %mul3A_1242 = arith.mulf %get3A_962, %get3A_1221 : vector<16xf32>
      %add3A_1243 = arith.addf %add3A_1241, %mul3A_1242 : vector<16xf32>
      %min3A_1244 = arith.minimumf %scan3A_1207, %add3A_1243 : vector<16xf32>
      %mul3A_1245 = arith.mulf %get3A_927, %get3A_1216 : vector<16xf32>
      %add3A_1246 = arith.addf %get3A_1226, %mul3A_1245 : vector<16xf32>
      %mul3A_1247 = arith.mulf %get3A_967, %get3A_1221 : vector<16xf32>
      %add3A_1248 = arith.addf %add3A_1246, %mul3A_1247 : vector<16xf32>
      %min3A_1249 = arith.minimumf %scan3A_1208, %add3A_1248 : vector<16xf32>
      %mul3A_1250 = arith.mulf %get3A_932, %get3A_1216 : vector<16xf32>
      %add3A_1251 = arith.addf %get3A_1226, %mul3A_1250 : vector<16xf32>
      %mul3A_1252 = arith.mulf %get3A_972, %get3A_1221 : vector<16xf32>
      %add3A_1253 = arith.addf %add3A_1251, %mul3A_1252 : vector<16xf32>
      %min3A_1254 = arith.minimumf %scan3A_1209, %add3A_1253 : vector<16xf32>
      %mul3A_1255 = arith.mulf %get3A_937, %get3A_1216 : vector<16xf32>
      %add3A_1256 = arith.addf %get3A_1226, %mul3A_1255 : vector<16xf32>
      %mul3A_1257 = arith.mulf %get3A_977, %get3A_1221 : vector<16xf32>
      %add3A_1258 = arith.addf %add3A_1256, %mul3A_1257 : vector<16xf32>
      %min3A_1259 = arith.minimumf %scan3A_1210, %add3A_1258 : vector<16xf32>
      %mul3A_1260 = arith.mulf %get3A_942, %get3A_1216 : vector<16xf32>
      %add3A_1261 = arith.addf %get3A_1226, %mul3A_1260 : vector<16xf32>
      %mul3A_1262 = arith.mulf %get3A_982, %get3A_1221 : vector<16xf32>
      %add3A_1263 = arith.addf %add3A_1261, %mul3A_1262 : vector<16xf32>
      %min3A_1264 = arith.minimumf %scan3A_1211, %add3A_1263 : vector<16xf32>
      %scan3A_1265 = arith.constant 1 : i32
      %scan3A_1266 = arith.addi %scan3A_1203, %scan3A_1265 : i32
      %mul3A_1267 = arith.constant 16 : i32
      %mul3A_1268 = arith.muli %scan3A_1266, %mul3A_1267 : i32
      %get3A_1269 = arith.index_cast %mul3A_1268 : i32 to index
      %get3A_1270 = tpu.vector_load %arg7[%get3A_1269] {strides = array<i32>} : memref<8000xf32, #tpu.memory_space<vmem>>, vector<16xf32>,
      %get3A_1271 = vector.shape_cast %get3A_1270 : vector<16xf32> to vector<16xf32>
      %mul3A_1272 = arith.constant 16 : i32
      %mul3A_1273 = arith.muli %scan3A_1266, %mul3A_1272 : i32
      %get3A_1274 = arith.index_cast %mul3A_1273 : i32 to index
      %get3A_1275 = tpu.vector_load %arg8[%get3A_1274] {strides = array<i32>} : memref<8000xf32, #tpu.memory_space<vmem>>, vector<16xf32>,
      %get3A_1276 = vector.shape_cast %get3A_1275 : vector<16xf32> to vector<16xf32>
      %mul3A_1277 = arith.constant 16 : i32
      %mul3A_1278 = arith.muli %scan3A_1266, %mul3A_1277 : i32
      %get3A_1279 = arith.index_cast %mul3A_1278 : i32 to index
      %get3A_1280 = tpu.vector_load %arg9[%get3A_1279] {strides = array<i32>} : memref<8000xf32, #tpu.memory_space<vmem>>, vector<16xf32>,
      %get3A_1281 = vector.shape_cast %get3A_1280 : vector<16xf32> to vector<16xf32>
      %mul3A_1282 = arith.mulf %get3A_907, %get3A_1271 : vector<16xf32>
      %add3A_1283 = arith.addf %get3A_1281, %mul3A_1282 : vector<16xf32>
      %mul3A_1284 = arith.mulf %get3A_947, %get3A_1276 : vector<16xf32>
      %add3A_1285 = arith.addf %add3A_1283, %mul3A_1284 : vector<16xf32>
      %min3A_1286 = arith.minimumf %min3A, %add3A_1285 : vector<16xf32>
      %mul3A_1287 = arith.mulf %get3A_912, %get3A_1271 : vector<16xf32>
      %add3A_1288 = arith.addf %get3A_1281, %mul3A_1287 : vector<16xf32>
      %mul3A_1289 = arith.mulf %get3A_952, %get3A_1276 : vector<16xf32>
      %add3A_1290 = arith.addf %add3A_1288, %mul3A_1289 : vector<16xf32>
      %min3A_1291 = arith.minimumf %min3A_1234, %add3A_1290 : vector<16xf32>
      %mul3A_1292 = arith.mulf %get3A_917, %get3A_1271 : vector<16xf32>
      %add3A_1293 = arith.addf %get3A_1281, %mul3A_1292 : vector<16xf32>
      %mul3A_1294 = arith.mulf %get3A_957, %get3A_1276 : vector<16xf32>
      %add3A_1295 = arith.addf %add3A_1293, %mul3A_1294 : vector<16xf32>
      %min3A_1296 = arith.minimumf %min3A_1239, %add3A_1295 : vector<16xf32>
      %mul3A_1297 = arith.mulf %get3A_922, %get3A_1271 : vector<16xf32>
      %add3A_1298 = arith.addf %get3A_1281, %mul3A_1297 : vector<16xf32>
      %mul3A_1299 = arith.mulf %get3A_962, %get3A_1276 : vector<16xf32>
      %add3A_1300 = arith.addf %add3A_1298, %mul3A_1299 : vector<16xf32>
      %min3A_1301 = arith.minimumf %min3A_1244, %add3A_1300 : vector<16xf32>
      %mul3A_1302 = arith.mulf %get3A_927, %get3A_1271 : vector<16xf32>
      %add3A_1303 = arith.addf %get3A_1281, %mul3A_1302 : vector<16xf32>
      %mul3A_1304 = arith.mulf %get3A_967, %get3A_1276 : vector<16xf32>
      %add3A_1305 = arith.addf %add3A_1303, %mul3A_1304 : vector<16xf32>
      %min3A_1306 = arith.minimumf %min3A_1249, %add3A_1305 : vector<16xf32>
      %mul3A_1307 = arith.mulf %get3A_932, %get3A_1271 : vector<16xf32>
      %add3A_1308 = arith.addf %get3A_1281, %mul3A_1307 : vector<16xf32>
      %mul3A_1309 = arith.mulf %get3A_972, %get3A_1276 : vector<16xf32>
      %add3A_1310 = arith.addf %add3A_1308, %mul3A_1309 : vector<16xf32>
      %min3A_1311 = arith.minimumf %min3A_1254, %add3A_1310 : vector<16xf32>
      %mul3A_1312 = arith.mulf %get3A_937, %get3A_1271 : vector<16xf32>
      %add3A_1313 = arith.addf %get3A_1281, %mul3A_1312 : vector<16xf32>
      %mul3A_1314 = arith.mulf %get3A_977, %get3A_1276 : vector<16xf32>
      %add3A_1315 = arith.addf %add3A_1313, %mul3A_1314 : vector<16xf32>
      %min3A_1316 = arith.minimumf %min3A_1259, %add3A_1315 : vector<16xf32>
      %mul3A_1317 = arith.mulf %get3A_942, %get3A_1271 : vector<16xf32>
      %add3A_1318 = arith.addf %get3A_1281, %mul3A_1317 : vector<16xf32>
      %mul3A_1319 = arith.mulf %get3A_982, %get3A_1276 : vector<16xf32>
      %add3A_1320 = arith.addf %add3A_1318, %mul3A_1319 : vector<16xf32>
      %min3A_1321 = arith.minimumf %min3A_1264, %add3A_1320 : vector<16xf32>
      scf.yield %min3A_1286, %min3A_1291, %min3A_1296, %min3A_1301, %min3A_1306, %min3A_1311, %min3A_1316, %min3A_1321 : vector<16xf32>, vector<16xf32>, vector<16xf32>, vector<16xf32>, vector<16xf32>, vector<16xf32>, vector<16xf32>, vector<16xf32>
    }
    %scan3A_1004 = arith.constant 500 : i32
    %swap3A_1005 = arith.constant 48 : i32
    %swap3A_1006 = arith.index_cast %swap3A_1005 : i32 to index
    %swap3A_1007 = arith.constant 0 : index
    %swap3A_1008 = tpu.vector_load %arg12[%swap3A_1006, %swap3A_1007] {strides = array<i32>} : memref<64x16xf32, #tpu.memory_space<vmem>>, vector<1x16xf32>,
    %swap3A_1009 = vector.shape_cast %swap3A_1008 : vector<1x16xf32> to vector<16xf32>
    %swap3A_1010 = vector.shape_cast %scan3A_1003#0 : vector<16xf32> to vector<1x16xf32>
    tpu.vector_store %arg12[%swap3A_1006, %swap3A_1007], %swap3A_1010 {strides = array<i32>} : memref<64x16xf32, #tpu.memory_space<vmem>>, vector<1x16xf32>,
    %swap3A_1011 = arith.constant 49 : i32
    %swap3A_1012 = arith.index_cast %swap3A_1011 : i32 to index
    %swap3A_1013 = arith.constant 0 : index
    %swap3A_1014 = tpu.vector_load %arg12[%swap3A_1012, %swap3A_1013] {strides = array<i32>} : memref<64x16xf32, #tpu.memory_space<vmem>>, vector<1x16xf32>,
    %swap3A_1015 = vector.shape_cast %swap3A_1014 : vector<1x16xf32> to vector<16xf32>
    %swap3A_1016 = vector.shape_cast %scan3A_1003#1 : vector<16xf32> to vector<1x16xf32>
    tpu.vector_store %arg12[%swap3A_1012, %swap3A_1013], %swap3A_1016 {strides = array<i32>} : memref<64x16xf32, #tpu.memory_space<vmem>>, vector<1x16xf32>,
    %swap3A_1017 = arith.constant 50 : i32
    %swap3A_1018 = arith.index_cast %swap3A_1017 : i32 to index
    %swap3A_1019 = arith.constant 0 : index
    %swap3A_1020 = tpu.vector_load %arg12[%swap3A_1018, %swap3A_1019] {strides = array<i32>} : memref<64x16xf32, #tpu.memory_space<vmem>>, vector<1x16xf32>,
    %swap3A_1021 = vector.shape_cast %swap3A_1020 : vector<1x16xf32> to vector<16xf32>
    %swap3A_1022 = vector.shape_cast %scan3A_1003#2 : vector<16xf32> to vector<1x16xf32>
    tpu.vector_store %arg12[%swap3A_1018, %swap3A_1019], %swap3A_1022 {strides = array<i32>} : memref<64x16xf32, #tpu.memory_space<vmem>>, vector<1x16xf32>,
    %swap3A_1023 = arith.constant 51 : i32
    %swap3A_1024 = arith.index_cast %swap3A_1023 : i32 to index
    %swap3A_1025 = arith.constant 0 : index
    %swap3A_1026 = tpu.vector_load %arg12[%swap3A_1024, %swap3A_1025] {strides = array<i32>} : memref<64x16xf32, #tpu.memory_space<vmem>>, vector<1x16xf32>,
    %swap3A_1027 = vector.shape_cast %swap3A_1026 : vector<1x16xf32> to vector<16xf32>
    %swap3A_1028 = vector.shape_cast %scan3A_1003#3 : vector<16xf32> to vector<1x16xf32>
    tpu.vector_store %arg12[%swap3A_1024, %swap3A_1025], %swap3A_1028 {strides = array<i32>} : memref<64x16xf32, #tpu.memory_space<vmem>>, vector<1x16xf32>,
    %swap3A_1029 = arith.constant 52 : i32
    %swap3A_1030 = arith.index_cast %swap3A_1029 : i32 to index
    %swap3A_1031 = arith.constant 0 : index
    %swap3A_1032 = tpu.vector_load %arg12[%swap3A_1030, %swap3A_1031] {strides = array<i32>} : memref<64x16xf32, #tpu.memory_space<vmem>>, vector<1x16xf32>,
    %swap3A_1033 = vector.shape_cast %swap3A_1032 : vector<1x16xf32> to vector<16xf32>
    %swap3A_1034 = vector.shape_cast %scan3A_1003#4 : vector<16xf32> to vector<1x16xf32>
    tpu.vector_store %arg12[%swap3A_1030, %swap3A_1031], %swap3A_1034 {strides = array<i32>} : memref<64x16xf32, #tpu.memory_space<vmem>>, vector<1x16xf32>,
    %swap3A_1035 = arith.constant 53 : i32
    %swap3A_1036 = arith.index_cast %swap3A_1035 : i32 to index
    %swap3A_1037 = arith.constant 0 : index
    %swap3A_1038 = tpu.vector_load %arg12[%swap3A_1036, %swap3A_1037] {strides = array<i32>} : memref<64x16xf32, #tpu.memory_space<vmem>>, vector<1x16xf32>,
    %swap3A_1039 = vector.shape_cast %swap3A_1038 : vector<1x16xf32> to vector<16xf32>
    %swap3A_1040 = vector.shape_cast %scan3A_1003#5 : vector<16xf32> to vector<1x16xf32>
    tpu.vector_store %arg12[%swap3A_1036, %swap3A_1037], %swap3A_1040 {strides = array<i32>} : memref<64x16xf32, #tpu.memory_space<vmem>>, vector<1x16xf32>,
    %swap3A_1041 = arith.constant 54 : i32
    %swap3A_1042 = arith.index_cast %swap3A_1041 : i32 to index
    %swap3A_1043 = arith.constant 0 : index
    %swap3A_1044 = tpu.vector_load %arg12[%swap3A_1042, %swap3A_1043] {strides = array<i32>} : memref<64x16xf32, #tpu.memory_space<vmem>>, vector<1x16xf32>,
    %swap3A_1045 = vector.shape_cast %swap3A_1044 : vector<1x16xf32> to vector<16xf32>
    %swap3A_1046 = vector.shape_cast %scan3A_1003#6 : vector<16xf32> to vector<1x16xf32>
    tpu.vector_store %arg12[%swap3A_1042, %swap3A_1043], %swap3A_1046 {strides = array<i32>} : memref<64x16xf32, #tpu.memory_space<vmem>>, vector<1x16xf32>,
    %swap3A_1047 = arith.constant 55 : i32
    %swap3A_1048 = arith.index_cast %swap3A_1047 : i32 to index
    %swap3A_1049 = arith.constant 0 : index
    %swap3A_1050 = tpu.vector_load %arg12[%swap3A_1048, %swap3A_1049] {strides = array<i32>} : memref<64x16xf32, #tpu.memory_space<vmem>>, vector<1x16xf32>,
    %swap3A_1051 = vector.shape_cast %swap3A_1050 : vector<1x16xf32> to vector<16xf32>
    %swap3A_1052 = vector.shape_cast %scan3A_1003#7 : vector<16xf32> to vector<1x16xf32>
    tpu.vector_store %arg12[%swap3A_1048, %swap3A_1049], %swap3A_1052 {strides = array<i32>} : memref<64x16xf32, #tpu.memory_space<vmem>>, vector<1x16xf32>,
    %get3A_1053 = arith.constant 56 : i32
    %get3A_1054 = arith.index_cast %get3A_1053 : i32 to index
    %get3A_1055 = arith.constant 0 : index
    %get3A_1056 = tpu.vector_load %arg10[%get3A_1054, %get3A_1055] {strides = array<i32>} : memref<64x16xf32, #tpu.memory_space<vmem>>, vector<1x16xf32>,
    %get3A_1057 = vector.shape_cast %get3A_1056 : vector<1x16xf32> to vector<16xf32>
    %get3A_1058 = arith.constant 57 : i32
    %get3A_1059 = arith.index_cast %get3A_1058 : i32 to index
    %get3A_1060 = arith.constant 0 : index
    %get3A_1061 = tpu.vector_load %arg10[%get3A_1059, %get3A_1060] {strides = array<i32>} : memref<64x16xf32, #tpu.memory_space<vmem>>, vector<1x16xf32>,
    %get3A_1062 = vector.shape_cast %get3A_1061 : vector<1x16xf32> to vector<16xf32>
    %get3A_1063 = arith.constant 58 : i32
    %get3A_1064 = arith.index_cast %get3A_1063 : i32 to index
    %get3A_1065 = arith.constant 0 : index
    %get3A_1066 = tpu.vector_load %arg10[%get3A_1064, %get3A_1065] {strides = array<i32>} : memref<64x16xf32, #tpu.memory_space<vmem>>, vector<1x16xf32>,
    %get3A_1067 = vector.shape_cast %get3A_1066 : vector<1x16xf32> to vector<16xf32>
    %get3A_1068 = arith.constant 59 : i32
    %get3A_1069 = arith.index_cast %get3A_1068 : i32 to index
    %get3A_1070 = arith.constant 0 : index
    %get3A_1071 = tpu.vector_load %arg10[%get3A_1069, %get3A_1070] {strides = array<i32>} : memref<64x16xf32, #tpu.memory_space<vmem>>, vector<1x16xf32>,
    %get3A_1072 = vector.shape_cast %get3A_1071 : vector<1x16xf32> to vector<16xf32>
    %get3A_1073 = arith.constant 60 : i32
    %get3A_1074 = arith.index_cast %get3A_1073 : i32 to index
    %get3A_1075 = arith.constant 0 : index
    %get3A_1076 = tpu.vector_load %arg10[%get3A_1074, %get3A_1075] {strides = array<i32>} : memref<64x16xf32, #tpu.memory_space<vmem>>, vector<1x16xf32>,
    %get3A_1077 = vector.shape_cast %get3A_1076 : vector<1x16xf32> to vector<16xf32>
    %get3A_1078 = arith.constant 61 : i32
    %get3A_1079 = arith.index_cast %get3A_1078 : i32 to index
    %get3A_1080 = arith.constant 0 : index
    %get3A_1081 = tpu.vector_load %arg10[%get3A_1079, %get3A_1080] {strides = array<i32>} : memref<64x16xf32, #tpu.memory_space<vmem>>, vector<1x16xf32>,
    %get3A_1082 = vector.shape_cast %get3A_1081 : vector<1x16xf32> to vector<16xf32>
    %get3A_1083 = arith.constant 62 : i32
    %get3A_1084 = arith.index_cast %get3A_1083 : i32 to index
    %get3A_1085 = arith.constant 0 : index
    %get3A_1086 = tpu.vector_load %arg10[%get3A_1084, %get3A_1085] {strides = array<i32>} : memref<64x16xf32, #tpu.memory_space<vmem>>, vector<1x16xf32>,
    %get3A_1087 = vector.shape_cast %get3A_1086 : vector<1x16xf32> to vector<16xf32>
    %get3A_1088 = arith.constant 63 : i32
    %get3A_1089 = arith.index_cast %get3A_1088 : i32 to index
    %get3A_1090 = arith.constant 0 : index
    %get3A_1091 = tpu.vector_load %arg10[%get3A_1089, %get3A_1090] {strides = array<i32>} : memref<64x16xf32, #tpu.memory_space<vmem>>, vector<1x16xf32>,
    %get3A_1092 = vector.shape_cast %get3A_1091 : vector<1x16xf32> to vector<16xf32>
    %get3A_1093 = arith.constant 56 : i32
    %get3A_1094 = arith.index_cast %get3A_1093 : i32 to index
    %get3A_1095 = arith.constant 0 : index
    %get3A_1096 = tpu.vector_load %arg11[%get3A_1094, %get3A_1095] {strides = array<i32>} : memref<64x16xf32, #tpu.memory_space<vmem>>, vector<1x16xf32>,
    %get3A_1097 = vector.shape_cast %get3A_1096 : vector<1x16xf32> to vector<16xf32>
    %get3A_1098 = arith.constant 57 : i32
    %get3A_1099 = arith.index_cast %get3A_1098 : i32 to index
    %get3A_1100 = arith.constant 0 : index
    %get3A_1101 = tpu.vector_load %arg11[%get3A_1099, %get3A_1100] {strides = array<i32>} : memref<64x16xf32, #tpu.memory_space<vmem>>, vector<1x16xf32>,
    %get3A_1102 = vector.shape_cast %get3A_1101 : vector<1x16xf32> to vector<16xf32>
    %get3A_1103 = arith.constant 58 : i32
    %get3A_1104 = arith.index_cast %get3A_1103 : i32 to index
    %get3A_1105 = arith.constant 0 : index
    %get3A_1106 = tpu.vector_load %arg11[%get3A_1104, %get3A_1105] {strides = array<i32>} : memref<64x16xf32, #tpu.memory_space<vmem>>, vector<1x16xf32>,
    %get3A_1107 = vector.shape_cast %get3A_1106 : vector<1x16xf32> to vector<16xf32>
    %get3A_1108 = arith.constant 59 : i32
    %get3A_1109 = arith.index_cast %get3A_1108 : i32 to index
    %get3A_1110 = arith.constant 0 : index
    %get3A_1111 = tpu.vector_load %arg11[%get3A_1109, %get3A_1110] {strides = array<i32>} : memref<64x16xf32, #tpu.memory_space<vmem>>, vector<1x16xf32>,
    %get3A_1112 = vector.shape_cast %get3A_1111 : vector<1x16xf32> to vector<16xf32>
    %get3A_1113 = arith.constant 60 : i32
    %get3A_1114 = arith.index_cast %get3A_1113 : i32 to index
    %get3A_1115 = arith.constant 0 : index
    %get3A_1116 = tpu.vector_load %arg11[%get3A_1114, %get3A_1115] {strides = array<i32>} : memref<64x16xf32, #tpu.memory_space<vmem>>, vector<1x16xf32>,
    %get3A_1117 = vector.shape_cast %get3A_1116 : vector<1x16xf32> to vector<16xf32>
    %get3A_1118 = arith.constant 61 : i32
    %get3A_1119 = arith.index_cast %get3A_1118 : i32 to index
    %get3A_1120 = arith.constant 0 : index
    %get3A_1121 = tpu.vector_load %arg11[%get3A_1119, %get3A_1120] {strides = array<i32>} : memref<64x16xf32, #tpu.memory_space<vmem>>, vector<1x16xf32>,
    %get3A_1122 = vector.shape_cast %get3A_1121 : vector<1x16xf32> to vector<16xf32>
    %get3A_1123 = arith.constant 62 : i32
    %get3A_1124 = arith.index_cast %get3A_1123 : i32 to index
    %get3A_1125 = arith.constant 0 : index
    %get3A_1126 = tpu.vector_load %arg11[%get3A_1124, %get3A_1125] {strides = array<i32>} : memref<64x16xf32, #tpu.memory_space<vmem>>, vector<1x16xf32>,
    %get3A_1127 = vector.shape_cast %get3A_1126 : vector<1x16xf32> to vector<16xf32>
    %get3A_1128 = arith.constant 63 : i32
    %get3A_1129 = arith.index_cast %get3A_1128 : i32 to index
    %get3A_1130 = arith.constant 0 : index
    %get3A_1131 = tpu.vector_load %arg11[%get3A_1129, %get3A_1130] {strides = array<i32>} : memref<64x16xf32, #tpu.memory_space<vmem>>, vector<1x16xf32>,
    %get3A_1132 = vector.shape_cast %get3A_1131 : vector<1x16xf32> to vector<16xf32>
    %broadcast_in_dim3A_1133 = arith.constant 0x7F800000 : f32
    %broadcast_in_dim3A_1134 = vector.broadcast %broadcast_in_dim3A_1133 : f32 to vector<16xf32>
    %broadcast_in_dim3A_1135 = arith.constant 0x7F800000 : f32
    %broadcast_in_dim3A_1136 = vector.broadcast %broadcast_in_dim3A_1135 : f32 to vector<16xf32>
    %broadcast_in_dim3A_1137 = arith.constant 0x7F800000 : f32
    %broadcast_in_dim3A_1138 = vector.broadcast %broadcast_in_dim3A_1137 : f32 to vector<16xf32>
    %broadcast_in_dim3A_1139 = arith.constant 0x7F800000 : f32
    %broadcast_in_dim3A_1140 = vector.broadcast %broadcast_in_dim3A_1139 : f32 to vector<16xf32>
    %broadcast_in_dim3A_1141 = arith.constant 0x7F800000 : f32
    %broadcast_in_dim3A_1142 = vector.broadcast %broadcast_in_dim3A_1141 : f32 to vector<16xf32>
    %broadcast_in_dim3A_1143 = arith.constant 0x7F800000 : f32
    %broadcast_in_dim3A_1144 = vector.broadcast %broadcast_in_dim3A_1143 : f32 to vector<16xf32>
    %broadcast_in_dim3A_1145 = arith.constant 0x7F800000 : f32
    %broadcast_in_dim3A_1146 = vector.broadcast %broadcast_in_dim3A_1145 : f32 to vector<16xf32>
    %broadcast_in_dim3A_1147 = arith.constant 0x7F800000 : f32
    %broadcast_in_dim3A_1148 = vector.broadcast %broadcast_in_dim3A_1147 : f32 to vector<16xf32>
    %scan3A_1149 = arith.constant 0 : i32
    %scan3A_1150 = arith.constant 500 : i32
    %scan3A_1151 = arith.addi %scan3A_1149, %scan3A_1150 : i32
    %scan3A_1152 = arith.constant 2 : i32
    %scan3A_1153:8 = scf.for %scan3A_1203 = %scan3A_1149 to %scan3A_1151 step %scan3A_1152 iter_args(%scan3A_1204 = %broadcast_in_dim3A_1134, %scan3A_1205 = %broadcast_in_dim3A_1136, %scan3A_1206 = %broadcast_in_dim3A_1138, %scan3A_1207 = %broadcast_in_dim3A_1140, %scan3A_1208 = %broadcast_in_dim3A_1142, %scan3A_1209 = %broadcast_in_dim3A_1144, %scan3A_1210 = %broadcast_in_dim3A_1146, %scan3A_1211 = %broadcast_in_dim3A_1148) -> (vector<16xf32>, vector<16xf32>, vector<16xf32>, vector<16xf32>, vector<16xf32>, vector<16xf32>, vector<16xf32>, vector<16xf32>)  : i32 {
      %mul3A_1212 = arith.constant 16 : i32
      %mul3A_1213 = arith.muli %scan3A_1203, %mul3A_1212 : i32
      %get3A_1214 = arith.index_cast %mul3A_1213 : i32 to index
      %get3A_1215 = tpu.vector_load %arg7[%get3A_1214] {strides = array<i32>} : memref<8000xf32, #tpu.memory_space<vmem>>, vector<16xf32>,
      %get3A_1216 = vector.shape_cast %get3A_1215 : vector<16xf32> to vector<16xf32>
      %mul3A_1217 = arith.constant 16 : i32
      %mul3A_1218 = arith.muli %scan3A_1203, %mul3A_1217 : i32
      %get3A_1219 = arith.index_cast %mul3A_1218 : i32 to index
      %get3A_1220 = tpu.vector_load %arg8[%get3A_1219] {strides = array<i32>} : memref<8000xf32, #tpu.memory_space<vmem>>, vector<16xf32>,
      %get3A_1221 = vector.shape_cast %get3A_1220 : vector<16xf32> to vector<16xf32>
      %mul3A_1222 = arith.constant 16 : i32
      %mul3A_1223 = arith.muli %scan3A_1203, %mul3A_1222 : i32
      %get3A_1224 = arith.index_cast %mul3A_1223 : i32 to index
      %get3A_1225 = tpu.vector_load %arg9[%get3A_1224] {strides = array<i32>} : memref<8000xf32, #tpu.memory_space<vmem>>, vector<16xf32>,
      %get3A_1226 = vector.shape_cast %get3A_1225 : vector<16xf32> to vector<16xf32>
      %mul3A_1227 = arith.mulf %get3A_1057, %get3A_1216 : vector<16xf32>
      %add3A = arith.addf %get3A_1226, %mul3A_1227 : vector<16xf32>
      %mul3A_1228 = arith.mulf %get3A_1097, %get3A_1221 : vector<16xf32>
      %add3A_1229 = arith.addf %add3A, %mul3A_1228 : vector<16xf32>
      %min3A = arith.minimumf %scan3A_1204, %add3A_1229 : vector<16xf32>
      %mul3A_1230 = arith.mulf %get3A_1062, %get3A_1216 : vector<16xf32>
      %add3A_1231 = arith.addf %get3A_1226, %mul3A_1230 : vector<16xf32>
      %mul3A_1232 = arith.mulf %get3A_1102, %get3A_1221 : vector<16xf32>
      %add3A_1233 = arith.addf %add3A_1231, %mul3A_1232 : vector<16xf32>
      %min3A_1234 = arith.minimumf %scan3A_1205, %add3A_1233 : vector<16xf32>
      %mul3A_1235 = arith.mulf %get3A_1067, %get3A_1216 : vector<16xf32>
      %add3A_1236 = arith.addf %get3A_1226, %mul3A_1235 : vector<16xf32>
      %mul3A_1237 = arith.mulf %get3A_1107, %get3A_1221 : vector<16xf32>
      %add3A_1238 = arith.addf %add3A_1236, %mul3A_1237 : vector<16xf32>
      %min3A_1239 = arith.minimumf %scan3A_1206, %add3A_1238 : vector<16xf32>
      %mul3A_1240 = arith.mulf %get3A_1072, %get3A_1216 : vector<16xf32>
      %add3A_1241 = arith.addf %get3A_1226, %mul3A_1240 : vector<16xf32>
      %mul3A_1242 = arith.mulf %get3A_1112, %get3A_1221 : vector<16xf32>
      %add3A_1243 = arith.addf %add3A_1241, %mul3A_1242 : vector<16xf32>
      %min3A_1244 = arith.minimumf %scan3A_1207, %add3A_1243 : vector<16xf32>
      %mul3A_1245 = arith.mulf %get3A_1077, %get3A_1216 : vector<16xf32>
      %add3A_1246 = arith.addf %get3A_1226, %mul3A_1245 : vector<16xf32>
      %mul3A_1247 = arith.mulf %get3A_1117, %get3A_1221 : vector<16xf32>
      %add3A_1248 = arith.addf %add3A_1246, %mul3A_1247 : vector<16xf32>
      %min3A_1249 = arith.minimumf %scan3A_1208, %add3A_1248 : vector<16xf32>
      %mul3A_1250 = arith.mulf %get3A_1082, %get3A_1216 : vector<16xf32>
      %add3A_1251 = arith.addf %get3A_1226, %mul3A_1250 : vector<16xf32>
      %mul3A_1252 = arith.mulf %get3A_1122, %get3A_1221 : vector<16xf32>
      %add3A_1253 = arith.addf %add3A_1251, %mul3A_1252 : vector<16xf32>
      %min3A_1254 = arith.minimumf %scan3A_1209, %add3A_1253 : vector<16xf32>
      %mul3A_1255 = arith.mulf %get3A_1087, %get3A_1216 : vector<16xf32>
      %add3A_1256 = arith.addf %get3A_1226, %mul3A_1255 : vector<16xf32>
      %mul3A_1257 = arith.mulf %get3A_1127, %get3A_1221 : vector<16xf32>
      %add3A_1258 = arith.addf %add3A_1256, %mul3A_1257 : vector<16xf32>
      %min3A_1259 = arith.minimumf %scan3A_1210, %add3A_1258 : vector<16xf32>
      %mul3A_1260 = arith.mulf %get3A_1092, %get3A_1216 : vector<16xf32>
      %add3A_1261 = arith.addf %get3A_1226, %mul3A_1260 : vector<16xf32>
      %mul3A_1262 = arith.mulf %get3A_1132, %get3A_1221 : vector<16xf32>
      %add3A_1263 = arith.addf %add3A_1261, %mul3A_1262 : vector<16xf32>
      %min3A_1264 = arith.minimumf %scan3A_1211, %add3A_1263 : vector<16xf32>
      %scan3A_1265 = arith.constant 1 : i32
      %scan3A_1266 = arith.addi %scan3A_1203, %scan3A_1265 : i32
      %mul3A_1267 = arith.constant 16 : i32
      %mul3A_1268 = arith.muli %scan3A_1266, %mul3A_1267 : i32
      %get3A_1269 = arith.index_cast %mul3A_1268 : i32 to index
      %get3A_1270 = tpu.vector_load %arg7[%get3A_1269] {strides = array<i32>} : memref<8000xf32, #tpu.memory_space<vmem>>, vector<16xf32>,
      %get3A_1271 = vector.shape_cast %get3A_1270 : vector<16xf32> to vector<16xf32>
      %mul3A_1272 = arith.constant 16 : i32
      %mul3A_1273 = arith.muli %scan3A_1266, %mul3A_1272 : i32
      %get3A_1274 = arith.index_cast %mul3A_1273 : i32 to index
      %get3A_1275 = tpu.vector_load %arg8[%get3A_1274] {strides = array<i32>} : memref<8000xf32, #tpu.memory_space<vmem>>, vector<16xf32>,
      %get3A_1276 = vector.shape_cast %get3A_1275 : vector<16xf32> to vector<16xf32>
      %mul3A_1277 = arith.constant 16 : i32
      %mul3A_1278 = arith.muli %scan3A_1266, %mul3A_1277 : i32
      %get3A_1279 = arith.index_cast %mul3A_1278 : i32 to index
      %get3A_1280 = tpu.vector_load %arg9[%get3A_1279] {strides = array<i32>} : memref<8000xf32, #tpu.memory_space<vmem>>, vector<16xf32>,
      %get3A_1281 = vector.shape_cast %get3A_1280 : vector<16xf32> to vector<16xf32>
      %mul3A_1282 = arith.mulf %get3A_1057, %get3A_1271 : vector<16xf32>
      %add3A_1283 = arith.addf %get3A_1281, %mul3A_1282 : vector<16xf32>
      %mul3A_1284 = arith.mulf %get3A_1097, %get3A_1276 : vector<16xf32>
      %add3A_1285 = arith.addf %add3A_1283, %mul3A_1284 : vector<16xf32>
      %min3A_1286 = arith.minimumf %min3A, %add3A_1285 : vector<16xf32>
      %mul3A_1287 = arith.mulf %get3A_1062, %get3A_1271 : vector<16xf32>
      %add3A_1288 = arith.addf %get3A_1281, %mul3A_1287 : vector<16xf32>
      %mul3A_1289 = arith.mulf %get3A_1102, %get3A_1276 : vector<16xf32>
      %add3A_1290 = arith.addf %add3A_1288, %mul3A_1289 : vector<16xf32>
      %min3A_1291 = arith.minimumf %min3A_1234, %add3A_1290 : vector<16xf32>
      %mul3A_1292 = arith.mulf %get3A_1067, %get3A_1271 : vector<16xf32>
      %add3A_1293 = arith.addf %get3A_1281, %mul3A_1292 : vector<16xf32>
      %mul3A_1294 = arith.mulf %get3A_1107, %get3A_1276 : vector<16xf32>
      %add3A_1295 = arith.addf %add3A_1293, %mul3A_1294 : vector<16xf32>
      %min3A_1296 = arith.minimumf %min3A_1239, %add3A_1295 : vector<16xf32>
      %mul3A_1297 = arith.mulf %get3A_1072, %get3A_1271 : vector<16xf32>
      %add3A_1298 = arith.addf %get3A_1281, %mul3A_1297 : vector<16xf32>
      %mul3A_1299 = arith.mulf %get3A_1112, %get3A_1276 : vector<16xf32>
      %add3A_1300 = arith.addf %add3A_1298, %mul3A_1299 : vector<16xf32>
      %min3A_1301 = arith.minimumf %min3A_1244, %add3A_1300 : vector<16xf32>
      %mul3A_1302 = arith.mulf %get3A_1077, %get3A_1271 : vector<16xf32>
      %add3A_1303 = arith.addf %get3A_1281, %mul3A_1302 : vector<16xf32>
      %mul3A_1304 = arith.mulf %get3A_1117, %get3A_1276 : vector<16xf32>
      %add3A_1305 = arith.addf %add3A_1303, %mul3A_1304 : vector<16xf32>
      %min3A_1306 = arith.minimumf %min3A_1249, %add3A_1305 : vector<16xf32>
      %mul3A_1307 = arith.mulf %get3A_1082, %get3A_1271 : vector<16xf32>
      %add3A_1308 = arith.addf %get3A_1281, %mul3A_1307 : vector<16xf32>
      %mul3A_1309 = arith.mulf %get3A_1122, %get3A_1276 : vector<16xf32>
      %add3A_1310 = arith.addf %add3A_1308, %mul3A_1309 : vector<16xf32>
      %min3A_1311 = arith.minimumf %min3A_1254, %add3A_1310 : vector<16xf32>
      %mul3A_1312 = arith.mulf %get3A_1087, %get3A_1271 : vector<16xf32>
      %add3A_1313 = arith.addf %get3A_1281, %mul3A_1312 : vector<16xf32>
      %mul3A_1314 = arith.mulf %get3A_1127, %get3A_1276 : vector<16xf32>
      %add3A_1315 = arith.addf %add3A_1313, %mul3A_1314 : vector<16xf32>
      %min3A_1316 = arith.minimumf %min3A_1259, %add3A_1315 : vector<16xf32>
      %mul3A_1317 = arith.mulf %get3A_1092, %get3A_1271 : vector<16xf32>
      %add3A_1318 = arith.addf %get3A_1281, %mul3A_1317 : vector<16xf32>
      %mul3A_1319 = arith.mulf %get3A_1132, %get3A_1276 : vector<16xf32>
      %add3A_1320 = arith.addf %add3A_1318, %mul3A_1319 : vector<16xf32>
      %min3A_1321 = arith.minimumf %min3A_1264, %add3A_1320 : vector<16xf32>
      scf.yield %min3A_1286, %min3A_1291, %min3A_1296, %min3A_1301, %min3A_1306, %min3A_1311, %min3A_1316, %min3A_1321 : vector<16xf32>, vector<16xf32>, vector<16xf32>, vector<16xf32>, vector<16xf32>, vector<16xf32>, vector<16xf32>, vector<16xf32>
    }
    %scan3A_1154 = arith.constant 500 : i32
    %swap3A_1155 = arith.constant 56 : i32
    %swap3A_1156 = arith.index_cast %swap3A_1155 : i32 to index
    %swap3A_1157 = arith.constant 0 : index
    %swap3A_1158 = tpu.vector_load %arg12[%swap3A_1156, %swap3A_1157] {strides = array<i32>} : memref<64x16xf32, #tpu.memory_space<vmem>>, vector<1x16xf32>,
    %swap3A_1159 = vector.shape_cast %swap3A_1158 : vector<1x16xf32> to vector<16xf32>
    %swap3A_1160 = vector.shape_cast %scan3A_1153#0 : vector<16xf32> to vector<1x16xf32>
    tpu.vector_store %arg12[%swap3A_1156, %swap3A_1157], %swap3A_1160 {strides = array<i32>} : memref<64x16xf32, #tpu.memory_space<vmem>>, vector<1x16xf32>,
    %swap3A_1161 = arith.constant 57 : i32
    %swap3A_1162 = arith.index_cast %swap3A_1161 : i32 to index
    %swap3A_1163 = arith.constant 0 : index
    %swap3A_1164 = tpu.vector_load %arg12[%swap3A_1162, %swap3A_1163] {strides = array<i32>} : memref<64x16xf32, #tpu.memory_space<vmem>>, vector<1x16xf32>,
    %swap3A_1165 = vector.shape_cast %swap3A_1164 : vector<1x16xf32> to vector<16xf32>
    %swap3A_1166 = vector.shape_cast %scan3A_1153#1 : vector<16xf32> to vector<1x16xf32>
    tpu.vector_store %arg12[%swap3A_1162, %swap3A_1163], %swap3A_1166 {strides = array<i32>} : memref<64x16xf32, #tpu.memory_space<vmem>>, vector<1x16xf32>,
    %swap3A_1167 = arith.constant 58 : i32
    %swap3A_1168 = arith.index_cast %swap3A_1167 : i32 to index
    %swap3A_1169 = arith.constant 0 : index
    %swap3A_1170 = tpu.vector_load %arg12[%swap3A_1168, %swap3A_1169] {strides = array<i32>} : memref<64x16xf32, #tpu.memory_space<vmem>>, vector<1x16xf32>,
    %swap3A_1171 = vector.shape_cast %swap3A_1170 : vector<1x16xf32> to vector<16xf32>
    %swap3A_1172 = vector.shape_cast %scan3A_1153#2 : vector<16xf32> to vector<1x16xf32>
    tpu.vector_store %arg12[%swap3A_1168, %swap3A_1169], %swap3A_1172 {strides = array<i32>} : memref<64x16xf32, #tpu.memory_space<vmem>>, vector<1x16xf32>,
    %swap3A_1173 = arith.constant 59 : i32
    %swap3A_1174 = arith.index_cast %swap3A_1173 : i32 to index
    %swap3A_1175 = arith.constant 0 : index
    %swap3A_1176 = tpu.vector_load %arg12[%swap3A_1174, %swap3A_1175] {strides = array<i32>} : memref<64x16xf32, #tpu.memory_space<vmem>>, vector<1x16xf32>,
    %swap3A_1177 = vector.shape_cast %swap3A_1176 : vector<1x16xf32> to vector<16xf32>
    %swap3A_1178 = vector.shape_cast %scan3A_1153#3 : vector<16xf32> to vector<1x16xf32>
    tpu.vector_store %arg12[%swap3A_1174, %swap3A_1175], %swap3A_1178 {strides = array<i32>} : memref<64x16xf32, #tpu.memory_space<vmem>>, vector<1x16xf32>,
    %swap3A_1179 = arith.constant 60 : i32
    %swap3A_1180 = arith.index_cast %swap3A_1179 : i32 to index
    %swap3A_1181 = arith.constant 0 : index
    %swap3A_1182 = tpu.vector_load %arg12[%swap3A_1180, %swap3A_1181] {strides = array<i32>} : memref<64x16xf32, #tpu.memory_space<vmem>>, vector<1x16xf32>,
    %swap3A_1183 = vector.shape_cast %swap3A_1182 : vector<1x16xf32> to vector<16xf32>
    %swap3A_1184 = vector.shape_cast %scan3A_1153#4 : vector<16xf32> to vector<1x16xf32>
    tpu.vector_store %arg12[%swap3A_1180, %swap3A_1181], %swap3A_1184 {strides = array<i32>} : memref<64x16xf32, #tpu.memory_space<vmem>>, vector<1x16xf32>,
    %swap3A_1185 = arith.constant 61 : i32
    %swap3A_1186 = arith.index_cast %swap3A_1185 : i32 to index
    %swap3A_1187 = arith.constant 0 : index
    %swap3A_1188 = tpu.vector_load %arg12[%swap3A_1186, %swap3A_1187] {strides = array<i32>} : memref<64x16xf32, #tpu.memory_space<vmem>>, vector<1x16xf32>,
    %swap3A_1189 = vector.shape_cast %swap3A_1188 : vector<1x16xf32> to vector<16xf32>
    %swap3A_1190 = vector.shape_cast %scan3A_1153#5 : vector<16xf32> to vector<1x16xf32>
    tpu.vector_store %arg12[%swap3A_1186, %swap3A_1187], %swap3A_1190 {strides = array<i32>} : memref<64x16xf32, #tpu.memory_space<vmem>>, vector<1x16xf32>,
    %swap3A_1191 = arith.constant 62 : i32
    %swap3A_1192 = arith.index_cast %swap3A_1191 : i32 to index
    %swap3A_1193 = arith.constant 0 : index
    %swap3A_1194 = tpu.vector_load %arg12[%swap3A_1192, %swap3A_1193] {strides = array<i32>} : memref<64x16xf32, #tpu.memory_space<vmem>>, vector<1x16xf32>,
    %swap3A_1195 = vector.shape_cast %swap3A_1194 : vector<1x16xf32> to vector<16xf32>
    %swap3A_1196 = vector.shape_cast %scan3A_1153#6 : vector<16xf32> to vector<1x16xf32>
    tpu.vector_store %arg12[%swap3A_1192, %swap3A_1193], %swap3A_1196 {strides = array<i32>} : memref<64x16xf32, #tpu.memory_space<vmem>>, vector<1x16xf32>,
    %swap3A_1197 = arith.constant 63 : i32
    %swap3A_1198 = arith.index_cast %swap3A_1197 : i32 to index
    %swap3A_1199 = arith.constant 0 : index
    %swap3A_1200 = tpu.vector_load %arg12[%swap3A_1198, %swap3A_1199] {strides = array<i32>} : memref<64x16xf32, #tpu.memory_space<vmem>>, vector<1x16xf32>,
    %swap3A_1201 = vector.shape_cast %swap3A_1200 : vector<1x16xf32> to vector<16xf32>
    %swap3A_1202 = vector.shape_cast %scan3A_1153#7 : vector<16xf32> to vector<1x16xf32>
    tpu.vector_store %arg12[%swap3A_1198, %swap3A_1199], %swap3A_1202 {strides = array<i32>} : memref<64x16xf32, #tpu.memory_space<vmem>>, vector<1x16xf32>,
    "tpu.region"() ({
      %run_scoped3A = tpu.sem_alloc : memref<!tpu.dma_semaphore, #tpu.memory_space<semaphore_mem>>
      %dma_start3A = arith.constant 0 : i32
      %dma_start3A_1203 = tpu.memref_slice %arg6[%arg0, %mul3A_0, %dma_start3A] : memref<2x1024x16xf32, #tpu.memory_space<hbm>> -> memref<1x64x16xf32, #tpu.memory_space<hbm>>
      %dma_start3A_1204 = tpu.memref_squeeze %dma_start3A_1203 : memref<1x64x16xf32, #tpu.memory_space<hbm>> -> memref<64x16xf32, #tpu.memory_space<hbm>>
      %dma_start3A_1205 = arith.constant 0 : i32
      %dma_start3A_1206 = tpu.memref_slice %arg6[%arg0, %mul3A_0, %dma_start3A_1205] : memref<2x1024x16xf32, #tpu.memory_space<hbm>> -> memref<1x64x16xf32, #tpu.memory_space<hbm>>
      %dma_start3A_1207 = tpu.memref_squeeze %dma_start3A_1206 : memref<1x64x16xf32, #tpu.memory_space<hbm>> -> memref<64x16xf32, #tpu.memory_space<hbm>>
      tpu.enqueue_dma source(%arg12 : memref<64x16xf32, #tpu.memory_space<vmem>>) target(%dma_start3A_1207 : memref<64x16xf32, #tpu.memory_space<hbm>>) target_semaphore(%run_scoped3A : memref<!tpu.dma_semaphore, #tpu.memory_space<semaphore_mem>>)
      %dma_wait3A = arith.constant 0 : i32
      %dma_wait3A_1208 = tpu.memref_slice %arg6[%arg0, %mul3A_0, %dma_wait3A] : memref<2x1024x16xf32, #tpu.memory_space<hbm>> -> memref<1x64x16xf32, #tpu.memory_space<hbm>>
      %dma_wait3A_1209 = tpu.memref_squeeze %dma_wait3A_1208 : memref<1x64x16xf32, #tpu.memory_space<hbm>> -> memref<64x16xf32, #tpu.memory_space<hbm>>
      %dma_wait3A_1210 = arith.constant 0 : i32
      %dma_wait3A_1211 = tpu.memref_slice %arg6[%arg0, %mul3A_0, %dma_wait3A_1210] : memref<2x1024x16xf32, #tpu.memory_space<hbm>> -> memref<1x64x16xf32, #tpu.memory_space<hbm>>
      %dma_wait3A_1212 = tpu.memref_squeeze %dma_wait3A_1211 : memref<1x64x16xf32, #tpu.memory_space<hbm>> -> memref<64x16xf32, #tpu.memory_space<hbm>>
      tpu.wait_dma2 semaphore(%run_scoped3A : memref<!tpu.dma_semaphore, #tpu.memory_space<semaphore_mem>>) src(%arg12 : memref<64x16xf32, #tpu.memory_space<vmem>>) dst(%dma_wait3A_1212 : memref<64x16xf32, #tpu.memory_space<hbm>>)
      tpu.yield
    }) : () -> ()
    return
  }
}

module attributes {stable_mosaic.version = 14 : i64} {
  func.func @_stats_body(%arg0: i32, %arg1: memref<128x2048xf32, #tpu.memory_space<vmem>>, %arg2: memref<128xf32, #tpu.memory_space<vmem>>, %arg3: memref<128xf32, #tpu.memory_space<vmem>>, %arg4: memref<128x16xf32, #tpu.memory_space<vmem>>, %arg5: memref<128x16xf32, #tpu.memory_space<vmem>>) attributes {dimension_semantics = [#tpu.dimension_semantics<arbitrary>], iteration_bounds = array<i64: 8>, scalar_prefetch = 0 : i64, scratch_operands = 0 : i64, tpu.core_type = #tpu.core_type<tc>, window_params = [{transform_indices = @transform_0, window_bounds = array<i64: 128, 2048>}, {transform_indices = @transform_1, window_bounds = array<i64: 128>}, {transform_indices = @transform_2, window_bounds = array<i64: 128>}, {transform_indices = @transform_3, window_bounds = array<i64: 128, 16>}, {transform_indices = @transform_4, window_bounds = array<i64: 128, 16>}]} {
    %get3A = arith.constant 0 : index
    %get3A_0 = arith.constant 0 : index
    %get3A_1 = vector.load %arg1[%get3A, %get3A_0] : memref<128x2048xf32, #tpu.memory_space<vmem>>, vector<128x2048xf32>
    %reduce_sum3A = arith.constant dense<0.000000e+00> : vector<128xf32>
    %reduce_sum3A_2 = vector.multi_reduction <add>, %get3A_1, %reduce_sum3A [1] : vector<128x2048xf32> to vector<128xf32>
    %broadcast_in_dim3A = vector.shape_cast %reduce_sum3A_2 : vector<128xf32> to vector<128x1xf32>
    %div3A = arith.constant 2.048000e+03 : f32
    %div3A_3 = vector.broadcast %div3A : f32 to vector<128x1xf32>
    %div3A_4 = arith.divf %broadcast_in_dim3A, %div3A_3 : vector<128x1xf32>
    %sub3A = vector.broadcast %div3A_4 : vector<128x1xf32> to vector<128x2048xf32>
    %sub3A_5 = arith.subf %get3A_1, %sub3A : vector<128x2048xf32>
    %mul3A = arith.mulf %sub3A_5, %sub3A_5 : vector<128x2048xf32>
    %reduce_sum3A_6 = arith.constant dense<0.000000e+00> : vector<128xf32>
    %reduce_sum3A_7 = vector.multi_reduction <add>, %mul3A, %reduce_sum3A_6 [1] : vector<128x2048xf32> to vector<128xf32>
    %broadcast_in_dim3A_8 = vector.shape_cast %reduce_sum3A_7 : vector<128xf32> to vector<128x1xf32>
    %div3A_9 = arith.constant 2.047000e+03 : f32
    %div3A_10 = vector.broadcast %div3A_9 : f32 to vector<128x1xf32>
    %div3A_11 = arith.divf %broadcast_in_dim3A_8, %div3A_10 : vector<128x1xf32>
    %sqrt3A = math.sqrt %div3A_11 : vector<128x1xf32>
    %sub3A_12 = arith.constant 1.000000e+00 : f32
    %sub3A_13 = vector.broadcast %sub3A_12 : f32 to vector<128x1xf32>
    %sub3A_14 = arith.subf %sqrt3A, %sub3A_13 : vector<128x1xf32>
    %mul3A_15 = arith.constant -2.000000e+00 : f32
    %mul3A_16 = vector.broadcast %mul3A_15 : f32 to vector<128x1xf32>
    %mul3A_17 = arith.mulf %mul3A_16, %div3A_4 : vector<128x1xf32>
    %mul3A_18 = arith.constant -2.000000e+00 : f32
    %mul3A_19 = vector.broadcast %mul3A_18 : f32 to vector<128x1xf32>
    %mul3A_20 = arith.mulf %mul3A_19, %sub3A_14 : vector<128x1xf32>
    %squeeze3A = vector.shape_cast %mul3A_17 : vector<128x1xf32> to vector<128xf32>
    %swap3A = arith.constant 0 : index
    %swap3A_21 = vector.load %arg2[%swap3A] : memref<128xf32, #tpu.memory_space<vmem>>, vector<128xf32>
    tpu.vector_store %arg2[%swap3A], %squeeze3A {strides = array<i32>} : memref<128xf32, #tpu.memory_space<vmem>>, vector<128xf32>,
    %squeeze3A_22 = vector.shape_cast %mul3A_20 : vector<128x1xf32> to vector<128xf32>
    %swap3A_23 = arith.constant 0 : index
    %swap3A_24 = vector.load %arg3[%swap3A_23] : memref<128xf32, #tpu.memory_space<vmem>>, vector<128xf32>
    tpu.vector_store %arg3[%swap3A_23], %squeeze3A_22 {strides = array<i32>} : memref<128xf32, #tpu.memory_space<vmem>>, vector<128xf32>,
    %broadcast_in_dim3A_25 = vector.shape_cast %mul3A_17 : vector<128x1xf32> to vector<128x1xf32>
    %broadcast_in_dim3A_26 = vector.broadcast %broadcast_in_dim3A_25 : vector<128x1xf32> to vector<128x16xf32>
    %swap3A_27 = arith.constant 0 : index
    %swap3A_28 = arith.constant 0 : index
    %swap3A_29 = vector.load %arg4[%swap3A_27, %swap3A_28] : memref<128x16xf32, #tpu.memory_space<vmem>>, vector<128x16xf32>
    tpu.vector_store %arg4[%swap3A_27, %swap3A_28], %broadcast_in_dim3A_26 {strides = array<i32>} : memref<128x16xf32, #tpu.memory_space<vmem>>, vector<128x16xf32>,
    %broadcast_in_dim3A_30 = vector.shape_cast %mul3A_20 : vector<128x1xf32> to vector<128x1xf32>
    %broadcast_in_dim3A_31 = vector.broadcast %broadcast_in_dim3A_30 : vector<128x1xf32> to vector<128x16xf32>
    %swap3A_32 = arith.constant 0 : index
    %swap3A_33 = arith.constant 0 : index
    %swap3A_34 = vector.load %arg5[%swap3A_32, %swap3A_33] : memref<128x16xf32, #tpu.memory_space<vmem>>, vector<128x16xf32>
    tpu.vector_store %arg5[%swap3A_32, %swap3A_33], %broadcast_in_dim3A_31 {strides = array<i32>} : memref<128x16xf32, #tpu.memory_space<vmem>>, vector<128x16xf32>,
    return
  }
  func.func @transform_0(%arg0: i32) -> (i32, i32) {
    %c0_i32 = arith.constant 0 : i32
    %c0_i32_0 = arith.constant 0 : i32
    return %arg0, %c0_i32 : i32, i32
  }
  func.func @transform_1(%arg0: i32) -> i32 {
    %c0_i32 = arith.constant 0 : i32
    return %arg0 : i32
  }
  func.func @transform_2(%arg0: i32) -> i32 {
    %c0_i32 = arith.constant 0 : i32
    return %arg0 : i32
  }
  func.func @transform_3(%arg0: i32) -> (i32, i32) {
    %c0_i32 = arith.constant 0 : i32
    %c0_i32_0 = arith.constant 0 : i32
    return %arg0, %c0_i32 : i32, i32
  }
  func.func @transform_4(%arg0: i32) -> (i32, i32) {
    %c0_i32 = arith.constant 0 : i32
    %c0_i32_0 = arith.constant 0 : i32
    return %arg0, %c0_i32 : i32, i32
  }
}

module attributes {stable_mosaic.version = 14 : i64} {
  func.func @_tc_knn_body(%arg0: i32, %arg1: memref<128xf32, #tpu.memory_space<vmem>>, %arg2: memref<128xf32, #tpu.memory_space<vmem>>, %arg3: memref<1x34816xf32, #tpu.memory_space<vmem>>, %arg4: memref<1x34816xf32, #tpu.memory_space<vmem>>, %arg5: memref<128xf32, #tpu.memory_space<vmem>>) attributes {dimension_semantics = [#tpu.dimension_semantics<arbitrary>], iteration_bounds = array<i64: 8>, scalar_prefetch = 0 : i64, scratch_operands = 0 : i64, tpu.core_type = #tpu.core_type<tc>, window_params = [{transform_indices = @transform_0, window_bounds = array<i64: 128>}, {transform_indices = @transform_1, window_bounds = array<i64: 128>}, {pipeline_mode = #tpu.pipeline_mode<synchronous>, transform_indices = @transform_2, window_bounds = array<i64: 1, 34816>}, {pipeline_mode = #tpu.pipeline_mode<synchronous>, transform_indices = @transform_3, window_bounds = array<i64: 1, 34816>}, {transform_indices = @transform_4, window_bounds = array<i64: 128>}]} {
    %get3A = arith.constant 0 : index
    %get3A_0 = vector.load %arg1[%get3A] : memref<128xf32, #tpu.memory_space<vmem>>, vector<128xf32>
    %broadcast_in_dim3A = vector.shape_cast %get3A_0 : vector<128xf32> to vector<128x1xf32>
    %broadcast_in_dim3A_1 = vector.shape_cast %broadcast_in_dim3A : vector<128x1xf32> to vector<128x1xf32>
    %broadcast_in_dim3A_2 = vector.broadcast %broadcast_in_dim3A_1 : vector<128x1xf32> to vector<128x128xf32>
    %get3A_3 = arith.constant 0 : index
    %get3A_4 = vector.load %arg2[%get3A_3] : memref<128xf32, #tpu.memory_space<vmem>>, vector<128xf32>
    %broadcast_in_dim3A_5 = vector.shape_cast %get3A_4 : vector<128xf32> to vector<128x1xf32>
    %broadcast_in_dim3A_6 = vector.shape_cast %broadcast_in_dim3A_5 : vector<128x1xf32> to vector<128x1xf32>
    %broadcast_in_dim3A_7 = vector.broadcast %broadcast_in_dim3A_6 : vector<128x1xf32> to vector<128x128xf32>
    %broadcast_in_dim3A_8 = arith.constant 0x7F800000 : f32
    %broadcast_in_dim3A_9 = vector.broadcast %broadcast_in_dim3A_8 : f32 to vector<128x128xf32>
    %scan3A = arith.constant 0 : i32
    %scan3A_10 = arith.constant 272 : i32
    %scan3A_11 = arith.addi %scan3A, %scan3A_10 : i32
    %scan3A_12 = arith.constant 1 : i32
    %scan3A_13 = scf.for %scan3A_17 = %scan3A to %scan3A_11 step %scan3A_12 iter_args(%scan3A_18 = %broadcast_in_dim3A_9) -> (vector<128x128xf32>)  : i32 {
      %mul3A = arith.constant 128 : i32
      %mul3A_19 = arith.muli %scan3A_17, %mul3A : i32
      %get3A_20 = arith.constant 0 : index
      %get3A_21 = arith.index_cast %mul3A_19 : i32 to index
      %get3A_22 = vector.load %arg3[%get3A_20, %get3A_21] : memref<1x34816xf32, #tpu.memory_space<vmem>>, vector<1x128xf32>
      %get3A_23 = vector.shape_cast %get3A_22 : vector<1x128xf32> to vector<128xf32>
      %broadcast_in_dim3A_24 = vector.shape_cast %get3A_23 : vector<128xf32> to vector<1x128xf32>
      %mul3A_25 = arith.constant 128 : i32
      %mul3A_26 = arith.muli %scan3A_17, %mul3A_25 : i32
      %get3A_27 = arith.constant 0 : index
      %get3A_28 = arith.index_cast %mul3A_26 : i32 to index
      %get3A_29 = vector.load %arg4[%get3A_27, %get3A_28] : memref<1x34816xf32, #tpu.memory_space<vmem>>, vector<1x128xf32>
      %get3A_30 = vector.shape_cast %get3A_29 : vector<1x128xf32> to vector<128xf32>
      %broadcast_in_dim3A_31 = vector.shape_cast %get3A_30 : vector<128xf32> to vector<1x128xf32>
      %sub3A = arith.constant 1.000000e+00 : f32
      %sub3A_32 = vector.broadcast %sub3A : f32 to vector<1x128xf32>
      %sub3A_33 = arith.subf %broadcast_in_dim3A_31, %sub3A_32 : vector<1x128xf32>
      %mul3A_34 = arith.mulf %broadcast_in_dim3A_24, %broadcast_in_dim3A_24 : vector<1x128xf32>
      %mul3A_35 = arith.mulf %sub3A_33, %sub3A_33 : vector<1x128xf32>
      %add3A = arith.addf %mul3A_34, %mul3A_35 : vector<1x128xf32>
      %mul3A_36 = vector.broadcast %broadcast_in_dim3A_24 : vector<1x128xf32> to vector<128x128xf32>
      %mul3A_37 = arith.mulf %broadcast_in_dim3A_2, %mul3A_36 : vector<128x128xf32>
      %mul3A_38 = vector.broadcast %sub3A_33 : vector<1x128xf32> to vector<128x128xf32>
      %mul3A_39 = arith.mulf %broadcast_in_dim3A_7, %mul3A_38 : vector<128x128xf32>
      %add3A_40 = vector.broadcast %add3A : vector<1x128xf32> to vector<128x128xf32>
      %add3A_41 = arith.addf %mul3A_39, %add3A_40 : vector<128x128xf32>
      %add3A_42 = arith.addf %mul3A_37, %add3A_41 : vector<128x128xf32>
      %min3A = arith.minimumf %scan3A_18, %add3A_42 : vector<128x128xf32>
      scf.yield %min3A : vector<128x128xf32>
    }
    %scan3A_14 = arith.constant 272 : i32
    %reduce_min3A = arith.constant dense<0x7F800000> : vector<128xf32>
    %reduce_min3A_15 = vector.multi_reduction <minimumf>, %scan3A_13, %reduce_min3A [1] : vector<128x128xf32> to vector<128xf32>
    %swap3A = arith.constant 0 : index
    %swap3A_16 = vector.load %arg5[%swap3A] : memref<128xf32, #tpu.memory_space<vmem>>, vector<128xf32>
    tpu.vector_store %arg5[%swap3A], %reduce_min3A_15 {strides = array<i32>} : memref<128xf32, #tpu.memory_space<vmem>>, vector<128xf32>,
    return
  }
  func.func @transform_0(%arg0: i32) -> i32 {
    %c0_i32 = arith.constant 0 : i32
    return %arg0 : i32
  }
  func.func @transform_1(%arg0: i32) -> i32 {
    %c0_i32 = arith.constant 0 : i32
    return %arg0 : i32
  }
  func.func @transform_2(%arg0: i32) -> (i32, i32) {
    %c0_i32 = arith.constant 0 : i32
    %c0_i32_0 = arith.constant 0 : i32
    %c0_i32_1 = arith.constant 0 : i32
    return %c0_i32, %c0_i32_0 : i32, i32
  }
  func.func @transform_3(%arg0: i32) -> (i32, i32) {
    %c0_i32 = arith.constant 0 : i32
    %c0_i32_0 = arith.constant 0 : i32
    %c0_i32_1 = arith.constant 0 : i32
    return %c0_i32, %c0_i32_0 : i32, i32
  }
  func.func @transform_4(%arg0: i32) -> i32 {
    %c0_i32 = arith.constant 0 : i32
    return %arg0 : i32
  }
}

module attributes {stable_mosaic.version = 14 : i64} {
  func.func @_merge_body(%arg0: memref<1024xf32, #tpu.memory_space<vmem>>, %arg1: memref<1024xf32, #tpu.memory_space<vmem>>, %arg2: memref<2x1024x16xf32, #tpu.memory_space<vmem>>, %arg3: memref<1024xf32, #tpu.memory_space<vmem>>, %arg4: memref<1024xf32, #tpu.memory_space<vmem>>) attributes {dimension_semantics = [], scalar_prefetch = 0 : i64, scratch_operands = 0 : i64, tpu.core_type = #tpu.core_type<tc>} {
    %get3A = arith.constant 0 : index
    %get3A_0 = vector.load %arg0[%get3A] : memref<1024xf32, #tpu.memory_space<vmem>>, vector<1024xf32>
    %get3A_1 = arith.constant 0 : index
    %get3A_2 = vector.load %arg1[%get3A_1] : memref<1024xf32, #tpu.memory_space<vmem>>, vector<1024xf32>
    %get3A_3 = arith.constant 0 : index
    %get3A_4 = arith.constant 0 : index
    %get3A_5 = arith.constant 0 : index
    %get3A_6 = vector.load %arg2[%get3A_3, %get3A_4, %get3A_5] : memref<2x1024x16xf32, #tpu.memory_space<vmem>>, vector<2x1024x16xf32>
    %reduce_min3A = arith.constant dense<0x7F800000> : vector<1024x16xf32>
    %reduce_min3A_7 = vector.multi_reduction <minimumf>, %get3A_6, %reduce_min3A [0] : vector<2x1024x16xf32> to vector<1024x16xf32>
    %reduce_min3A_8 = arith.constant dense<0x7F800000> : vector<1024xf32>
    %reduce_min3A_9 = vector.multi_reduction <minimumf>, %reduce_min3A_7, %reduce_min3A_8 [1] : vector<1024x16xf32> to vector<1024xf32>
    %get3A_10 = arith.constant 0 : index
    %get3A_11 = vector.load %arg3[%get3A_10] : memref<1024xf32, #tpu.memory_space<vmem>>, vector<1024xf32>
    %min3A = arith.minimumf %reduce_min3A_9, %get3A_11 : vector<1024xf32>
    %mul3A = arith.mulf %get3A_0, %get3A_0 : vector<1024xf32>
    %mul3A_12 = arith.mulf %get3A_2, %get3A_2 : vector<1024xf32>
    %add3A = arith.addf %mul3A, %mul3A_12 : vector<1024xf32>
    %mul3A_13 = arith.constant 2.500000e-01 : f32
    %mul3A_14 = vector.broadcast %mul3A_13 : f32 to vector<1024xf32>
    %mul3A_15 = arith.mulf %mul3A_14, %add3A : vector<1024xf32>
    %add3A_16 = arith.addf %min3A, %mul3A_15 : vector<1024xf32>
    %max3A = arith.constant 0.000000e+00 : f32
    %max3A_17 = vector.broadcast %max3A : f32 to vector<1024xf32>
    %max3A_18 = arith.maximumf %add3A_16, %max3A_17 : vector<1024xf32>
    %sqrt3A = math.sqrt %max3A_18 : vector<1024xf32>
    %mul3A_19 = arith.constant -1.000000e+01 : f32
    %mul3A_20 = vector.broadcast %mul3A_19 : f32 to vector<1024xf32>
    %mul3A_21 = arith.mulf %mul3A_20, %sqrt3A : vector<1024xf32>
    %exp3A = math.exp %mul3A_21 : vector<1024xf32>
    %swap3A = arith.constant 0 : index
    %swap3A_22 = vector.load %arg4[%swap3A] : memref<1024xf32, #tpu.memory_space<vmem>>, vector<1024xf32>
    tpu.vector_store %arg4[%swap3A], %exp3A {strides = array<i32>} : memref<1024xf32, #tpu.memory_space<vmem>>, vector<1024xf32>,
    return
  }
}

</mosaic_0001>

<sc_bundles>
// kernel: kernel.6.cloned.1.call-start
scs
__scs_entry_jumppad:
0x0: {  	(pc) =	sbr.rel $0x88, $3  }
0x1: {  	(tag) =	ssettag $0x0;
	lr =	simm.s32 $0x1  }
0x2: {  	[smem:$0x3F9E] =	sst lr;
	_ =	strace $0xD0000000  }
0x3: {  	_ = 	snop  }
0x4: {  	_ = 	snop  }
0x5: {  	_ = 	snop  }
0x6: {  	_ = 	snop  }
0x7: {  	_ = 	snop  }
__scs_overlays_trampoline_lowered:
0x8: {  	[smem:$0x3FAD] =	sst s0  }
0x9: {  	[smem:$0x3FAE] =	sst s1  }
0xa: {  	[smem:$0x3FAF] =	sst s2  }
0xb: {  	[smem:$0x3FB0] =	sst s3  }
0xc: {  	[smem:$0x3FB1] =	sst s4  }
0xd: {  	[smem:$0x3FB2] =	sst s5  }
0xe: {  	[smem:$0x3FB3] =	sst s6  }
0xf: {  	[smem:$0x3FB4] =	sst s7  }
0x10: {  	[smem:$0x3FB5] =	sst s8  }
0x11: {  	[smem:$0x3FB6] =	sst s9;
	s0 =	simm.s32 @!p0 $0x0  }
0x12: {  	s1 =	sld [smem:$0x3F9C];
	s0 =	simm.s32 @p0 $0x1  }
0x13: {  	[smem:$0x3FB7] =	sst s0;
	s0 =	simm.s32 @!p1 $0x0  }
0x14: {  	s2 =	sld [smem:$0x3F9B];
	s0 =	simm.s32 @p1 $0x1  }
0x15: {  	[smem:$0x3FB8] =	sst s0;
	s0 =	simm.s32 @!p2 $0x0  }
0x16: {  	s3 =	sld [smem:$0x3FDB];
	s0 =	simm.s32 @p2 $0x1  }
0x17: {  	s4 =	simm.s32 $0x1BF5;
	[smem:$0x3FBA] =	sst s0  }
0x18: {  	s0 =	sld [smem:$0x3F9D];
	_ =	swait.ge [sflag:s4], $0x0  }
0x19: {  	s7 =	sld [smem:$0x3F9E]  }
0x1a: {  	s8 =	sadd.s32 $0xFFFFE003, lr  }
0x1b: {  	s9 =	sadd.s32 $0xFFFFFEF7, lr;
	s5 =	simm.s32 $0xFFFFFFFF;
	p2 =	slt.u32 s8, $0xFFFFF086  }
0x1c: {  	p1 =	slt.u32 s9, $0xF7A;
	s5 =	simm.s32 @!p2 $0x0  }
0x1d: {  	s5 =	simm.s32 @p1 $0x1;
	p0 =	seq.s32 s7, s2  }
0x1e: {  	s7 =	smul.u32 @!p0 $0xF7A, s2;
	p2 =	seq.s32 @!p0 s5, $0x0  }
0x1f: {  	s9 =	smul.u32 $0xF7A, s1;
	s8 =	simm.s32 @!p0 $0x1BF5;
	p2 =	por !p2, p0  }
0x20: {  	[sflag:s8] =	ssyncset.s32 @!p0 $0xFFFFF086;
	s6 =	sadd.s32 @!p0 s3, s7;
	s7 =	simm.s32 @!p0 $0x108  }
0x21: {  	s3 =	sadd.s32 s3, s9;
	s6 =	sadd.s32 @!p0 $0x88, s6;
	s7 =	simm.s32 @p2 $0x1082  }
0x22: {  	[simem:s7], [sflag:s8] =	dma.local @!p0 [hbm:s6], $0xF7A  }
0x23: {  	s9 =	sor.u32 $0xD0000000, s2;
	s6 =	simm.s32 $0x108;
	_ =	swait.ge @!p0 [sflag:s8], $0x0  }
0x24: {  	s3 =	sadd.s32 $0x88, s3;
	s6 =	simm.s32 @!p1 $0x1082;
	[sflag:s4] =	ssyncset.s32 $0xFFFFF086  }
0x25: {  	[simem:s6], [sflag:s4] =	dma.local [hbm:s3], $0xF7A  }
0x26: {  	[smem:$0x3F9E] =	sst s1;
	(tag) =	ssettag s2;
	_ =	strace s9  }
0x27: {  	s1 =	sld [smem:$0x3FAE]  }
0x28: {  	s2 =	sld [smem:$0x3FAF]  }
0x29: {  	s4 =	sld [smem:$0x3FB1]  }
0x2a: {  	p0 =	seq.s32 s5, $0x0;
	s5 =	sld [smem:$0x3FB2]  }
0x2b: {  	s6 =	sld [smem:$0x3FB3]  }
0x2c: {  	s7 =	sld [smem:$0x3FB4]  }
0x2d: {  	s3 =	simm.s32 $0x108;
	s8 =	sld [smem:$0x3FB5]  }
0x2e: {  	s3 =	simm.s32 @!p0 $0x1082;
	s9 =	sld [smem:$0x3FB6]  }
0x2f: {  	lr =	sadd.s32 s0, s3;
	s0 =	sld [smem:$0x3FAD]  }
0x30: {  	s3 =	sld [smem:$0x3FB0]  }
0x31: {  	[smem:$0x3FB9] =	sst s10  }
0x32: {  	s10 =	sld [smem:$0x3FB7];
	_ =	sdelay $0x3  }
0x33: {  	p0 =	seq.s32 s10, $0x1;
	s10 =	sld [smem:$0x3FB9];
	_ =	sdelay $0x3  }
0x34: {  	[smem:$0x3FB9] =	sst s10  }
0x35: {  	s10 =	sld [smem:$0x3FB8];
	_ =	sdelay $0x3  }
0x36: {  	p1 =	seq.s32 s10, $0x1;
	s10 =	sld [smem:$0x3FB9];
	_ =	sdelay $0x3  }
0x37: {  	[smem:$0x3FB9] =	sst s10  }
0x38: {  	s10 =	sld [smem:$0x3FBA]  }
0x39: {  	_ = 	snop;
	(pc) =	sbr.ind lr, $3  }
0x3a: {  	_ = 	snop  }
0x3b: {  	_ = 	snop  }
0x3c: {  	p2 =	seq.s32 s10, $0x1;
	s10 =	sld [smem:$0x3FB9]  }
0x3d: {  	_ =	shalt  }
0x3e: {  	_ =	shalt  }
0x3f: {  	_ =	shalt  }
0x40: {  	_ =	shalt  }
0x41: {  	_ =	shalt  }
0x42: {  	_ =	shalt  }
0x43: {  	_ =	shalt  }
0x44: {  	_ =	shalt  }
0x45: {  	_ =	shalt  }
0x46: {  	_ =	shalt  }
0x47: {  	_ =	shalt  }
0x48: {  	_ =	shalt  }
0x49: {  	_ =	shalt  }
0x4a: {  	_ =	shalt  }
0x4b: {  	_ =	shalt  }
0x4c: {  	_ =	shalt  }
0x4d: {  	_ =	shalt  }
0x4e: {  	_ =	shalt  }
0x4f: {  	_ =	shalt  }
0x50: {  	_ =	shalt  }
0x51: {  	_ =	shalt  }
0x52: {  	_ =	shalt  }
0x53: {  	_ =	shalt  }
0x54: {  	_ =	shalt  }
0x55: {  	_ =	shalt  }
0x56: {  	_ =	shalt  }
0x57: {  	_ =	shalt  }
0x58: {  	_ =	shalt  }
0x59: {  	_ =	shalt  }
0x5a: {  	_ =	shalt  }
0x5b: {  	_ =	shalt  }
0x5c: {  	_ =	shalt  }
0x5d: {  	_ =	shalt  }
0x5e: {  	_ =	shalt  }
0x5f: {  	_ =	shalt  }
0x60: {  	_ =	shalt  }
0x61: {  	_ =	shalt  }
0x62: {  	_ =	shalt  }
0x63: {  	_ =	shalt  }
0x64: {  	_ =	shalt  }
0x65: {  	_ =	shalt  }
0x66: {  	_ =	shalt  }
0x67: {  	_ =	shalt  }
0x68: {  	_ =	shalt  }
0x69: {  	_ =	shalt  }
0x6a: {  	_ =	shalt  }
0x6b: {  	_ =	shalt  }
0x6c: {  	_ =	shalt  }
0x6d: {  	_ =	shalt  }
0x6e: {  	_ =	shalt  }
0x6f: {  	_ =	shalt  }
0x70: {  	_ =	shalt  }
0x71: {  	_ =	shalt  }
0x72: {  	_ =	shalt  }
0x73: {  	_ =	shalt  }
0x74: {  	_ =	shalt  }
0x75: {  	_ =	shalt  }
0x76: {  	_ =	shalt  }
0x77: {  	_ =	shalt  }
0x78: {  	_ =	shalt  }
0x79: {  	_ =	shalt  }
0x7a: {  	_ =	shalt  }
0x7b: {  	_ =	shalt  }
0x7c: {  	_ =	shalt  }
0x7d: {  	_ =	shalt  }
0x7e: {  	_ =	shalt  }
0x7f: {  	_ =	shalt  }
0x80: {  	_ =	shalt  }
0x81: {  	_ =	shalt  }
0x82: {  	_ =	shalt  }
0x83: {  	_ =	shalt  }
0x84: {  	_ =	shalt  }
0x85: {  	_ =	shalt  }
0x86: {  	_ =	shalt  }
0x87: {  	_ =	shalt  }
.Lfunc_end0:
.L_simem_size_0:
called_computation_lowered:
.L_overlay_start_0:
0x88: {  	s2 =	sld [smem:$0x3FD9]  }
0x89: {  	s3 =	sld [smem:$0x3FFE];
	_ =	sdelay $0x1  }
0x8a: {  	s1 =	srdreg.scid  }
0x8b: {  	s0 =	sand.u32 $0x1, s1  }
0x8c: {  	s16 =	sshll.u32 s0, $0xA;
	s2 =	sadd.s32 s3, s2  }
0x8d: {  	s2 =	sadd.s32 s2, s16  }
0x8e: {  	[smem:$0x3FC5] =	sst s2  }
0x8f: {  	_ = 	snop  }
0x90: {  	(tm) =	ssettm $0x1  }
0x91: {  	s17 =	sld [smem:$0x3FFB];
	_ =	sdelay $0x3  }
0x92: {  	_ =	strace s17  }
0x93: {  	s2 =	sld [smem:$0x3FFC];
	_ =	sdelay $0x3  }
0x94: {  	_ =	strace s2  }
0x95: {  	s2 =	sld [smem:$0x3FFD];
	_ =	sdelay $0x3  }
0x96: {  	_ =	strace s2  }
0x97: {  	_ =	strace $0x8FFFFFFF  }
0x98: {  	s18 =	sld [smem:$0x3FDB];
	_ =	sdelay $0x1  }
0x99: {  	s19 =	simm.s32 $_scs_section_size  }
0x9a: {  	s4 =	simm.s32 $_size__tile_overlayer_lowered;
	s5 =	simm.s32 $_tile_overlayer_lowered  }
0x9b: {  	s22 =	simm.s32 $0x1BFF;
	s21 =	sshll.u32 s5, $0x1;
	s2 =	sadd.s32 s19, s18  }
0x9c: {  	s6 =	simm.s32 $0x0;
	s20 =	sshll.u32 s4, $0x1;
	s4 =	sadd.s32 s21, s2  }
0x9d: {  	[timem:s6], [sflag:s22] =	dma.local [hbm:s4], s20  }
0x9e: {  	_ =	swait.ge [sflag:s22], s20  }
0x9f: {  	s3 =	ssub.s32 $0x0, s20;
	[sflag:s22] =	ssyncset.done $0x0  }
0xa0: {  	[sflag:s22] =	ssyncadd.s32 s3;
	_ =	sdelay $0x1  }
0xa1: {  	s23 =	simm.s32 $0x1B8B  }
0xa2: {  	_ =	swait.ge [sflag:s23], $0x1  }
0xa3: {  	[sflag:s23] =	ssyncset.done $0x0  }
0xa4: {  	s25 =	simm.s32 $0x1B8E;
	s24 =	sld [smem:$0x3FFE];
	[sflag:s23] =	ssyncadd.s32 $0xFFFFFFFF  }
0xa5: {  	s26 =	simm.s32 $execute0_lowered;
	[smem:$0x3FD2] =	sst s25  }
0xa6: {  	s4 =	sshll.u32 s26, $0x1;
	_ =	strace $0x80000046;
	[dreg:$0x1] =	wrdreg $0xFFFFFFFF  }
0xa7: {  	s28 =	simm.s32 $_size_execute0_lowered;
	s2 =	sadd.s32 s2, s4;
	[dreg:$0x0] =	wrdreg $0x0  }
0xa8: {  	s4 =	sshll.u32 s28, $0x1;
	[dreg:$0x2] =	wrdreg s2  }
0xa9: {  	[dreg:$0x3] =	wrdreg s4  }
0xaa: {  	[dreg:$0x4] =	wrdreg $0xC0  }
0xab: {  	_ =	task [dreg:s6], $0x5FFFF  }
0xac: {  	[dreg:$0x1] =	wrdreg $0xFFFFFFFF  }
0xad: {  	[dreg:$0x0] =	wrdreg $0x60  }
0xae: {  	[dreg:$0x2] =	wrdreg s24  }
0xaf: {  	[dreg:$0x3] =	wrdreg $0x9  }
0xb0: {  	_ =	task.clear_ibuf [dreg:s6], $0x4FFFF;
	_ =	strace $0x90000046  }
0xb1: {  	s29 =	simm.s32 $0x9;
	_ =	strace $0x80000048  }
0xb2: {  	_ =	swait.ge [sflag:s29], $0x1  }
0xb3: {  	[sflag:s29] =	ssyncadd.s32 $0xFFFFFFFF  }
0xb4: {  	_ =	strace $0x90000048  }
0xb5: {  	_ =	sfence  }
0xb6: {  	s30 =	sld [smem:$0x0];
	_ =	sdelay $0x2  }
0xb7: {  	s31 =	sshll.u32 s1, $0xD;
	s1 =	sshrl.u32 s1, $0x2  }
0xb8: {  	s3 =	sand.u32 $0x4000, s31;
	s1 =	sadd.s32 s1, s30  }
0xb9: {  	s0 =	sor.u32 s3, s0;
	s1 =	sshll.u32 s1, $0x11  }
0xba: {  	s0 =	sor.u32 s1, s0  }
0xbb: {  	s0 =	sadd.s32 $0x8F2B, s0  }
0xbc: {  	[sflag:s0] =	ssyncadd.remote.s32 $0x1  }
0xbd: {  	_ =	sfence.sel $0xFFFF  }
0xbe: {  	[dreg:$0x0] =	wrdreg $0xFFFFFFFF;
	(pc) =	sbr.abs _section_cstart, $3  }
0xbf: {  	[dreg:$0x1] =	wrdreg $0xFFFFFFFF  }
0xc0: {  	_ =	task.clear_ibuf [dreg:s6], $0x2FFFF;
	_ =	strace $0x9FFFFFFF  }
0xc1: {  	(tm) =	ssettm $0x7FFFFFFF  }
tec
execute0_lowered:
.L_overlay_start_1:
0x0: {  	(tag) =	ssettag $0x1  }
0x1: {  	s3 =	rddreg [dreg:$0x0]  }
0x2: {  	s0 =	rddreg [dreg:$0x1];
	s1 =	simm.s32 $0x0;
	s2 =	srdreg.scid  }
0x3: {  	s10 =	simm.s32 $0x100;
	s11 =	simm.s32 $0x1;
	s12 =	simm.s32 $0x1F80  }
0x4: {  	s13 =	simm.s32 $0x5E80;
	s14 =	simm.s32 $0x7E80;
	s15 =	simm.s32 $0x9E80  }
0x5: {  	s16 =	simm.s32 $0x0;
	[smem:$0x7FF] =	sst s1;
	s4 =	sand.u32 $0x1, s2  }
0x6: {  	s2 =	stileid.u32;
	_ =	strace $0x80000047;
	s5 =	sshll.u32 s4, $0x4  }
0x7: {  	s6 =	ssub.s32 $0x2, s4;
	s7 =	sshll.u32 s2, $0xA;
	s31 =	sshll.u32 s4, $0xE  }
0x8: {  	s5 =	sadd.s32 s5, s3;
	s8 =	sshrl.u32 s6, $0x1;
	s7 =	sadd.s32 s7, s3  }
0x9: {  	s8 =	ssub.s32 s6, s8;
	s3 =	sadd.s32 $0x9A00, s5;
	s4 =	sadd.s32 $0xA200, s5  }
0xa: {  	s9 =	sadd.s32 s31, s7;
	s5 =	sadd.s32 $0x5A00, s7;
	s6 =	sadd.s32 $0x1A00, s7  }
0xb: {  	s7 =	sadd.s32 $0xAA00, s9;
	s8 =	smax.u32 s8, $0x1;
	s9 =	simm.s32 $0x80  }
.LBB2_1:
0xc: {  	[tilespmem:s1], [sflag:$0x1] =	stream.strided.gather [hbm4b:s3+s9], $0x1F80, s10, s9, $0x38;
	[tilespmem:$0xBE80] =	vst v63  }
0xd: {  	_ =	swait.ge [sflag:s11], $0x1F80  }
0xe: {  	[sflag:s11] =	ssyncset.done $0x0  }
0xf: {  	[sflag:s11] =	ssyncadd.s32 $0xFFFFE080  }
0x10: {  	[tilespmem:s12], [sflag:$0x1] =	stream.strided.gather [hbm4b:s4+s9], $0x1F80, s10, s9, $0x38;
	[tilespmem:$0xBE80] =	vst v63  }
0x11: {  	_ =	swait.ge [sflag:s11], $0x1F80  }
0x12: {  	[sflag:s11] =	ssyncset.done $0x0  }
0x13: {  	[sflag:s11] =	ssyncadd.s32 $0xFFFFE080  }
0x14: {  	[tilespmem:s13], [sflag:$0x1] =	stream.linear.gather [hbm4b:s5+s1], $0x2000, $0x38;
	[tilespmem:$0xBE80] =	vst v63  }
0x15: {  	_ =	swait.ge [sflag:s11], $0x2000  }
0x16: {  	[sflag:s11] =	ssyncset.done $0x0  }
0x17: {  	[sflag:s11] =	ssyncadd.s32 $0xFFFFE000  }
0x18: {  	[tilespmem:s14], [sflag:$0x1] =	stream.linear.gather [hbm4b:s6+s1], $0x2000, $0x38;
	[tilespmem:$0xBE80] =	vst v63  }
0x19: {  	_ =	swait.ge [sflag:s11], $0x2000  }
0x1a: {  	[sflag:s11] =	ssyncset.done $0x0  }
0x1b: {  	s17 =	simm.s32 $0x0;
	[sflag:s11] =	ssyncadd.s32 $0xFFFFE000  }
0x1c: {  	v1 =	vld [tilespmem:s17+$0x1F80]  }
0x1d: {  	v0 =	vld [tilespmem:s17+$0x0];
	_ =	sdelay $0x1  }
0x1e: {  	s18 =	simm.s32 $0x40;
	s19 =	simm.s32 $0x80  }
.LBB2_2:
0x1f: {  	p0 =	sne.s32 s19, $0x7CC0  }
0x20: {  	v1 =	vadd.f32 $-1.000000000e+00, v1  }
0x21: {  	v2 =	vmul.f32 v0, v0  }
.Ltmp0:
0x22: {  	s20 =	sshra.s32 s18, $0x2;
	s18 =	smov.u32 s19;
	[tilespmem:s17+$0x1F80] =	vst v1;
	v3 =	vmul.f32 v1, v1;
	(pc) =	sbr.rel @p0 .LBB2_2-.Ltmp0, $3  }
0x23: {  	v1 =	vld [tilespmem:s20+$0x1F80]  }
0x24: {  	v0 =	vld [tilespmem:s20+$0x0];
	v2 =	vadd.f32 v3, v2;
	_ =	sdelay $0x1  }
0x25: {  	s19 =	sadd.s32 $0x40, s19;
	[tilespmem:s17+$0x3F00] =	vst v2;
	s17 =	smov.u32 s20  }
0x26: {  	_ = 	snop  }
0x27: {  	v1 =	vadd.f32 $-1.000000000e+00, v1;
	_ =	sdelay $0x1  }
0x28: {  	s18 =	sshra.s32 s18, $0x2;
	[tilespmem:s17+$0x1F80] =	vst v1  }
0x29: {  	v2 =	vld [tilespmem:s18+$0x1F80];
	_ =	sdelay $0x1  }
0x2a: {  	v3 =	vld [tilespmem:s18+$0x0];
	_ =	sdelay $0x2  }
0x2b: {  	v0 =	vmul.f32 v0, v0;
	v1 =	vmul.f32 v1, v1;
	v2 =	vadd.f32 $-1.000000000e+00, v2;
	_ =	sdelay $0x1  }
0x2c: {  	v0 =	vadd.f32 v1, v0;
	v1 =	vmul.f32 v3, v3;
	v3 =	vmul.f32 v2, v2;
	_ =	sdelay $0x1  }
0x2d: {  	[tilespmem:s17+$0x3F00] =	vst v0;
	v0 =	vadd.f32 v3, v1  }
0x2e: {  	[tilespmem:s18+$0x1F80] =	vst v2  }
0x2f: {  	[tilespmem:s18+$0x3F00] =	vst v0  }
0x30: {  	v0 =	vld [tilespmem:$0x5E80]  }
0x31: {  	v1 =	vld [tilespmem:$0x5F80]  }
0x32: {  	v2 =	vld [tilespmem:$0x6000]  }
0x33: {  	v3 =	vld [tilespmem:$0x6080]  }
0x34: {  	v4 =	vld [tilespmem:$0x6180]  }
0x35: {  	v5 =	vld [tilespmem:$0x6200]  }
0x36: {  	v6 =	vld [tilespmem:$0x7E80]  }
0x37: {  	v7 =	vld [tilespmem:$0x7F00]  }
0x38: {  	v8 =	vld [tilespmem:$0x8080]  }
0x39: {  	s31 =	simm.s32 $0x10;
	v9 =	vld [tilespmem:$0x8180]  }
0x3a: {  	s19 =	simm.s32 $0x1F90;
	v18 =	vld [tilespmem:s31+$0xFFFFFFF0]  }
0x3b: {  	v22 =	vld [tilespmem:s19+$0x0]  }
0x3c: {  	v10 =	vld [tilespmem:$0x8200]  }
0x3d: {  	v24 =	vld [tilespmem:s19+$0xFFFFFFF0]  }
0x3e: {  	v11 =	vld [tilespmem:$0x8100]  }
0x3f: {  	v12 =	vld [tilespmem:$0x7F80];
	v17 =	vmul.f32 v18, v0;
	v21 =	vmul.f32 v18, v5  }
0x40: {  	v33 =	vld [tilespmem:s31+$0x0];
	v23 =	vmul.f32 v18, v1;
	v13 =	vmul.f32 v22, v9  }
0x41: {  	v14 =	vld [tilespmem:$0x5F00];
	v16 =	vmul.f32 v18, v3;
	v36 =	vmul.f32 v22, v6  }
0x42: {  	s17 =	simm.s32 $0x3F10;
	v37 =	vmul.f32 v24, v7;
	v19 =	vmul.f32 v18, v4  }
0x43: {  	v28 =	vld [tilespmem:s17+$0xFFFFFFF0];
	v38 =	vmul.f32 v24, v10;
	v39 =	vmul.f32 v22, v7  }
0x44: {  	v27 =	vmul.f32 v24, v8;
	v34 =	vmul.f32 v22, v11  }
0x45: {  	v29 =	vmul.f32 v18, v2;
	v30 =	vmul.f32 v24, v12  }
0x46: {  	v35 =	vmul.f32 v33, v4;
	v41 =	vmul.f32 v18, v14  }
0x47: {  	v20 =	vld [tilespmem:s17+$0x0];
	v42 =	vmul.f32 v33, v3;
	v43 =	vmul.f32 v33, v0  }
0x48: {  	v46 =	vmul.f32 v33, v14;
	v47 =	vmul.f32 v24, v11;
	v25 =	vadd.f32 v28, v16;
	v16 =	vld [tilespmem:$0x6100]  }
0x49: {  	v15 =	vimm.f32 $+Inf;
	v61 =	vmul.f32 v24, v9;
	v62 =	vmul.f32 v33, v5  }
0x4a: {  	v31 =	vadd.f32 v28, v19;
	v26 =	vadd.f32 v28, v17;
	v19 =	vmul.f32 v22, v8  }
0x4b: {  	v40 =	vadd.f32 v28, v21;
	v32 =	vadd.f32 v28, v23;
	v21 =	vmul.f32 v22, v12  }
0x4c: {  	v23 =	vmul.f32 v22, v10;
	v17 =	vld [tilespmem:$0x8000];
	v45 =	vadd.f32 v28, v29;
	v29 =	vadd.f32 v20, v42  }
0x4d: {  	v43 =	vadd.f32 v20, v43;
	v63 =	vadd.f32 v20, v46;
	v18 =	vmul.f32 v18, v16  }
0x4e: {  	v27 =	vadd.f32 v25, v27;
	v25 =	vadd.f32 v32, v30;
	v44 =	vmul.f32 v33, v16  }
0x4f: {  	v32 =	vmul.f32 v33, v2;
	v30 =	vadd.f32 v20, v35;
	v18 =	vadd.f32 v28, v18  }
0x50: {  	v35 =	vmul.f32 v24, v6;
	v31 =	vadd.f32 v31, v61;
	v44 =	vadd.f32 v20, v44  }
0x51: {  	v36 =	vadd.f32 v43, v36;
	v48 =	vmul.f32 v24, v17;
	v18 =	vadd.f32 v18, v47  }
0x52: {  	v25 =	vmin.f32 v15, v25;
	v28 =	vadd.f32 v28, v41;
	v24 =	vadd.f32 v44, v34  }
0x53: {  	v27 =	vmin.f32 v15, v27;
	v34 =	vadd.f32 v45, v48;
	v18 =	vmin.f32 v15, v18  }
0x54: {  	v18 =	vmin.f32 v18, v24;
	v24 =	vadd.f32 v28, v37;
	v28 =	vmul.f32 v33, v1  }
0x55: {  	v33 =	vadd.f32 v40, v38;
	v40 =	vadd.f32 v63, v39;
	v39 =	vmul.f32 v22, v17  }
0x56: {  	v37 =	vadd.f32 v20, v62;
	v22 =	vimm.f32 $+Inf;
	v41 =	vmin.f32 v15, v24  }
0x57: {  	s20 =	simm.s32 $0x30;
	s18 =	simm.s32 $0x0;
	s19 =	simm.s32 $0x1FB0;
	v38 =	vadd.f32 v20, v28;
	v24 =	vimm.f32 $+Inf;
	v28 =	vimm.f32 $+Inf  }
.LBB2_4:
0x58: {  	v42 =	vld [tilespmem:s20+$0xFFFFFFF0];
	s18 =	sadd.s32 $0x2, s18;
	v26 =	vadd.f32 v26, v35;
	v41 =	vmin.f32 v41, v40;
	v20 =	vadd.f32 v20, v32;
	s17 =	sadd.s32 $0x20, s17  }
0x59: {  	v15 =	vmin.f32 v15, v34;
	v24 =	vmin.f32 v24, v33;
	v13 =	vadd.f32 v30, v13;
	v43 =	vld [tilespmem:s19+$0x0];
	p0 =	slt.u32 s18, $0x1F2  }
0x5a: {  	v23 =	vadd.f32 v37, v23;
	v33 =	vld [tilespmem:s20+$0x0];
	v26 =	vmin.f32 v28, v26;
	v20 =	vadd.f32 v20, v39  }
0x5b: {  	v22 =	vmin.f32 v22, v31;
	v19 =	vadd.f32 v29, v19;
	v34 =	vld [tilespmem:s19+$0xFFFFFFF0];
	v28 =	vmin.f32 v26, v36  }
0x5c: {  	v22 =	vmin.f32 v22, v13;
	v24 =	vmin.f32 v24, v23;
	v36 =	vld [tilespmem:s17+$0xFFFFFFF0];
	v15 =	vmin.f32 v15, v20  }
0x5d: {  	v21 =	vadd.f32 v38, v21;
	v23 =	vmul.f32 v42, v0;
	v29 =	vmul.f32 v42, v5  }
0x5e: {  	v27 =	vmin.f32 v27, v19;
	v30 =	vmul.f32 v42, v1;
	v20 =	vld [tilespmem:s17+$0x0];
	v13 =	vmul.f32 v43, v9  }
0x5f: {  	v25 =	vmin.f32 v25, v21;
	v19 =	vmul.f32 v42, v3;
	v37 =	vmul.f32 v43, v6  }
0x60: {  	v21 =	vmul.f32 v42, v4;
	v38 =	vmul.f32 v34, v7  }
0x61: {  	v40 =	vmul.f32 v43, v7;
	v39 =	vmul.f32 v34, v10;
	v31 =	vadd.f32 v36, v19  }
0x62: {  	v45 =	vmul.f32 v43, v11;
	v32 =	vmul.f32 v34, v8;
	v44 =	vadd.f32 v36, v21  }
0x63: {  	v35 =	vmul.f32 v42, v2;
	v26 =	vadd.f32 v36, v23;
	v19 =	vmul.f32 v43, v8  }
0x64: {  	v48 =	vmul.f32 v33, v4;
	v46 =	vmul.f32 v34, v12;
	v47 =	vadd.f32 v36, v29  }
0x65: {  	v49 =	vmul.f32 v42, v14;
	v29 =	vadd.f32 v36, v30;
	v21 =	vmul.f32 v43, v12  }
0x66: {  	v30 =	vmul.f32 v33, v3;
	v23 =	vmul.f32 v43, v10;
	v31 =	vadd.f32 v31, v32  }
0x67: {  	v50 =	vmul.f32 v33, v16;
	v29 =	vadd.f32 v29, v46;
	v46 =	vmul.f32 v33, v0  }
0x68: {  	v51 =	vadd.f32 v36, v35;
	v32 =	vmul.f32 v42, v16;
	v42 =	vmul.f32 v33, v14  }
0x69: {  	v35 =	vmul.f32 v34, v11;
	v25 =	vmin.f32 v25, v29;
	v29 =	vadd.f32 v20, v30  }
0x6a: {  	v52 =	vadd.f32 v36, v32;
	v32 =	vmul.f32 v33, v2;
	v30 =	vadd.f32 v20, v48  }
0x6b: {  	v27 =	vmin.f32 v27, v31;
	v31 =	vmul.f32 v34, v9;
	v48 =	vadd.f32 v20, v50  }
0x6c: {  	v50 =	vmul.f32 v34, v17;
	v46 =	vadd.f32 v20, v46;
	v52 =	vadd.f32 v52, v35  }
0x6d: {  	v35 =	vmul.f32 v34, v6;
	v31 =	vadd.f32 v44, v31;
	v44 =	vadd.f32 v48, v45  }
.Ltmp1:
0x6e: {  	v36 =	vadd.f32 v36, v49;
	v45 =	vmul.f32 v33, v5;
	v18 =	vmin.f32 v18, v52;
	(pc) =	sbr.rel @p0 .LBB2_4-.Ltmp1, $4  }
0x6f: {  	v42 =	vadd.f32 v20, v42;
	v34 =	vadd.f32 v51, v50;
	v18 =	vmin.f32 v18, v44  }
0x70: {  	v38 =	vadd.f32 v36, v38;
	v36 =	vadd.f32 v46, v37;
	v37 =	vmul.f32 v33, v1  }
0x71: {  	v33 =	vadd.f32 v47, v39;
	v40 =	vadd.f32 v42, v40;
	v39 =	vmul.f32 v43, v17  }
0x72: {  	s20 =	sadd.s32 $0x20, s20;
	s19 =	sadd.s32 $0x20, s19;
	v41 =	vmin.f32 v41, v38;
	v38 =	vadd.f32 v20, v37;
	v37 =	vadd.f32 v20, v45  }
0x73: {  	v0 =	vadd.f32 v26, v35  }
0x74: {  	v2 =	vadd.f32 v20, v32;
	v11 =	vld [tilespmem:$0x8500]  }
0x75: {  	v5 =	vmin.f32 v41, v40;
	[tilespmem:$0xA100] =	vst v18;
	v12 =	vld [tilespmem:$0x8380];
	v4 =	vadd.f32 v38, v21;
	v1 =	vmin.f32 v28, v0  }
0x76: {  	[tilespmem:$0x9F00] =	vst v5;
	v0 =	vld [tilespmem:$0x6280];
	v6 =	vadd.f32 v2, v39;
	v3 =	vmin.f32 v1, v36  }
0x77: {  	v7 =	vmin.f32 v15, v34;
	v8 =	vadd.f32 v29, v19;
	v1 =	vld [tilespmem:$0x6380];
	v4 =	vmin.f32 v25, v4;
	[tilespmem:$0x9E80] =	vst v3  }
0x78: {  	v3 =	vld [tilespmem:$0x6480];
	v5 =	vmin.f32 v7, v6;
	[tilespmem:$0x9F80] =	vst v4;
	v7 =	vadd.f32 v30, v13  }
0x79: {  	v9 =	vmin.f32 v22, v31;
	v4 =	vld [tilespmem:$0x6580];
	v6 =	vmin.f32 v27, v8;
	v8 =	vadd.f32 v37, v23;
	[tilespmem:$0xA000] =	vst v5  }
0x7a: {  	v10 =	vmin.f32 v24, v33;
	v5 =	vld [tilespmem:$0x6600];
	[tilespmem:$0xA080] =	vst v6;
	v9 =	vmin.f32 v9, v7  }
0x7b: {  	v6 =	vld [tilespmem:$0x8280];
	v10 =	vmin.f32 v10, v8;
	[tilespmem:$0xA180] =	vst v9  }
0x7c: {  	s18 =	simm.s32 $0x10;
	v7 =	vld [tilespmem:$0x8300];
	[tilespmem:$0xA200] =	vst v10  }
0x7d: {  	v18 =	vld [tilespmem:s18+$0xFFFFFFF0]  }
0x7e: {  	s19 =	simm.s32 $0x1F90;
	v9 =	vld [tilespmem:$0x8580]  }
0x7f: {  	v22 =	vld [tilespmem:s19+$0x0]  }
0x80: {  	v24 =	vld [tilespmem:s19+$0xFFFFFFF0]  }
0x81: {  	v10 =	vld [tilespmem:$0x8600]  }
0x82: {  	v8 =	vld [tilespmem:$0x8480];
	v17 =	vmul.f32 v18, v0  }
0x83: {  	v2 =	vld [tilespmem:$0x6400];
	v21 =	vmul.f32 v18, v5;
	v23 =	vmul.f32 v18, v1  }
0x84: {  	v33 =	vld [tilespmem:s18+$0x0];
	v13 =	vmul.f32 v22, v9;
	v16 =	vmul.f32 v18, v3  }
0x85: {  	s17 =	simm.s32 $0x3F10;
	v14 =	vld [tilespmem:$0x6300];
	v52 =	vmul.f32 v22, v6;
	v53 =	vmul.f32 v24, v7  }
0x86: {  	v28 =	vld [tilespmem:s17+$0xFFFFFFF0];
	v19 =	vmul.f32 v18, v4;
	v54 =	vmul.f32 v24, v10  }
0x87: {  	v55 =	vmul.f32 v22, v7;
	v27 =	vmul.f32 v24, v8  }
0x88: {  	v56 =	vmul.f32 v22, v11;
	v29 =	vmul.f32 v18, v2  }
0x89: {  	v30 =	vmul.f32 v24, v12;
	v58 =	vmul.f32 v33, v4  }
0x8a: {  	v15 =	vimm.f32 $+Inf;
	v20 =	vld [tilespmem:s17+$0x0];
	v59 =	vmul.f32 v18, v14;
	v42 =	vmul.f32 v33, v3  }
0x8b: {  	v43 =	vmul.f32 v33, v0;
	v46 =	vmul.f32 v33, v14;
	v25 =	vadd.f32 v28, v16;
	v16 =	vld [tilespmem:$0x6500]  }
0x8c: {  	v47 =	vmul.f32 v24, v11;
	v32 =	vmul.f32 v33, v2;
	v31 =	vadd.f32 v28, v19  }
0x8d: {  	v61 =	vmul.f32 v24, v9;
	v26 =	vadd.f32 v28, v17;
	v57 =	vadd.f32 v28, v21  }
0x8e: {  	v62 =	vmul.f32 v33, v5;
	v60 =	vadd.f32 v28, v23;
	v45 =	vadd.f32 v28, v29  }
0x8f: {  	v35 =	vmul.f32 v24, v6;
	v29 =	vadd.f32 v20, v42;
	v43 =	vadd.f32 v20, v43  }
0x90: {  	v17 =	vld [tilespmem:$0x8400];
	v63 =	vadd.f32 v20, v46;
	v37 =	vadd.f32 v20, v62;
	v18 =	vmul.f32 v18, v16  }
0x91: {  	v27 =	vadd.f32 v25, v27;
	v25 =	vadd.f32 v60, v30;
	v44 =	vmul.f32 v33, v16  }
0x92: {  	v19 =	vmul.f32 v22, v8;
	v30 =	vadd.f32 v20, v58;
	v18 =	vadd.f32 v28, v18  }
0x93: {  	v21 =	vmul.f32 v22, v12;
	v31 =	vadd.f32 v31, v61;
	v44 =	vadd.f32 v20, v44  }
0x94: {  	v23 =	vmul.f32 v22, v10;
	v36 =	vadd.f32 v43, v52;
	v18 =	vadd.f32 v18, v47  }
0x95: {  	v48 =	vmul.f32 v24, v17;
	v28 =	vadd.f32 v28, v59;
	v24 =	vadd.f32 v44, v56  }
0x96: {  	v40 =	vadd.f32 v63, v55;
	v25 =	vmin.f32 v15, v25;
	v18 =	vmin.f32 v15, v18  }
0x97: {  	v27 =	vmin.f32 v15, v27;
	v18 =	vmin.f32 v18, v24;
	v24 =	vadd.f32 v28, v53  }
0x98: {  	v39 =	vmul.f32 v22, v17;
	v22 =	vimm.f32 $+Inf;
	v28 =	vmul.f32 v33, v1  }
0x99: {  	v34 =	vadd.f32 v45, v48;
	v33 =	vadd.f32 v57, v54;
	v41 =	vmin.f32 v15, v24  }
0x9a: {  	s20 =	simm.s32 $0x30;
	s18 =	simm.s32 $0x0;
	s19 =	simm.s32 $0x1FB0;
	v38 =	vadd.f32 v20, v28;
	v24 =	vimm.f32 $+Inf;
	v28 =	vimm.f32 $+Inf  }
.LBB2_6:
0x9b: {  	v42 =	vld [tilespmem:s20+$0xFFFFFFF0];
	s18 =	sadd.s32 $0x2, s18;
	v26 =	vadd.f32 v26, v35;
	v41 =	vmin.f32 v41, v40;
	v20 =	vadd.f32 v20, v32;
	s17 =	sadd.s32 $0x20, s17  }
0x9c: {  	v15 =	vmin.f32 v15, v34;
	v24 =	vmin.f32 v24, v33;
	v13 =	vadd.f32 v30, v13;
	v43 =	vld [tilespmem:s19+$0x0];
	p0 =	slt.u32 s18, $0x1F2  }
0x9d: {  	v23 =	vadd.f32 v37, v23;
	v33 =	vld [tilespmem:s20+$0x0];
	v26 =	vmin.f32 v28, v26;
	v20 =	vadd.f32 v20, v39  }
0x9e: {  	v22 =	vmin.f32 v22, v31;
	v19 =	vadd.f32 v29, v19;
	v34 =	vld [tilespmem:s19+$0xFFFFFFF0];
	v28 =	vmin.f32 v26, v36  }
0x9f: {  	v22 =	vmin.f32 v22, v13;
	v24 =	vmin.f32 v24, v23;
	v36 =	vld [tilespmem:s17+$0xFFFFFFF0];
	v15 =	vmin.f32 v15, v20  }
0xa0: {  	v21 =	vadd.f32 v38, v21;
	v23 =	vmul.f32 v42, v0;
	v29 =	vmul.f32 v42, v5  }
0xa1: {  	v27 =	vmin.f32 v27, v19;
	v30 =	vmul.f32 v42, v1;
	v20 =	vld [tilespmem:s17+$0x0];
	v13 =	vmul.f32 v43, v9  }
0xa2: {  	v25 =	vmin.f32 v25, v21;
	v19 =	vmul.f32 v42, v3;
	v37 =	vmul.f32 v43, v6  }
0xa3: {  	v21 =	vmul.f32 v42, v4;
	v38 =	vmul.f32 v34, v7  }
0xa4: {  	v40 =	vmul.f32 v43, v7;
	v39 =	vmul.f32 v34, v10;
	v31 =	vadd.f32 v36, v19  }
0xa5: {  	v45 =	vmul.f32 v43, v11;
	v32 =	vmul.f32 v34, v8;
	v44 =	vadd.f32 v36, v21  }
0xa6: {  	v35 =	vmul.f32 v42, v2;
	v26 =	vadd.f32 v36, v23;
	v19 =	vmul.f32 v43, v8  }
0xa7: {  	v48 =	vmul.f32 v33, v4;
	v46 =	vmul.f32 v34, v12;
	v47 =	vadd.f32 v36, v29  }
0xa8: {  	v49 =	vmul.f32 v42, v14;
	v29 =	vadd.f32 v36, v30;
	v21 =	vmul.f32 v43, v12  }
0xa9: {  	v30 =	vmul.f32 v33, v3;
	v23 =	vmul.f32 v43, v10;
	v31 =	vadd.f32 v31, v32  }
0xaa: {  	v50 =	vmul.f32 v33, v16;
	v29 =	vadd.f32 v29, v46;
	v46 =	vmul.f32 v33, v0  }
0xab: {  	v51 =	vadd.f32 v36, v35;
	v32 =	vmul.f32 v42, v16;
	v42 =	vmul.f32 v33, v14  }
0xac: {  	v35 =	vmul.f32 v34, v11;
	v25 =	vmin.f32 v25, v29;
	v29 =	vadd.f32 v20, v30  }
0xad: {  	v52 =	vadd.f32 v36, v32;
	v32 =	vmul.f32 v33, v2;
	v30 =	vadd.f32 v20, v48  }
0xae: {  	v27 =	vmin.f32 v27, v31;
	v31 =	vmul.f32 v34, v9;
	v48 =	vadd.f32 v20, v50  }
0xaf: {  	v50 =	vmul.f32 v34, v17;
	v46 =	vadd.f32 v20, v46;
	v52 =	vadd.f32 v52, v35  }
0xb0: {  	v35 =	vmul.f32 v34, v6;
	v31 =	vadd.f32 v44, v31;
	v44 =	vadd.f32 v48, v45  }
.Ltmp2:
0xb1: {  	v36 =	vadd.f32 v36, v49;
	v45 =	vmul.f32 v33, v5;
	v18 =	vmin.f32 v18, v52;
	(pc) =	sbr.rel @p0 .LBB2_6-.Ltmp2, $4  }
0xb2: {  	v42 =	vadd.f32 v20, v42;
	v34 =	vadd.f32 v51, v50;
	v18 =	vmin.f32 v18, v44  }
0xb3: {  	v38 =	vadd.f32 v36, v38;
	v36 =	vadd.f32 v46, v37;
	v37 =	vmul.f32 v33, v1  }
0xb4: {  	v33 =	vadd.f32 v47, v39;
	v40 =	vadd.f32 v42, v40;
	v39 =	vmul.f32 v43, v17  }
0xb5: {  	s20 =	sadd.s32 $0x20, s20;
	s19 =	sadd.s32 $0x20, s19;
	v41 =	vmin.f32 v41, v38;
	v38 =	vadd.f32 v20, v37;
	v37 =	vadd.f32 v20, v45  }
0xb6: {  	v0 =	vadd.f32 v26, v35  }
0xb7: {  	v2 =	vadd.f32 v20, v32;
	v11 =	vld [tilespmem:$0x8900]  }
0xb8: {  	v5 =	vmin.f32 v41, v40;
	[tilespmem:$0xA500] =	vst v18;
	v12 =	vld [tilespmem:$0x8780];
	v4 =	vadd.f32 v38, v21;
	v1 =	vmin.f32 v28, v0  }
0xb9: {  	[tilespmem:$0xA300] =	vst v5;
	v0 =	vld [tilespmem:$0x6680];
	v6 =	vadd.f32 v2, v39;
	v3 =	vmin.f32 v1, v36  }
0xba: {  	v7 =	vmin.f32 v15, v34;
	v8 =	vadd.f32 v29, v19;
	v1 =	vld [tilespmem:$0x6780];
	v4 =	vmin.f32 v25, v4;
	[tilespmem:$0xA280] =	vst v3  }
0xbb: {  	v3 =	vld [tilespmem:$0x6880];
	v5 =	vmin.f32 v7, v6;
	[tilespmem:$0xA380] =	vst v4;
	v7 =	vadd.f32 v30, v13  }
0xbc: {  	v9 =	vmin.f32 v22, v31;
	v4 =	vld [tilespmem:$0x6980];
	v6 =	vmin.f32 v27, v8;
	v8 =	vadd.f32 v37, v23;
	[tilespmem:$0xA400] =	vst v5  }
0xbd: {  	v10 =	vmin.f32 v24, v33;
	v5 =	vld [tilespmem:$0x6A00];
	[tilespmem:$0xA480] =	vst v6;
	v9 =	vmin.f32 v9, v7  }
0xbe: {  	v6 =	vld [tilespmem:$0x8680];
	v10 =	vmin.f32 v10, v8;
	[tilespmem:$0xA580] =	vst v9  }
0xbf: {  	s18 =	simm.s32 $0x10;
	v7 =	vld [tilespmem:$0x8700];
	[tilespmem:$0xA600] =	vst v10  }
0xc0: {  	v18 =	vld [tilespmem:s18+$0xFFFFFFF0]  }
0xc1: {  	s19 =	simm.s32 $0x1F90;
	v9 =	vld [tilespmem:$0x8980]  }
0xc2: {  	v22 =	vld [tilespmem:s19+$0x0]  }
0xc3: {  	v24 =	vld [tilespmem:s19+$0xFFFFFFF0]  }
0xc4: {  	v10 =	vld [tilespmem:$0x8A00]  }
0xc5: {  	v8 =	vld [tilespmem:$0x8880];
	v17 =	vmul.f32 v18, v0  }
0xc6: {  	v2 =	vld [tilespmem:$0x6800];
	v21 =	vmul.f32 v18, v5;
	v23 =	vmul.f32 v18, v1  }
0xc7: {  	v33 =	vld [tilespmem:s18+$0x0];
	v13 =	vmul.f32 v22, v9;
	v16 =	vmul.f32 v18, v3  }
0xc8: {  	s17 =	simm.s32 $0x3F10;
	v14 =	vld [tilespmem:$0x6700];
	v52 =	vmul.f32 v22, v6;
	v53 =	vmul.f32 v24, v7  }
0xc9: {  	v28 =	vld [tilespmem:s17+$0xFFFFFFF0];
	v19 =	vmul.f32 v18, v4;
	v54 =	vmul.f32 v24, v10  }
0xca: {  	v55 =	vmul.f32 v22, v7;
	v27 =	vmul.f32 v24, v8  }
0xcb: {  	v56 =	vmul.f32 v22, v11;
	v29 =	vmul.f32 v18, v2  }
0xcc: {  	v30 =	vmul.f32 v24, v12;
	v58 =	vmul.f32 v33, v4  }
0xcd: {  	v15 =	vimm.f32 $+Inf;
	v20 =	vld [tilespmem:s17+$0x0];
	v59 =	vmul.f32 v18, v14;
	v42 =	vmul.f32 v33, v3  }
0xce: {  	v43 =	vmul.f32 v33, v0;
	v46 =	vmul.f32 v33, v14;
	v25 =	vadd.f32 v28, v16;
	v16 =	vld [tilespmem:$0x6900]  }
0xcf: {  	v47 =	vmul.f32 v24, v11;
	v32 =	vmul.f32 v33, v2;
	v31 =	vadd.f32 v28, v19  }
0xd0: {  	v61 =	vmul.f32 v24, v9;
	v26 =	vadd.f32 v28, v17;
	v57 =	vadd.f32 v28, v21  }
0xd1: {  	v62 =	vmul.f32 v33, v5;
	v60 =	vadd.f32 v28, v23;
	v45 =	vadd.f32 v28, v29  }
0xd2: {  	v35 =	vmul.f32 v24, v6;
	v29 =	vadd.f32 v20, v42;
	v43 =	vadd.f32 v20, v43  }
0xd3: {  	v17 =	vld [tilespmem:$0x8800];
	v63 =	vadd.f32 v20, v46;
	v37 =	vadd.f32 v20, v62;
	v18 =	vmul.f32 v18, v16  }
0xd4: {  	v27 =	vadd.f32 v25, v27;
	v25 =	vadd.f32 v60, v30;
	v44 =	vmul.f32 v33, v16  }
0xd5: {  	v19 =	vmul.f32 v22, v8;
	v30 =	vadd.f32 v20, v58;
	v18 =	vadd.f32 v28, v18  }
0xd6: {  	v21 =	vmul.f32 v22, v12;
	v31 =	vadd.f32 v31, v61;
	v44 =	vadd.f32 v20, v44  }
0xd7: {  	v23 =	vmul.f32 v22, v10;
	v36 =	vadd.f32 v43, v52;
	v18 =	vadd.f32 v18, v47  }
0xd8: {  	v48 =	vmul.f32 v24, v17;
	v28 =	vadd.f32 v28, v59;
	v24 =	vadd.f32 v44, v56  }
0xd9: {  	v40 =	vadd.f32 v63, v55;
	v25 =	vmin.f32 v15, v25;
	v18 =	vmin.f32 v15, v18  }
0xda: {  	v27 =	vmin.f32 v15, v27;
	v18 =	vmin.f32 v18, v24;
	v24 =	vadd.f32 v28, v53  }
0xdb: {  	v39 =	vmul.f32 v22, v17;
	v22 =	vimm.f32 $+Inf;
	v28 =	vmul.f32 v33, v1  }
0xdc: {  	v34 =	vadd.f32 v45, v48;
	v33 =	vadd.f32 v57, v54;
	v41 =	vmin.f32 v15, v24  }
0xdd: {  	s20 =	simm.s32 $0x30;
	s18 =	simm.s32 $0x0;
	s19 =	simm.s32 $0x1FB0;
	v38 =	vadd.f32 v20, v28;
	v24 =	vimm.f32 $+Inf;
	v28 =	vimm.f32 $+Inf  }
.LBB2_8:
0xde: {  	v42 =	vld [tilespmem:s20+$0xFFFFFFF0];
	s18 =	sadd.s32 $0x2, s18;
	v26 =	vadd.f32 v26, v35;
	v41 =	vmin.f32 v41, v40;
	v20 =	vadd.f32 v20, v32;
	s17 =	sadd.s32 $0x20, s17  }
0xdf: {  	v15 =	vmin.f32 v15, v34;
	v24 =	vmin.f32 v24, v33;
	v13 =	vadd.f32 v30, v13;
	v43 =	vld [tilespmem:s19+$0x0];
	p0 =	slt.u32 s18, $0x1F2  }
0xe0: {  	v23 =	vadd.f32 v37, v23;
	v33 =	vld [tilespmem:s20+$0x0];
	v26 =	vmin.f32 v28, v26;
	v20 =	vadd.f32 v20, v39  }
0xe1: {  	v22 =	vmin.f32 v22, v31;
	v19 =	vadd.f32 v29, v19;
	v34 =	vld [tilespmem:s19+$0xFFFFFFF0];
	v28 =	vmin.f32 v26, v36  }
0xe2: {  	v22 =	vmin.f32 v22, v13;
	v24 =	vmin.f32 v24, v23;
	v36 =	vld [tilespmem:s17+$0xFFFFFFF0];
	v15 =	vmin.f32 v15, v20  }
0xe3: {  	v21 =	vadd.f32 v38, v21;
	v23 =	vmul.f32 v42, v0;
	v29 =	vmul.f32 v42, v5  }
0xe4: {  	v27 =	vmin.f32 v27, v19;
	v30 =	vmul.f32 v42, v1;
	v20 =	vld [tilespmem:s17+$0x0];
	v13 =	vmul.f32 v43, v9  }
0xe5: {  	v25 =	vmin.f32 v25, v21;
	v19 =	vmul.f32 v42, v3;
	v37 =	vmul.f32 v43, v6  }
0xe6: {  	v21 =	vmul.f32 v42, v4;
	v38 =	vmul.f32 v34, v7  }
0xe7: {  	v40 =	vmul.f32 v43, v7;
	v39 =	vmul.f32 v34, v10;
	v31 =	vadd.f32 v36, v19  }
0xe8: {  	v45 =	vmul.f32 v43, v11;
	v32 =	vmul.f32 v34, v8;
	v44 =	vadd.f32 v36, v21  }
0xe9: {  	v35 =	vmul.f32 v42, v2;
	v26 =	vadd.f32 v36, v23;
	v19 =	vmul.f32 v43, v8  }
0xea: {  	v48 =	vmul.f32 v33, v4;
	v46 =	vmul.f32 v34, v12;
	v47 =	vadd.f32 v36, v29  }
0xeb: {  	v49 =	vmul.f32 v42, v14;
	v29 =	vadd.f32 v36, v30;
	v21 =	vmul.f32 v43, v12  }
0xec: {  	v30 =	vmul.f32 v33, v3;
	v23 =	vmul.f32 v43, v10;
	v31 =	vadd.f32 v31, v32  }
0xed: {  	v50 =	vmul.f32 v33, v16;
	v29 =	vadd.f32 v29, v46;
	v46 =	vmul.f32 v33, v0  }
0xee: {  	v51 =	vadd.f32 v36, v35;
	v32 =	vmul.f32 v42, v16;
	v42 =	vmul.f32 v33, v14  }
0xef: {  	v35 =	vmul.f32 v34, v11;
	v25 =	vmin.f32 v25, v29;
	v29 =	vadd.f32 v20, v30  }
0xf0: {  	v52 =	vadd.f32 v36, v32;
	v32 =	vmul.f32 v33, v2;
	v30 =	vadd.f32 v20, v48  }
0xf1: {  	v27 =	vmin.f32 v27, v31;
	v31 =	vmul.f32 v34, v9;
	v48 =	vadd.f32 v20, v50  }
0xf2: {  	v50 =	vmul.f32 v34, v17;
	v46 =	vadd.f32 v20, v46;
	v52 =	vadd.f32 v52, v35  }
0xf3: {  	v35 =	vmul.f32 v34, v6;
	v31 =	vadd.f32 v44, v31;
	v44 =	vadd.f32 v48, v45  }
.Ltmp3:
0xf4: {  	v36 =	vadd.f32 v36, v49;
	v45 =	vmul.f32 v33, v5;
	v18 =	vmin.f32 v18, v52;
	(pc) =	sbr.rel @p0 .LBB2_8-.Ltmp3, $4  }
0xf5: {  	v42 =	vadd.f32 v20, v42;
	v34 =	vadd.f32 v51, v50;
	v18 =	vmin.f32 v18, v44  }
0xf6: {  	v38 =	vadd.f32 v36, v38;
	v36 =	vadd.f32 v46, v37;
	v37 =	vmul.f32 v33, v1  }
0xf7: {  	v33 =	vadd.f32 v47, v39;
	v40 =	vadd.f32 v42, v40;
	v39 =	vmul.f32 v43, v17  }
0xf8: {  	s20 =	sadd.s32 $0x20, s20;
	s19 =	sadd.s32 $0x20, s19;
	v41 =	vmin.f32 v41, v38;
	v38 =	vadd.f32 v20, v37;
	v37 =	vadd.f32 v20, v45  }
0xf9: {  	v0 =	vadd.f32 v26, v35  }
0xfa: {  	v2 =	vadd.f32 v20, v32;
	v11 =	vld [tilespmem:$0x8D00]  }
0xfb: {  	v5 =	vmin.f32 v41, v40;
	[tilespmem:$0xA900] =	vst v18;
	v12 =	vld [tilespmem:$0x8B80];
	v4 =	vadd.f32 v38, v21;
	v1 =	vmin.f32 v28, v0  }
0xfc: {  	[tilespmem:$0xA700] =	vst v5;
	v0 =	vld [tilespmem:$0x6A80];
	v6 =	vadd.f32 v2, v39;
	v3 =	vmin.f32 v1, v36  }
0xfd: {  	v7 =	vmin.f32 v15, v34;
	v8 =	vadd.f32 v29, v19;
	v1 =	vld [tilespmem:$0x6B80];
	v4 =	vmin.f32 v25, v4;
	[tilespmem:$0xA680] =	vst v3  }
0xfe: {  	v3 =	vld [tilespmem:$0x6C80];
	v5 =	vmin.f32 v7, v6;
	[tilespmem:$0xA780] =	vst v4;
	v7 =	vadd.f32 v30, v13  }
0xff: {  	v9 =	vmin.f32 v22, v31;
	v4 =	vld [tilespmem:$0x6D80];
	v6 =	vmin.f32 v27, v8;
	v8 =	vadd.f32 v37, v23;
	[tilespmem:$0xA800] =	vst v5  }
0x100: {  	v10 =	vmin.f32 v24, v33;
	v5 =	vld [tilespmem:$0x6E00];
	[tilespmem:$0xA880] =	vst v6;
	v9 =	vmin.f32 v9, v7  }
0x101: {  	v6 =	vld [tilespmem:$0x8A80];
	v10 =	vmin.f32 v10, v8;
	[tilespmem:$0xA980] =	vst v9  }
0x102: {  	s18 =	simm.s32 $0x10;
	v7 =	vld [tilespmem:$0x8B00];
	[tilespmem:$0xAA00] =	vst v10  }
0x103: {  	v18 =	vld [tilespmem:s18+$0xFFFFFFF0]  }
0x104: {  	s19 =	simm.s32 $0x1F90;
	v9 =	vld [tilespmem:$0x8D80]  }
0x105: {  	v22 =	vld [tilespmem:s19+$0x0]  }
0x106: {  	v24 =	vld [tilespmem:s19+$0xFFFFFFF0]  }
0x107: {  	v10 =	vld [tilespmem:$0x8E00]  }
0x108: {  	v8 =	vld [tilespmem:$0x8C80];
	v17 =	vmul.f32 v18, v0  }
0x109: {  	v2 =	vld [tilespmem:$0x6C00];
	v21 =	vmul.f32 v18, v5;
	v23 =	vmul.f32 v18, v1  }
0x10a: {  	v33 =	vld [tilespmem:s18+$0x0];
	v13 =	vmul.f32 v22, v9;
	v16 =	vmul.f32 v18, v3  }
0x10b: {  	s17 =	simm.s32 $0x3F10;
	v14 =	vld [tilespmem:$0x6B00];
	v52 =	vmul.f32 v22, v6;
	v53 =	vmul.f32 v24, v7  }
0x10c: {  	v28 =	vld [tilespmem:s17+$0xFFFFFFF0];
	v19 =	vmul.f32 v18, v4;
	v54 =	vmul.f32 v24, v10  }
0x10d: {  	v55 =	vmul.f32 v22, v7;
	v27 =	vmul.f32 v24, v8  }
0x10e: {  	v56 =	vmul.f32 v22, v11;
	v29 =	vmul.f32 v18, v2  }
0x10f: {  	v30 =	vmul.f32 v24, v12;
	v58 =	vmul.f32 v33, v4  }
0x110: {  	v15 =	vimm.f32 $+Inf;
	v20 =	vld [tilespmem:s17+$0x0];
	v59 =	vmul.f32 v18, v14;
	v42 =	vmul.f32 v33, v3  }
0x111: {  	v43 =	vmul.f32 v33, v0;
	v46 =	vmul.f32 v33, v14;
	v25 =	vadd.f32 v28, v16;
	v16 =	vld [tilespmem:$0x6D00]  }
0x112: {  	v47 =	vmul.f32 v24, v11;
	v32 =	vmul.f32 v33, v2;
	v31 =	vadd.f32 v28, v19  }
0x113: {  	v61 =	vmul.f32 v24, v9;
	v26 =	vadd.f32 v28, v17;
	v57 =	vadd.f32 v28, v21  }
0x114: {  	v62 =	vmul.f32 v33, v5;
	v60 =	vadd.f32 v28, v23;
	v45 =	vadd.f32 v28, v29  }
0x115: {  	v35 =	vmul.f32 v24, v6;
	v29 =	vadd.f32 v20, v42;
	v43 =	vadd.f32 v20, v43  }
0x116: {  	v17 =	vld [tilespmem:$0x8C00];
	v63 =	vadd.f32 v20, v46;
	v37 =	vadd.f32 v20, v62;
	v18 =	vmul.f32 v18, v16  }
0x117: {  	v27 =	vadd.f32 v25, v27;
	v25 =	vadd.f32 v60, v30;
	v44 =	vmul.f32 v33, v16  }
0x118: {  	v19 =	vmul.f32 v22, v8;
	v30 =	vadd.f32 v20, v58;
	v18 =	vadd.f32 v28, v18  }
0x119: {  	v21 =	vmul.f32 v22, v12;
	v31 =	vadd.f32 v31, v61;
	v44 =	vadd.f32 v20, v44  }
0x11a: {  	v23 =	vmul.f32 v22, v10;
	v36 =	vadd.f32 v43, v52;
	v18 =	vadd.f32 v18, v47  }
0x11b: {  	v48 =	vmul.f32 v24, v17;
	v28 =	vadd.f32 v28, v59;
	v24 =	vadd.f32 v44, v56  }
0x11c: {  	v40 =	vadd.f32 v63, v55;
	v25 =	vmin.f32 v15, v25;
	v18 =	vmin.f32 v15, v18  }
0x11d: {  	v27 =	vmin.f32 v15, v27;
	v18 =	vmin.f32 v18, v24;
	v24 =	vadd.f32 v28, v53  }
0x11e: {  	v39 =	vmul.f32 v22, v17;
	v22 =	vimm.f32 $+Inf;
	v28 =	vmul.f32 v33, v1  }
0x11f: {  	v34 =	vadd.f32 v45, v48;
	v33 =	vadd.f32 v57, v54;
	v41 =	vmin.f32 v15, v24  }
0x120: {  	s20 =	simm.s32 $0x30;
	s18 =	simm.s32 $0x0;
	s19 =	simm.s32 $0x1FB0;
	v38 =	vadd.f32 v20, v28;
	v24 =	vimm.f32 $+Inf;
	v28 =	vimm.f32 $+Inf  }
.LBB2_10:
0x121: {  	v42 =	vld [tilespmem:s20+$0xFFFFFFF0];
	s18 =	sadd.s32 $0x2, s18;
	v26 =	vadd.f32 v26, v35;
	v41 =	vmin.f32 v41, v40;
	v20 =	vadd.f32 v20, v32;
	s17 =	sadd.s32 $0x20, s17  }
0x122: {  	v15 =	vmin.f32 v15, v34;
	v24 =	vmin.f32 v24, v33;
	v13 =	vadd.f32 v30, v13;
	v43 =	vld [tilespmem:s19+$0x0];
	p0 =	slt.u32 s18, $0x1F2  }
0x123: {  	v23 =	vadd.f32 v37, v23;
	v33 =	vld [tilespmem:s20+$0x0];
	v26 =	vmin.f32 v28, v26;
	v20 =	vadd.f32 v20, v39  }
0x124: {  	v22 =	vmin.f32 v22, v31;
	v19 =	vadd.f32 v29, v19;
	v34 =	vld [tilespmem:s19+$0xFFFFFFF0];
	v28 =	vmin.f32 v26, v36  }
0x125: {  	v22 =	vmin.f32 v22, v13;
	v24 =	vmin.f32 v24, v23;
	v36 =	vld [tilespmem:s17+$0xFFFFFFF0];
	v15 =	vmin.f32 v15, v20  }
0x126: {  	v21 =	vadd.f32 v38, v21;
	v23 =	vmul.f32 v42, v0;
	v29 =	vmul.f32 v42, v5  }
0x127: {  	v27 =	vmin.f32 v27, v19;
	v30 =	vmul.f32 v42, v1;
	v20 =	vld [tilespmem:s17+$0x0];
	v13 =	vmul.f32 v43, v9  }
0x128: {  	v25 =	vmin.f32 v25, v21;
	v19 =	vmul.f32 v42, v3;
	v37 =	vmul.f32 v43, v6  }
0x129: {  	v21 =	vmul.f32 v42, v4;
	v38 =	vmul.f32 v34, v7  }
0x12a: {  	v40 =	vmul.f32 v43, v7;
	v39 =	vmul.f32 v34, v10;
	v31 =	vadd.f32 v36, v19  }
0x12b: {  	v45 =	vmul.f32 v43, v11;
	v32 =	vmul.f32 v34, v8;
	v44 =	vadd.f32 v36, v21  }
0x12c: {  	v35 =	vmul.f32 v42, v2;
	v26 =	vadd.f32 v36, v23;
	v19 =	vmul.f32 v43, v8  }
0x12d: {  	v48 =	vmul.f32 v33, v4;
	v46 =	vmul.f32 v34, v12;
	v47 =	vadd.f32 v36, v29  }
0x12e: {  	v49 =	vmul.f32 v42, v14;
	v29 =	vadd.f32 v36, v30;
	v21 =	vmul.f32 v43, v12  }
0x12f: {  	v30 =	vmul.f32 v33, v3;
	v23 =	vmul.f32 v43, v10;
	v31 =	vadd.f32 v31, v32  }
0x130: {  	v50 =	vmul.f32 v33, v16;
	v29 =	vadd.f32 v29, v46;
	v46 =	vmul.f32 v33, v0  }
0x131: {  	v51 =	vadd.f32 v36, v35;
	v32 =	vmul.f32 v42, v16;
	v42 =	vmul.f32 v33, v14  }
0x132: {  	v35 =	vmul.f32 v34, v11;
	v25 =	vmin.f32 v25, v29;
	v29 =	vadd.f32 v20, v30  }
0x133: {  	v52 =	vadd.f32 v36, v32;
	v32 =	vmul.f32 v33, v2;
	v30 =	vadd.f32 v20, v48  }
0x134: {  	v27 =	vmin.f32 v27, v31;
	v31 =	vmul.f32 v34, v9;
	v48 =	vadd.f32 v20, v50  }
0x135: {  	v50 =	vmul.f32 v34, v17;
	v46 =	vadd.f32 v20, v46;
	v52 =	vadd.f32 v52, v35  }
0x136: {  	v35 =	vmul.f32 v34, v6;
	v31 =	vadd.f32 v44, v31;
	v44 =	vadd.f32 v48, v45  }
.Ltmp4:
0x137: {  	v36 =	vadd.f32 v36, v49;
	v45 =	vmul.f32 v33, v5;
	v18 =	vmin.f32 v18, v52;
	(pc) =	sbr.rel @p0 .LBB2_10-.Ltmp4, $4  }
0x138: {  	v42 =	vadd.f32 v20, v42;
	v34 =	vadd.f32 v51, v50;
	v18 =	vmin.f32 v18, v44  }
0x139: {  	v38 =	vadd.f32 v36, v38;
	v36 =	vadd.f32 v46, v37;
	v37 =	vmul.f32 v33, v1  }
0x13a: {  	v33 =	vadd.f32 v47, v39;
	v40 =	vadd.f32 v42, v40;
	v39 =	vmul.f32 v43, v17  }
0x13b: {  	s20 =	sadd.s32 $0x20, s20;
	s19 =	sadd.s32 $0x20, s19;
	v41 =	vmin.f32 v41, v38;
	v38 =	vadd.f32 v20, v37;
	v37 =	vadd.f32 v20, v45  }
0x13c: {  	v0 =	vadd.f32 v26, v35  }
0x13d: {  	v2 =	vadd.f32 v20, v32;
	v11 =	vld [tilespmem:$0x9100]  }
0x13e: {  	v5 =	vmin.f32 v41, v40;
	[tilespmem:$0xAD00] =	vst v18;
	v12 =	vld [tilespmem:$0x8F80];
	v4 =	vadd.f32 v38, v21;
	v1 =	vmin.f32 v28, v0  }
0x13f: {  	[tilespmem:$0xAB00] =	vst v5;
	v0 =	vld [tilespmem:$0x6E80];
	v6 =	vadd.f32 v2, v39;
	v3 =	vmin.f32 v1, v36  }
0x140: {  	v7 =	vmin.f32 v15, v34;
	v8 =	vadd.f32 v29, v19;
	v1 =	vld [tilespmem:$0x6F80];
	v4 =	vmin.f32 v25, v4;
	[tilespmem:$0xAA80] =	vst v3  }
0x141: {  	v3 =	vld [tilespmem:$0x7080];
	v5 =	vmin.f32 v7, v6;
	[tilespmem:$0xAB80] =	vst v4;
	v7 =	vadd.f32 v30, v13  }
0x142: {  	v9 =	vmin.f32 v22, v31;
	v4 =	vld [tilespmem:$0x7180];
	v6 =	vmin.f32 v27, v8;
	v8 =	vadd.f32 v37, v23;
	[tilespmem:$0xAC00] =	vst v5  }
0x143: {  	v10 =	vmin.f32 v24, v33;
	v5 =	vld [tilespmem:$0x7200];
	[tilespmem:$0xAC80] =	vst v6;
	v9 =	vmin.f32 v9, v7  }
0x144: {  	v6 =	vld [tilespmem:$0x8E80];
	v10 =	vmin.f32 v10, v8;
	[tilespmem:$0xAD80] =	vst v9  }
0x145: {  	s18 =	simm.s32 $0x10;
	v7 =	vld [tilespmem:$0x8F00];
	[tilespmem:$0xAE00] =	vst v10  }
0x146: {  	v18 =	vld [tilespmem:s18+$0xFFFFFFF0]  }
0x147: {  	s19 =	simm.s32 $0x1F90;
	v9 =	vld [tilespmem:$0x9180]  }
0x148: {  	v22 =	vld [tilespmem:s19+$0x0]  }
0x149: {  	v24 =	vld [tilespmem:s19+$0xFFFFFFF0]  }
0x14a: {  	v10 =	vld [tilespmem:$0x9200]  }
0x14b: {  	v8 =	vld [tilespmem:$0x9080];
	v17 =	vmul.f32 v18, v0  }
0x14c: {  	v2 =	vld [tilespmem:$0x7000];
	v21 =	vmul.f32 v18, v5;
	v23 =	vmul.f32 v18, v1  }
0x14d: {  	v33 =	vld [tilespmem:s18+$0x0];
	v13 =	vmul.f32 v22, v9;
	v16 =	vmul.f32 v18, v3  }
0x14e: {  	s17 =	simm.s32 $0x3F10;
	v14 =	vld [tilespmem:$0x6F00];
	v52 =	vmul.f32 v22, v6;
	v53 =	vmul.f32 v24, v7  }
0x14f: {  	v28 =	vld [tilespmem:s17+$0xFFFFFFF0];
	v19 =	vmul.f32 v18, v4;
	v54 =	vmul.f32 v24, v10  }
0x150: {  	v55 =	vmul.f32 v22, v7;
	v27 =	vmul.f32 v24, v8  }
0x151: {  	v56 =	vmul.f32 v22, v11;
	v29 =	vmul.f32 v18, v2  }
0x152: {  	v30 =	vmul.f32 v24, v12;
	v58 =	vmul.f32 v33, v4  }
0x153: {  	v15 =	vimm.f32 $+Inf;
	v20 =	vld [tilespmem:s17+$0x0];
	v59 =	vmul.f32 v18, v14;
	v42 =	vmul.f32 v33, v3  }
0x154: {  	v43 =	vmul.f32 v33, v0;
	v46 =	vmul.f32 v33, v14;
	v25 =	vadd.f32 v28, v16;
	v16 =	vld [tilespmem:$0x7100]  }
0x155: {  	v47 =	vmul.f32 v24, v11;
	v32 =	vmul.f32 v33, v2;
	v31 =	vadd.f32 v28, v19  }
0x156: {  	v61 =	vmul.f32 v24, v9;
	v26 =	vadd.f32 v28, v17;
	v57 =	vadd.f32 v28, v21  }
0x157: {  	v62 =	vmul.f32 v33, v5;
	v60 =	vadd.f32 v28, v23;
	v45 =	vadd.f32 v28, v29  }
0x158: {  	v35 =	vmul.f32 v24, v6;
	v29 =	vadd.f32 v20, v42;
	v43 =	vadd.f32 v20, v43  }
0x159: {  	v17 =	vld [tilespmem:$0x9000];
	v63 =	vadd.f32 v20, v46;
	v37 =	vadd.f32 v20, v62;
	v18 =	vmul.f32 v18, v16  }
0x15a: {  	v27 =	vadd.f32 v25, v27;
	v25 =	vadd.f32 v60, v30;
	v44 =	vmul.f32 v33, v16  }
0x15b: {  	v19 =	vmul.f32 v22, v8;
	v30 =	vadd.f32 v20, v58;
	v18 =	vadd.f32 v28, v18  }
0x15c: {  	v21 =	vmul.f32 v22, v12;
	v31 =	vadd.f32 v31, v61;
	v44 =	vadd.f32 v20, v44  }
0x15d: {  	v23 =	vmul.f32 v22, v10;
	v36 =	vadd.f32 v43, v52;
	v18 =	vadd.f32 v18, v47  }
0x15e: {  	v48 =	vmul.f32 v24, v17;
	v28 =	vadd.f32 v28, v59;
	v24 =	vadd.f32 v44, v56  }
0x15f: {  	v40 =	vadd.f32 v63, v55;
	v25 =	vmin.f32 v15, v25;
	v18 =	vmin.f32 v15, v18  }
0x160: {  	v27 =	vmin.f32 v15, v27;
	v18 =	vmin.f32 v18, v24;
	v24 =	vadd.f32 v28, v53  }
0x161: {  	v39 =	vmul.f32 v22, v17;
	v22 =	vimm.f32 $+Inf;
	v28 =	vmul.f32 v33, v1  }
0x162: {  	v34 =	vadd.f32 v45, v48;
	v33 =	vadd.f32 v57, v54;
	v41 =	vmin.f32 v15, v24  }
0x163: {  	s20 =	simm.s32 $0x30;
	s18 =	simm.s32 $0x0;
	s19 =	simm.s32 $0x1FB0;
	v38 =	vadd.f32 v20, v28;
	v24 =	vimm.f32 $+Inf;
	v28 =	vimm.f32 $+Inf  }
.LBB2_12:
0x164: {  	v42 =	vld [tilespmem:s20+$0xFFFFFFF0];
	s18 =	sadd.s32 $0x2, s18;
	v26 =	vadd.f32 v26, v35;
	v41 =	vmin.f32 v41, v40;
	v20 =	vadd.f32 v20, v32;
	s17 =	sadd.s32 $0x20, s17  }
0x165: {  	v15 =	vmin.f32 v15, v34;
	v24 =	vmin.f32 v24, v33;
	v13 =	vadd.f32 v30, v13;
	v43 =	vld [tilespmem:s19+$0x0];
	p0 =	slt.u32 s18, $0x1F2  }
0x166: {  	v23 =	vadd.f32 v37, v23;
	v33 =	vld [tilespmem:s20+$0x0];
	v26 =	vmin.f32 v28, v26;
	v20 =	vadd.f32 v20, v39  }
0x167: {  	v22 =	vmin.f32 v22, v31;
	v19 =	vadd.f32 v29, v19;
	v34 =	vld [tilespmem:s19+$0xFFFFFFF0];
	v28 =	vmin.f32 v26, v36  }
0x168: {  	v22 =	vmin.f32 v22, v13;
	v24 =	vmin.f32 v24, v23;
	v36 =	vld [tilespmem:s17+$0xFFFFFFF0];
	v15 =	vmin.f32 v15, v20  }
0x169: {  	v21 =	vadd.f32 v38, v21;
	v23 =	vmul.f32 v42, v0;
	v29 =	vmul.f32 v42, v5  }
0x16a: {  	v27 =	vmin.f32 v27, v19;
	v30 =	vmul.f32 v42, v1;
	v20 =	vld [tilespmem:s17+$0x0];
	v13 =	vmul.f32 v43, v9  }
0x16b: {  	v25 =	vmin.f32 v25, v21;
	v19 =	vmul.f32 v42, v3;
	v37 =	vmul.f32 v43, v6  }
0x16c: {  	v21 =	vmul.f32 v42, v4;
	v38 =	vmul.f32 v34, v7  }
0x16d: {  	v40 =	vmul.f32 v43, v7;
	v39 =	vmul.f32 v34, v10;
	v31 =	vadd.f32 v36, v19  }
0x16e: {  	v45 =	vmul.f32 v43, v11;
	v32 =	vmul.f32 v34, v8;
	v44 =	vadd.f32 v36, v21  }
0x16f: {  	v35 =	vmul.f32 v42, v2;
	v26 =	vadd.f32 v36, v23;
	v19 =	vmul.f32 v43, v8  }
0x170: {  	v48 =	vmul.f32 v33, v4;
	v46 =	vmul.f32 v34, v12;
	v47 =	vadd.f32 v36, v29  }
0x171: {  	v49 =	vmul.f32 v42, v14;
	v29 =	vadd.f32 v36, v30;
	v21 =	vmul.f32 v43, v12  }
0x172: {  	v30 =	vmul.f32 v33, v3;
	v23 =	vmul.f32 v43, v10;
	v31 =	vadd.f32 v31, v32  }
0x173: {  	v50 =	vmul.f32 v33, v16;
	v29 =	vadd.f32 v29, v46;
	v46 =	vmul.f32 v33, v0  }
0x174: {  	v51 =	vadd.f32 v36, v35;
	v32 =	vmul.f32 v42, v16;
	v42 =	vmul.f32 v33, v14  }
0x175: {  	v35 =	vmul.f32 v34, v11;
	v25 =	vmin.f32 v25, v29;
	v29 =	vadd.f32 v20, v30  }
0x176: {  	v52 =	vadd.f32 v36, v32;
	v32 =	vmul.f32 v33, v2;
	v30 =	vadd.f32 v20, v48  }
0x177: {  	v27 =	vmin.f32 v27, v31;
	v31 =	vmul.f32 v34, v9;
	v48 =	vadd.f32 v20, v50  }
0x178: {  	v50 =	vmul.f32 v34, v17;
	v46 =	vadd.f32 v20, v46;
	v52 =	vadd.f32 v52, v35  }
0x179: {  	v35 =	vmul.f32 v34, v6;
	v31 =	vadd.f32 v44, v31;
	v44 =	vadd.f32 v48, v45  }
.Ltmp5:
0x17a: {  	v36 =	vadd.f32 v36, v49;
	v45 =	vmul.f32 v33, v5;
	v18 =	vmin.f32 v18, v52;
	(pc) =	sbr.rel @p0 .LBB2_12-.Ltmp5, $4  }
0x17b: {  	v42 =	vadd.f32 v20, v42;
	v34 =	vadd.f32 v51, v50;
	v18 =	vmin.f32 v18, v44  }
0x17c: {  	v38 =	vadd.f32 v36, v38;
	v36 =	vadd.f32 v46, v37;
	v37 =	vmul.f32 v33, v1  }
0x17d: {  	v33 =	vadd.f32 v47, v39;
	v40 =	vadd.f32 v42, v40;
	v39 =	vmul.f32 v43, v17  }
0x17e: {  	s20 =	sadd.s32 $0x20, s20;
	s19 =	sadd.s32 $0x20, s19;
	v41 =	vmin.f32 v41, v38;
	v38 =	vadd.f32 v20, v37;
	v37 =	vadd.f32 v20, v45  }
0x17f: {  	v0 =	vadd.f32 v26, v35  }
0x180: {  	v2 =	vadd.f32 v20, v32;
	v11 =	vld [tilespmem:$0x9500]  }
0x181: {  	v5 =	vmin.f32 v41, v40;
	[tilespmem:$0xB100] =	vst v18;
	v12 =	vld [tilespmem:$0x9380];
	v4 =	vadd.f32 v38, v21;
	v1 =	vmin.f32 v28, v0  }
0x182: {  	[tilespmem:$0xAF00] =	vst v5;
	v0 =	vld [tilespmem:$0x7280];
	v6 =	vadd.f32 v2, v39;
	v3 =	vmin.f32 v1, v36  }
0x183: {  	v7 =	vmin.f32 v15, v34;
	v8 =	vadd.f32 v29, v19;
	v1 =	vld [tilespmem:$0x7380];
	v4 =	vmin.f32 v25, v4;
	[tilespmem:$0xAE80] =	vst v3  }
0x184: {  	v3 =	vld [tilespmem:$0x7480];
	v5 =	vmin.f32 v7, v6;
	[tilespmem:$0xAF80] =	vst v4;
	v7 =	vadd.f32 v30, v13  }
0x185: {  	v9 =	vmin.f32 v22, v31;
	v4 =	vld [tilespmem:$0x7580];
	v6 =	vmin.f32 v27, v8;
	v8 =	vadd.f32 v37, v23;
	[tilespmem:$0xB000] =	vst v5  }
0x186: {  	v10 =	vmin.f32 v24, v33;
	v5 =	vld [tilespmem:$0x7600];
	[tilespmem:$0xB080] =	vst v6;
	v9 =	vmin.f32 v9, v7  }
0x187: {  	v6 =	vld [tilespmem:$0x9280];
	v10 =	vmin.f32 v10, v8;
	[tilespmem:$0xB180] =	vst v9  }
0x188: {  	s18 =	simm.s32 $0x10;
	v7 =	vld [tilespmem:$0x9300];
	[tilespmem:$0xB200] =	vst v10  }
0x189: {  	v18 =	vld [tilespmem:s18+$0xFFFFFFF0]  }
0x18a: {  	s19 =	simm.s32 $0x1F90;
	v9 =	vld [tilespmem:$0x9580]  }
0x18b: {  	v22 =	vld [tilespmem:s19+$0x0]  }
0x18c: {  	v24 =	vld [tilespmem:s19+$0xFFFFFFF0]  }
0x18d: {  	v10 =	vld [tilespmem:$0x9600]  }
0x18e: {  	v8 =	vld [tilespmem:$0x9480];
	v17 =	vmul.f32 v18, v0  }
0x18f: {  	v2 =	vld [tilespmem:$0x7400];
	v21 =	vmul.f32 v18, v5;
	v23 =	vmul.f32 v18, v1  }
0x190: {  	v33 =	vld [tilespmem:s18+$0x0];
	v13 =	vmul.f32 v22, v9;
	v16 =	vmul.f32 v18, v3  }
0x191: {  	s17 =	simm.s32 $0x3F10;
	v14 =	vld [tilespmem:$0x7300];
	v52 =	vmul.f32 v22, v6;
	v53 =	vmul.f32 v24, v7  }
0x192: {  	v28 =	vld [tilespmem:s17+$0xFFFFFFF0];
	v19 =	vmul.f32 v18, v4;
	v54 =	vmul.f32 v24, v10  }
0x193: {  	v55 =	vmul.f32 v22, v7;
	v27 =	vmul.f32 v24, v8  }
0x194: {  	v56 =	vmul.f32 v22, v11;
	v29 =	vmul.f32 v18, v2  }
0x195: {  	v30 =	vmul.f32 v24, v12;
	v58 =	vmul.f32 v33, v4  }
0x196: {  	v15 =	vimm.f32 $+Inf;
	v20 =	vld [tilespmem:s17+$0x0];
	v59 =	vmul.f32 v18, v14;
	v42 =	vmul.f32 v33, v3  }
0x197: {  	v43 =	vmul.f32 v33, v0;
	v46 =	vmul.f32 v33, v14;
	v25 =	vadd.f32 v28, v16;
	v16 =	vld [tilespmem:$0x7500]  }
0x198: {  	v47 =	vmul.f32 v24, v11;
	v32 =	vmul.f32 v33, v2;
	v31 =	vadd.f32 v28, v19  }
0x199: {  	v61 =	vmul.f32 v24, v9;
	v26 =	vadd.f32 v28, v17;
	v57 =	vadd.f32 v28, v21  }
0x19a: {  	v62 =	vmul.f32 v33, v5;
	v60 =	vadd.f32 v28, v23;
	v45 =	vadd.f32 v28, v29  }
0x19b: {  	v35 =	vmul.f32 v24, v6;
	v29 =	vadd.f32 v20, v42;
	v43 =	vadd.f32 v20, v43  }
0x19c: {  	v17 =	vld [tilespmem:$0x9400];
	v63 =	vadd.f32 v20, v46;
	v37 =	vadd.f32 v20, v62;
	v18 =	vmul.f32 v18, v16  }
0x19d: {  	v27 =	vadd.f32 v25, v27;
	v25 =	vadd.f32 v60, v30;
	v44 =	vmul.f32 v33, v16  }
0x19e: {  	v19 =	vmul.f32 v22, v8;
	v30 =	vadd.f32 v20, v58;
	v18 =	vadd.f32 v28, v18  }
0x19f: {  	v21 =	vmul.f32 v22, v12;
	v31 =	vadd.f32 v31, v61;
	v44 =	vadd.f32 v20, v44  }
0x1a0: {  	v23 =	vmul.f32 v22, v10;
	v36 =	vadd.f32 v43, v52;
	v18 =	vadd.f32 v18, v47  }
0x1a1: {  	v48 =	vmul.f32 v24, v17;
	v28 =	vadd.f32 v28, v59;
	v24 =	vadd.f32 v44, v56  }
0x1a2: {  	v40 =	vadd.f32 v63, v55;
	v25 =	vmin.f32 v15, v25;
	v18 =	vmin.f32 v15, v18  }
0x1a3: {  	v27 =	vmin.f32 v15, v27;
	v18 =	vmin.f32 v18, v24;
	v24 =	vadd.f32 v28, v53  }
0x1a4: {  	v39 =	vmul.f32 v22, v17;
	v22 =	vimm.f32 $+Inf;
	v28 =	vmul.f32 v33, v1  }
0x1a5: {  	v34 =	vadd.f32 v45, v48;
	v33 =	vadd.f32 v57, v54;
	v41 =	vmin.f32 v15, v24  }
0x1a6: {  	s20 =	simm.s32 $0x30;
	s18 =	simm.s32 $0x0;
	s19 =	simm.s32 $0x1FB0;
	v38 =	vadd.f32 v20, v28;
	v24 =	vimm.f32 $+Inf;
	v28 =	vimm.f32 $+Inf  }
.LBB2_14:
0x1a7: {  	v42 =	vld [tilespmem:s20+$0xFFFFFFF0];
	s18 =	sadd.s32 $0x2, s18;
	v26 =	vadd.f32 v26, v35;
	v41 =	vmin.f32 v41, v40;
	v20 =	vadd.f32 v20, v32;
	s17 =	sadd.s32 $0x20, s17  }
0x1a8: {  	v15 =	vmin.f32 v15, v34;
	v24 =	vmin.f32 v24, v33;
	v13 =	vadd.f32 v30, v13;
	v43 =	vld [tilespmem:s19+$0x0];
	p0 =	slt.u32 s18, $0x1F2  }
0x1a9: {  	v23 =	vadd.f32 v37, v23;
	v33 =	vld [tilespmem:s20+$0x0];
	v26 =	vmin.f32 v28, v26;
	v20 =	vadd.f32 v20, v39  }
0x1aa: {  	v22 =	vmin.f32 v22, v31;
	v19 =	vadd.f32 v29, v19;
	v34 =	vld [tilespmem:s19+$0xFFFFFFF0];
	v28 =	vmin.f32 v26, v36  }
0x1ab: {  	v22 =	vmin.f32 v22, v13;
	v24 =	vmin.f32 v24, v23;
	v36 =	vld [tilespmem:s17+$0xFFFFFFF0];
	v15 =	vmin.f32 v15, v20  }
0x1ac: {  	v21 =	vadd.f32 v38, v21;
	v23 =	vmul.f32 v42, v0;
	v29 =	vmul.f32 v42, v5  }
0x1ad: {  	v27 =	vmin.f32 v27, v19;
	v30 =	vmul.f32 v42, v1;
	v20 =	vld [tilespmem:s17+$0x0];
	v13 =	vmul.f32 v43, v9  }
0x1ae: {  	v25 =	vmin.f32 v25, v21;
	v19 =	vmul.f32 v42, v3;
	v37 =	vmul.f32 v43, v6  }
0x1af: {  	v21 =	vmul.f32 v42, v4;
	v38 =	vmul.f32 v34, v7  }
0x1b0: {  	v40 =	vmul.f32 v43, v7;
	v39 =	vmul.f32 v34, v10;
	v31 =	vadd.f32 v36, v19  }
0x1b1: {  	v45 =	vmul.f32 v43, v11;
	v32 =	vmul.f32 v34, v8;
	v44 =	vadd.f32 v36, v21  }
0x1b2: {  	v35 =	vmul.f32 v42, v2;
	v26 =	vadd.f32 v36, v23;
	v19 =	vmul.f32 v43, v8  }
0x1b3: {  	v48 =	vmul.f32 v33, v4;
	v46 =	vmul.f32 v34, v12;
	v47 =	vadd.f32 v36, v29  }
0x1b4: {  	v49 =	vmul.f32 v42, v14;
	v29 =	vadd.f32 v36, v30;
	v21 =	vmul.f32 v43, v12  }
0x1b5: {  	v30 =	vmul.f32 v33, v3;
	v23 =	vmul.f32 v43, v10;
	v31 =	vadd.f32 v31, v32  }
0x1b6: {  	v50 =	vmul.f32 v33, v16;
	v29 =	vadd.f32 v29, v46;
	v46 =	vmul.f32 v33, v0  }
0x1b7: {  	v51 =	vadd.f32 v36, v35;
	v32 =	vmul.f32 v42, v16;
	v42 =	vmul.f32 v33, v14  }
0x1b8: {  	v35 =	vmul.f32 v34, v11;
	v25 =	vmin.f32 v25, v29;
	v29 =	vadd.f32 v20, v30  }
0x1b9: {  	v52 =	vadd.f32 v36, v32;
	v32 =	vmul.f32 v33, v2;
	v30 =	vadd.f32 v20, v48  }
0x1ba: {  	v27 =	vmin.f32 v27, v31;
	v31 =	vmul.f32 v34, v9;
	v48 =	vadd.f32 v20, v50  }
0x1bb: {  	v50 =	vmul.f32 v34, v17;
	v46 =	vadd.f32 v20, v46;
	v52 =	vadd.f32 v52, v35  }
0x1bc: {  	v35 =	vmul.f32 v34, v6;
	v31 =	vadd.f32 v44, v31;
	v44 =	vadd.f32 v48, v45  }
.Ltmp6:
0x1bd: {  	v36 =	vadd.f32 v36, v49;
	v45 =	vmul.f32 v33, v5;
	v18 =	vmin.f32 v18, v52;
	(pc) =	sbr.rel @p0 .LBB2_14-.Ltmp6, $4  }
0x1be: {  	v42 =	vadd.f32 v20, v42;
	v34 =	vadd.f32 v51, v50;
	v18 =	vmin.f32 v18, v44  }
0x1bf: {  	v38 =	vadd.f32 v36, v38;
	v36 =	vadd.f32 v46, v37;
	v37 =	vmul.f32 v33, v1  }
0x1c0: {  	v33 =	vadd.f32 v47, v39;
	v40 =	vadd.f32 v42, v40;
	v39 =	vmul.f32 v43, v17  }
0x1c1: {  	s20 =	sadd.s32 $0x20, s20;
	s19 =	sadd.s32 $0x20, s19;
	v41 =	vmin.f32 v41, v38;
	v38 =	vadd.f32 v20, v37;
	v37 =	vadd.f32 v20, v45  }
0x1c2: {  	v0 =	vadd.f32 v26, v35  }
0x1c3: {  	v2 =	vadd.f32 v20, v32;
	v11 =	vld [tilespmem:$0x9900]  }
0x1c4: {  	v5 =	vmin.f32 v41, v40;
	[tilespmem:$0xB500] =	vst v18;
	v12 =	vld [tilespmem:$0x9780];
	v4 =	vadd.f32 v38, v21;
	v1 =	vmin.f32 v28, v0  }
0x1c5: {  	[tilespmem:$0xB300] =	vst v5;
	v0 =	vld [tilespmem:$0x7680];
	v6 =	vadd.f32 v2, v39;
	v3 =	vmin.f32 v1, v36  }
0x1c6: {  	v7 =	vmin.f32 v15, v34;
	v8 =	vadd.f32 v29, v19;
	v1 =	vld [tilespmem:$0x7780];
	v4 =	vmin.f32 v25, v4;
	[tilespmem:$0xB280] =	vst v3  }
0x1c7: {  	v3 =	vld [tilespmem:$0x7880];
	v5 =	vmin.f32 v7, v6;
	[tilespmem:$0xB380] =	vst v4;
	v7 =	vadd.f32 v30, v13  }
0x1c8: {  	v9 =	vmin.f32 v22, v31;
	v4 =	vld [tilespmem:$0x7980];
	v6 =	vmin.f32 v27, v8;
	v8 =	vadd.f32 v37, v23;
	[tilespmem:$0xB400] =	vst v5  }
0x1c9: {  	v10 =	vmin.f32 v24, v33;
	v5 =	vld [tilespmem:$0x7A00];
	[tilespmem:$0xB480] =	vst v6;
	v9 =	vmin.f32 v9, v7  }
0x1ca: {  	v6 =	vld [tilespmem:$0x9680];
	v10 =	vmin.f32 v10, v8;
	[tilespmem:$0xB580] =	vst v9  }
0x1cb: {  	s18 =	simm.s32 $0x10;
	v7 =	vld [tilespmem:$0x9700];
	[tilespmem:$0xB600] =	vst v10  }
0x1cc: {  	v18 =	vld [tilespmem:s18+$0xFFFFFFF0]  }
0x1cd: {  	s19 =	simm.s32 $0x1F90;
	v9 =	vld [tilespmem:$0x9980]  }
0x1ce: {  	v22 =	vld [tilespmem:s19+$0x0]  }
0x1cf: {  	v24 =	vld [tilespmem:s19+$0xFFFFFFF0]  }
0x1d0: {  	v10 =	vld [tilespmem:$0x9A00]  }
0x1d1: {  	v8 =	vld [tilespmem:$0x9880];
	v17 =	vmul.f32 v18, v0  }
0x1d2: {  	v2 =	vld [tilespmem:$0x7800];
	v21 =	vmul.f32 v18, v5;
	v23 =	vmul.f32 v18, v1  }
0x1d3: {  	v33 =	vld [tilespmem:s18+$0x0];
	v13 =	vmul.f32 v22, v9;
	v16 =	vmul.f32 v18, v3  }
0x1d4: {  	s17 =	simm.s32 $0x3F10;
	v14 =	vld [tilespmem:$0x7700];
	v52 =	vmul.f32 v22, v6;
	v53 =	vmul.f32 v24, v7  }
0x1d5: {  	v28 =	vld [tilespmem:s17+$0xFFFFFFF0];
	v19 =	vmul.f32 v18, v4;
	v54 =	vmul.f32 v24, v10  }
0x1d6: {  	v55 =	vmul.f32 v22, v7;
	v27 =	vmul.f32 v24, v8  }
0x1d7: {  	v56 =	vmul.f32 v22, v11;
	v29 =	vmul.f32 v18, v2  }
0x1d8: {  	v30 =	vmul.f32 v24, v12;
	v58 =	vmul.f32 v33, v4  }
0x1d9: {  	v15 =	vimm.f32 $+Inf;
	v20 =	vld [tilespmem:s17+$0x0];
	v59 =	vmul.f32 v18, v14;
	v42 =	vmul.f32 v33, v3  }
0x1da: {  	v43 =	vmul.f32 v33, v0;
	v46 =	vmul.f32 v33, v14;
	v25 =	vadd.f32 v28, v16;
	v16 =	vld [tilespmem:$0x7900]  }
0x1db: {  	v47 =	vmul.f32 v24, v11;
	v32 =	vmul.f32 v33, v2;
	v31 =	vadd.f32 v28, v19  }
0x1dc: {  	v61 =	vmul.f32 v24, v9;
	v26 =	vadd.f32 v28, v17;
	v57 =	vadd.f32 v28, v21  }
0x1dd: {  	v62 =	vmul.f32 v33, v5;
	v60 =	vadd.f32 v28, v23;
	v45 =	vadd.f32 v28, v29  }
0x1de: {  	v35 =	vmul.f32 v24, v6;
	v29 =	vadd.f32 v20, v42;
	v43 =	vadd.f32 v20, v43  }
0x1df: {  	v17 =	vld [tilespmem:$0x9800];
	v63 =	vadd.f32 v20, v46;
	v37 =	vadd.f32 v20, v62;
	v18 =	vmul.f32 v18, v16  }
0x1e0: {  	v27 =	vadd.f32 v25, v27;
	v25 =	vadd.f32 v60, v30;
	v44 =	vmul.f32 v33, v16  }
0x1e1: {  	v19 =	vmul.f32 v22, v8;
	v30 =	vadd.f32 v20, v58;
	v18 =	vadd.f32 v28, v18  }
0x1e2: {  	v21 =	vmul.f32 v22, v12;
	v31 =	vadd.f32 v31, v61;
	v44 =	vadd.f32 v20, v44  }
0x1e3: {  	v23 =	vmul.f32 v22, v10;
	v36 =	vadd.f32 v43, v52;
	v18 =	vadd.f32 v18, v47  }
0x1e4: {  	v48 =	vmul.f32 v24, v17;
	v28 =	vadd.f32 v28, v59;
	v24 =	vadd.f32 v44, v56  }
0x1e5: {  	v40 =	vadd.f32 v63, v55;
	v25 =	vmin.f32 v15, v25;
	v18 =	vmin.f32 v15, v18  }
0x1e6: {  	v27 =	vmin.f32 v15, v27;
	v18 =	vmin.f32 v18, v24;
	v24 =	vadd.f32 v28, v53  }
0x1e7: {  	v39 =	vmul.f32 v22, v17;
	v22 =	vimm.f32 $+Inf;
	v28 =	vmul.f32 v33, v1  }
0x1e8: {  	v34 =	vadd.f32 v45, v48;
	v33 =	vadd.f32 v57, v54;
	v41 =	vmin.f32 v15, v24  }
0x1e9: {  	s20 =	simm.s32 $0x30;
	s18 =	simm.s32 $0x0;
	s19 =	simm.s32 $0x1FB0;
	v38 =	vadd.f32 v20, v28;
	v24 =	vimm.f32 $+Inf;
	v28 =	vimm.f32 $+Inf  }
.LBB2_16:
0x1ea: {  	v42 =	vld [tilespmem:s20+$0xFFFFFFF0];
	s18 =	sadd.s32 $0x2, s18;
	v26 =	vadd.f32 v26, v35;
	v41 =	vmin.f32 v41, v40;
	v20 =	vadd.f32 v20, v32;
	s17 =	sadd.s32 $0x20, s17  }
0x1eb: {  	v15 =	vmin.f32 v15, v34;
	v24 =	vmin.f32 v24, v33;
	v13 =	vadd.f32 v30, v13;
	v43 =	vld [tilespmem:s19+$0x0];
	p0 =	slt.u32 s18, $0x1F2  }
0x1ec: {  	v23 =	vadd.f32 v37, v23;
	v33 =	vld [tilespmem:s20+$0x0];
	v26 =	vmin.f32 v28, v26;
	v20 =	vadd.f32 v20, v39  }
0x1ed: {  	v22 =	vmin.f32 v22, v31;
	v19 =	vadd.f32 v29, v19;
	v34 =	vld [tilespmem:s19+$0xFFFFFFF0];
	v28 =	vmin.f32 v26, v36  }
0x1ee: {  	v22 =	vmin.f32 v22, v13;
	v24 =	vmin.f32 v24, v23;
	v36 =	vld [tilespmem:s17+$0xFFFFFFF0];
	v15 =	vmin.f32 v15, v20  }
0x1ef: {  	v21 =	vadd.f32 v38, v21;
	v23 =	vmul.f32 v42, v0;
	v29 =	vmul.f32 v42, v5  }
0x1f0: {  	v27 =	vmin.f32 v27, v19;
	v30 =	vmul.f32 v42, v1;
	v20 =	vld [tilespmem:s17+$0x0];
	v13 =	vmul.f32 v43, v9  }
0x1f1: {  	v25 =	vmin.f32 v25, v21;
	v19 =	vmul.f32 v42, v3;
	v37 =	vmul.f32 v43, v6  }
0x1f2: {  	v21 =	vmul.f32 v42, v4;
	v38 =	vmul.f32 v34, v7  }
0x1f3: {  	v40 =	vmul.f32 v43, v7;
	v39 =	vmul.f32 v34, v10;
	v31 =	vadd.f32 v36, v19  }
0x1f4: {  	v45 =	vmul.f32 v43, v11;
	v32 =	vmul.f32 v34, v8;
	v44 =	vadd.f32 v36, v21  }
0x1f5: {  	v35 =	vmul.f32 v42, v2;
	v26 =	vadd.f32 v36, v23;
	v19 =	vmul.f32 v43, v8  }
0x1f6: {  	v48 =	vmul.f32 v33, v4;
	v46 =	vmul.f32 v34, v12;
	v47 =	vadd.f32 v36, v29  }
0x1f7: {  	v49 =	vmul.f32 v42, v14;
	v29 =	vadd.f32 v36, v30;
	v21 =	vmul.f32 v43, v12  }
0x1f8: {  	v30 =	vmul.f32 v33, v3;
	v23 =	vmul.f32 v43, v10;
	v31 =	vadd.f32 v31, v32  }
0x1f9: {  	v50 =	vmul.f32 v33, v16;
	v29 =	vadd.f32 v29, v46;
	v46 =	vmul.f32 v33, v0  }
0x1fa: {  	v51 =	vadd.f32 v36, v35;
	v32 =	vmul.f32 v42, v16;
	v42 =	vmul.f32 v33, v14  }
0x1fb: {  	v35 =	vmul.f32 v34, v11;
	v25 =	vmin.f32 v25, v29;
	v29 =	vadd.f32 v20, v30  }
0x1fc: {  	v52 =	vadd.f32 v36, v32;
	v32 =	vmul.f32 v33, v2;
	v30 =	vadd.f32 v20, v48  }
0x1fd: {  	v27 =	vmin.f32 v27, v31;
	v31 =	vmul.f32 v34, v9;
	v48 =	vadd.f32 v20, v50  }
0x1fe: {  	v50 =	vmul.f32 v34, v17;
	v46 =	vadd.f32 v20, v46;
	v52 =	vadd.f32 v52, v35  }
0x1ff: {  	v35 =	vmul.f32 v34, v6;
	v31 =	vadd.f32 v44, v31;
	v44 =	vadd.f32 v48, v45  }
.Ltmp7:
0x200: {  	v36 =	vadd.f32 v36, v49;
	v45 =	vmul.f32 v33, v5;
	v18 =	vmin.f32 v18, v52;
	(pc) =	sbr.rel @p0 .LBB2_16-.Ltmp7, $4  }
0x201: {  	v42 =	vadd.f32 v20, v42;
	v34 =	vadd.f32 v51, v50;
	v18 =	vmin.f32 v18, v44  }
0x202: {  	v38 =	vadd.f32 v36, v38;
	v36 =	vadd.f32 v46, v37;
	v37 =	vmul.f32 v33, v1  }
0x203: {  	v33 =	vadd.f32 v47, v39;
	v40 =	vadd.f32 v42, v40;
	v39 =	vmul.f32 v43, v17  }
0x204: {  	s20 =	sadd.s32 $0x20, s20;
	s19 =	sadd.s32 $0x20, s19;
	v41 =	vmin.f32 v41, v38;
	v38 =	vadd.f32 v20, v37;
	v37 =	vadd.f32 v20, v45  }
0x205: {  	v0 =	vadd.f32 v26, v35  }
0x206: {  	v2 =	vadd.f32 v20, v32;
	v11 =	vld [tilespmem:$0x9D00]  }
0x207: {  	v5 =	vmin.f32 v41, v40;
	[tilespmem:$0xB900] =	vst v18;
	v12 =	vld [tilespmem:$0x9B80];
	v4 =	vadd.f32 v38, v21;
	v1 =	vmin.f32 v28, v0  }
0x208: {  	[tilespmem:$0xB700] =	vst v5;
	v0 =	vld [tilespmem:$0x7A80];
	v6 =	vadd.f32 v2, v39;
	v3 =	vmin.f32 v1, v36  }
0x209: {  	v7 =	vmin.f32 v15, v34;
	v8 =	vadd.f32 v29, v19;
	v1 =	vld [tilespmem:$0x7B80];
	v4 =	vmin.f32 v25, v4;
	[tilespmem:$0xB680] =	vst v3  }
0x20a: {  	v3 =	vld [tilespmem:$0x7C80];
	v5 =	vmin.f32 v7, v6;
	[tilespmem:$0xB780] =	vst v4;
	v7 =	vadd.f32 v30, v13  }
0x20b: {  	v9 =	vmin.f32 v22, v31;
	v4 =	vld [tilespmem:$0x7D80];
	v6 =	vmin.f32 v27, v8;
	v8 =	vadd.f32 v37, v23;
	[tilespmem:$0xB800] =	vst v5  }
0x20c: {  	v10 =	vmin.f32 v24, v33;
	v5 =	vld [tilespmem:$0x7E00];
	[tilespmem:$0xB880] =	vst v6;
	v9 =	vmin.f32 v9, v7  }
0x20d: {  	v6 =	vld [tilespmem:$0x9A80];
	v10 =	vmin.f32 v10, v8;
	[tilespmem:$0xB980] =	vst v9  }
0x20e: {  	s18 =	simm.s32 $0x10;
	v7 =	vld [tilespmem:$0x9B00];
	[tilespmem:$0xBA00] =	vst v10  }
0x20f: {  	v18 =	vld [tilespmem:s18+$0xFFFFFFF0]  }
0x210: {  	s19 =	simm.s32 $0x1F90;
	v9 =	vld [tilespmem:$0x9D80]  }
0x211: {  	v22 =	vld [tilespmem:s19+$0x0]  }
0x212: {  	v25 =	vld [tilespmem:s19+$0xFFFFFFF0]  }
0x213: {  	v10 =	vld [tilespmem:$0x9E00]  }
0x214: {  	v8 =	vld [tilespmem:$0x9C80];
	v17 =	vmul.f32 v18, v0  }
0x215: {  	v2 =	vld [tilespmem:$0x7C00];
	v21 =	vmul.f32 v18, v5;
	v23 =	vmul.f32 v18, v1  }
0x216: {  	v35 =	vld [tilespmem:s18+$0x0];
	v14 =	vmul.f32 v22, v9;
	v16 =	vmul.f32 v18, v3  }
0x217: {  	s17 =	simm.s32 $0x3F10;
	v13 =	vld [tilespmem:$0x7B00];
	v52 =	vmul.f32 v22, v6;
	v53 =	vmul.f32 v25, v7  }
0x218: {  	v27 =	vld [tilespmem:s17+$0xFFFFFFF0];
	v19 =	vmul.f32 v18, v4;
	v54 =	vmul.f32 v25, v10  }
0x219: {  	v55 =	vmul.f32 v22, v7;
	v28 =	vmul.f32 v25, v8  }
0x21a: {  	v56 =	vmul.f32 v22, v11;
	v29 =	vmul.f32 v18, v2  }
0x21b: {  	v30 =	vmul.f32 v25, v12;
	v58 =	vmul.f32 v35, v4  }
0x21c: {  	v15 =	vimm.f32 $+Inf;
	v20 =	vld [tilespmem:s17+$0x0];
	v59 =	vmul.f32 v18, v13;
	v42 =	vmul.f32 v35, v3  }
0x21d: {  	v43 =	vmul.f32 v35, v0;
	v46 =	vmul.f32 v35, v13;
	v24 =	vadd.f32 v27, v16;
	v16 =	vld [tilespmem:$0x7D00]  }
0x21e: {  	v47 =	vmul.f32 v25, v11;
	v32 =	vmul.f32 v35, v2;
	v31 =	vadd.f32 v27, v19  }
0x21f: {  	v61 =	vmul.f32 v25, v9;
	v26 =	vadd.f32 v27, v17;
	v57 =	vadd.f32 v27, v21  }
0x220: {  	v62 =	vmul.f32 v35, v5;
	v60 =	vadd.f32 v27, v23;
	v45 =	vadd.f32 v27, v29  }
0x221: {  	v34 =	vmul.f32 v25, v6;
	v29 =	vadd.f32 v20, v42;
	v43 =	vadd.f32 v20, v43  }
0x222: {  	v17 =	vld [tilespmem:$0x9C00];
	v63 =	vadd.f32 v20, v46;
	v38 =	vadd.f32 v20, v62;
	v18 =	vmul.f32 v18, v16  }
0x223: {  	v28 =	vadd.f32 v24, v28;
	v24 =	vadd.f32 v60, v30;
	v44 =	vmul.f32 v35, v16  }
0x224: {  	v19 =	vmul.f32 v22, v8;
	v30 =	vadd.f32 v20, v58;
	v18 =	vadd.f32 v27, v18  }
0x225: {  	v21 =	vmul.f32 v22, v12;
	v31 =	vadd.f32 v31, v61;
	v44 =	vadd.f32 v20, v44  }
0x226: {  	v23 =	vmul.f32 v22, v10;
	v36 =	vadd.f32 v43, v52;
	v18 =	vadd.f32 v18, v47  }
0x227: {  	v48 =	vmul.f32 v25, v17;
	v27 =	vadd.f32 v27, v59;
	v25 =	vadd.f32 v44, v56  }
0x228: {  	v40 =	vadd.f32 v63, v55;
	v24 =	vmin.f32 v15, v24;
	v18 =	vmin.f32 v15, v18  }
0x229: {  	v28 =	vmin.f32 v15, v28;
	v18 =	vmin.f32 v18, v25;
	v25 =	vadd.f32 v27, v53  }
0x22a: {  	v39 =	vmul.f32 v22, v17;
	v22 =	vimm.f32 $+Inf;
	v27 =	vmul.f32 v35, v1  }
0x22b: {  	v33 =	vadd.f32 v45, v48;
	v35 =	vadd.f32 v57, v54;
	v41 =	vmin.f32 v15, v25  }
0x22c: {  	s20 =	simm.s32 $0x30;
	s18 =	simm.s32 $0x0;
	s19 =	simm.s32 $0x1FB0;
	v37 =	vadd.f32 v20, v27;
	v25 =	vimm.f32 $+Inf;
	v27 =	vimm.f32 $+Inf  }
.LBB2_18:
0x22d: {  	v42 =	vld [tilespmem:s20+$0xFFFFFFF0];
	s18 =	sadd.s32 $0x2, s18;
	v26 =	vadd.f32 v26, v34;
	v41 =	vmin.f32 v41, v40;
	v20 =	vadd.f32 v20, v32;
	s17 =	sadd.s32 $0x20, s17  }
0x22e: {  	v15 =	vmin.f32 v15, v33;
	v25 =	vmin.f32 v25, v35;
	v14 =	vadd.f32 v30, v14;
	v43 =	vld [tilespmem:s19+$0x0];
	p0 =	slt.u32 s18, $0x1F2  }
0x22f: {  	v23 =	vadd.f32 v38, v23;
	v35 =	vld [tilespmem:s20+$0x0];
	v26 =	vmin.f32 v27, v26;
	v20 =	vadd.f32 v20, v39  }
0x230: {  	v22 =	vmin.f32 v22, v31;
	v19 =	vadd.f32 v29, v19;
	v33 =	vld [tilespmem:s19+$0xFFFFFFF0];
	v27 =	vmin.f32 v26, v36  }
0x231: {  	v22 =	vmin.f32 v22, v14;
	v25 =	vmin.f32 v25, v23;
	v36 =	vld [tilespmem:s17+$0xFFFFFFF0];
	v15 =	vmin.f32 v15, v20  }
0x232: {  	v21 =	vadd.f32 v37, v21;
	v23 =	vmul.f32 v42, v0;
	v29 =	vmul.f32 v42, v5  }
0x233: {  	v28 =	vmin.f32 v28, v19;
	v30 =	vmul.f32 v42, v1;
	v20 =	vld [tilespmem:s17+$0x0];
	v14 =	vmul.f32 v43, v9  }
0x234: {  	v24 =	vmin.f32 v24, v21;
	v19 =	vmul.f32 v42, v3;
	v37 =	vmul.f32 v43, v6  }
0x235: {  	v21 =	vmul.f32 v42, v4;
	v38 =	vmul.f32 v33, v7  }
0x236: {  	v40 =	vmul.f32 v43, v7;
	v39 =	vmul.f32 v33, v10;
	v31 =	vadd.f32 v36, v19  }
0x237: {  	v45 =	vmul.f32 v43, v11;
	v32 =	vmul.f32 v33, v8;
	v44 =	vadd.f32 v36, v21  }
0x238: {  	v34 =	vmul.f32 v42, v2;
	v26 =	vadd.f32 v36, v23;
	v19 =	vmul.f32 v43, v8  }
0x239: {  	v48 =	vmul.f32 v35, v4;
	v46 =	vmul.f32 v33, v12;
	v47 =	vadd.f32 v36, v29  }
0x23a: {  	v49 =	vmul.f32 v42, v13;
	v29 =	vadd.f32 v36, v30;
	v21 =	vmul.f32 v43, v12  }
0x23b: {  	v30 =	vmul.f32 v35, v3;
	v23 =	vmul.f32 v43, v10;
	v31 =	vadd.f32 v31, v32  }
0x23c: {  	v50 =	vmul.f32 v35, v16;
	v29 =	vadd.f32 v29, v46;
	v46 =	vmul.f32 v35, v0  }
0x23d: {  	v51 =	vadd.f32 v36, v34;
	v32 =	vmul.f32 v42, v16;
	v42 =	vmul.f32 v35, v13  }
0x23e: {  	v34 =	vmul.f32 v33, v11;
	v24 =	vmin.f32 v24, v29;
	v29 =	vadd.f32 v20, v30  }
0x23f: {  	v52 =	vadd.f32 v36, v32;
	v32 =	vmul.f32 v35, v2;
	v30 =	vadd.f32 v20, v48  }
0x240: {  	v28 =	vmin.f32 v28, v31;
	v31 =	vmul.f32 v33, v9;
	v48 =	vadd.f32 v20, v50  }
0x241: {  	v50 =	vmul.f32 v33, v17;
	v46 =	vadd.f32 v20, v46;
	v52 =	vadd.f32 v52, v34  }
0x242: {  	v34 =	vmul.f32 v33, v6;
	v31 =	vadd.f32 v44, v31;
	v44 =	vadd.f32 v48, v45  }
.Ltmp8:
0x243: {  	v36 =	vadd.f32 v36, v49;
	v45 =	vmul.f32 v35, v5;
	v18 =	vmin.f32 v18, v52;
	(pc) =	sbr.rel @p0 .LBB2_18-.Ltmp8, $4  }
0x244: {  	v42 =	vadd.f32 v20, v42;
	v33 =	vadd.f32 v51, v50;
	v18 =	vmin.f32 v18, v44  }
0x245: {  	v38 =	vadd.f32 v36, v38;
	v36 =	vadd.f32 v46, v37;
	v37 =	vmul.f32 v35, v1  }
0x246: {  	v35 =	vadd.f32 v47, v39;
	v40 =	vadd.f32 v42, v40;
	v39 =	vmul.f32 v43, v17  }
0x247: {  	s20 =	sadd.s32 $0x20, s20;
	s19 =	sadd.s32 $0x20, s19;
	v41 =	vmin.f32 v41, v38;
	v37 =	vadd.f32 v20, v37;
	v38 =	vadd.f32 v20, v45  }
0x248: {  	v0 =	vadd.f32 v26, v34;
	v4 =	vadd.f32 v29, v19  }
0x249: {  	v1 =	vadd.f32 v20, v32;
	v3 =	vmin.f32 v41, v40;
	[tilespmem:$0xBD00] =	vst v18  }
0x24a: {  	v2 =	vadd.f32 v37, v21;
	[tilespmem:$0xBB00] =	vst v3;
	v0 =	vmin.f32 v27, v0;
	v60 =	vmin.f32 v28, v4  }
0x24b: {  	v1 =	vadd.f32 v1, v39;
	v0 =	vmin.f32 v0, v36;
	[tilespmem:$0xBC80] =	vst v60  }
0x24c: {  	v58 =	vmin.f32 v15, v33;
	v59 =	vadd.f32 v30, v14;
	v2 =	vmin.f32 v24, v2;
	[tilespmem:$0xBA80] =	vst v0  }
0x24d: {  	v62 =	vmin.f32 v22, v31;
	v61 =	vadd.f32 v38, v23;
	v0 =	vmin.f32 v58, v1;
	[tilespmem:$0xBB80] =	vst v2  }
0x24e: {  	v63 =	vmin.f32 v25, v35;
	s16 =	sadd.s32 $0x1, s16;
	v1 =	vmin.f32 v62, v59;
	[tilespmem:$0xBC00] =	vst v0  }
0x24f: {  	p0 =	sne.s32 s16, s8;
	v0 =	vmin.f32 v63, v61;
	[tilespmem:$0xBD80] =	vst v1  }
.Ltmp9:
0x250: {  	[tilespmem:$0xBE00] =	vst v0;
	(pc) =	sbr.rel @p0 .LBB2_1-.Ltmp9, $4  }
0x251: {  	[hbm4b:s7+s1] =	stream.linear.scatter [tilespmem:s15], [sflag:$0x1], $0x2000, $0x38;
	[tilespmem:$0xBE80] =	vst v63  }
0x252: {  	_ =	swait.ge [sflag:s11], $0x2000  }
0x253: {  	[sflag:s11] =	ssyncset.done $0x0  }
0x254: {  	[sflag:s11] =	ssyncadd.s32 $0xFFFFE000  }
0x255: {  	_ =	sfence.sel $0x180000  }
0x256: {  	[bflag:$0x0] =	sbarrier.arrive $0xFFFF  }
0x257: {  	p0 =	sne.s32 s2, $0x0;
	_ =	strace $0x90000047  }
0x258: {  	s0 =	sadd.s32 @!p0 $0x100000, s0;
	[bflag:$0x2] =	sbarrier.arrive $0xFFFF  }
0x259: {  	[sflag:s0] =	ssyncadd.tile.s32 @!p0 $0x1;
	_ =	shalt  }
.Lfunc_end2:
_tile_overlayer_lowered:
.L_overlay_start_2:
0x25a: {  	(tag) =	ssettag $0x2  }
0x25b: {  	s0 =	rddreg [dreg:$0x0];
	s2 =	stileid.u32  }
0x25c: {  	s1 =	rddreg [dreg:$0x1];
	p0 =	sne.s32 s2, $0x0  }
0x25d: {  	s3 =	rddreg [dreg:$0x2];
	[bflag:$0x3] =	sbarrier.arrive $0xFFFF;
	s2 =	simm.s32 @!p0 $0x1C01  }
0x25e: {  	[timem:s3], [sflag:s2] =	dma.local @!p0 [hbm:s0], s1  }
0x25f: {  	s0 =	simm.s32 @!p0 $0x1  }
0x260: {  	_ =	swait.ge @!p0 [sflag:s0], s1  }
0x261: {  	s1 =	ssub.s32 @!p0 $0x0, s1;
	[sflag:s0] =	ssyncset.done @!p0 $0x0  }
0x262: {  	[sflag:s0] =	ssyncadd.s32 @!p0 s1  }
0x263: {  	[bflag:$0x3] =	sbarrier.arrive $0xFFFF  }
0x264: {  	_ =	shalt  }

</sc_bundles>
